<compile_context>
chip_gen: v7x
topology: tpu7x:2x2x1
jax: 0.10.2.dev20260603
libtpu: 0.0.44.dev20260713+nightly
codegen_flags: <defaults>
</compile_context>

<pallas_src>
import functools

import jax
import jax.numpy as jnp
from jax import lax
from jax.experimental import pallas as pl
from jax.experimental.pallas import tpu as pltpu
from jax.experimental.pallas import tpu_sc as plsc

N = 50000
E = 100000
B = 1024
H = 32

NPAD = 50176
EPAD = 102400
NW = 32
NCHUNK = 25
CW = 128
MOLR = 1280

_SC_PARAMS = pltpu.CompilerParams(use_tc_tiling_on_sc=False)

TN = 2000
TE = 512



def _h0_body(nf_ref, w_ref, b_ref, o_ref):
    o_ref[...] = jax.nn.relu(
        jnp.dot(nf_ref[...], w_ref[...], preferred_element_type=jnp.float32)
        + b_ref[...])


def _tc_h0(nf, W_proj, b_proj):
    return pl.pallas_call(
        _h0_body,
        grid=(N // TN,),
        in_specs=[
            pl.BlockSpec((TN, nf.shape[1]), lambda i: (i, 0)),
            pl.BlockSpec((nf.shape[1], H), lambda i: (0, 0)),
            pl.BlockSpec((1, H), lambda i: (0, 0)),
        ],
        out_specs=pl.BlockSpec((TN, H), lambda i: (i, 0)),
        out_shape=jax.ShapeDtypeStruct((N, H), jnp.float32),
    )(nf, W_proj, b_proj)


def _edge_body(ef_ref, hs_ref, w1_ref, b1_ref, w2_ref, r_ref, s4_ref, b2m_ref,
               o_ref):
    e1 = jax.nn.relu(
        jnp.dot(ef_ref[...], w1_ref[...], preferred_element_type=jnp.float32)
        + b1_ref[...])
    A = jnp.dot(e1.astype(jnp.bfloat16), w2_ref[...],
                preferred_element_type=jnp.float32)
    hs = hs_ref[...]
    hrep = jnp.dot(hs.astype(jnp.bfloat16), r_ref[...],
                   preferred_element_type=jnp.float32)
    P = hrep * A
    acc = (P[:, 0:128] + P[:, 128:256] + P[:, 256:384] + P[:, 384:512]
           + P[:, 512:640] + P[:, 640:768] + P[:, 768:896] + P[:, 896:1024])
    o_ref[...] = (
        jnp.dot(acc, s4_ref[...], preferred_element_type=jnp.float32)
        + jnp.dot(hs, b2m_ref[...], preferred_element_type=jnp.float32))


def _edge_ee_body(ef_ref, hs_ref, w1_ref, b1_ref, w2_ref, r_ref, s4_ref,
                  b2m_ref, wpe_ref, bpe_ref, o_ref, ee_ref):
    _edge_body(ef_ref, hs_ref, w1_ref, b1_ref, w2_ref, r_ref, s4_ref, b2m_ref,
               o_ref)
    ee_ref[...] = jax.nn.relu(
        jnp.dot(ef_ref[...], wpe_ref[...], preferred_element_type=jnp.float32)
        + bpe_ref[...])


def _tc_edge(ef, hs, W_e1, b_e1, W_e2b, Rm, S4m, B2m, W_pe=None, b_pe=None):
    fin = W_pe is not None
    ncols = ef.shape[1]
    in_specs = [
        pl.BlockSpec((TE, ncols), lambda i: (i, 0)),
        pl.BlockSpec((TE, H), lambda i: (i, 0)),
        pl.BlockSpec((ncols, 128), lambda i: (0, 0)),
        pl.BlockSpec((1, 128), lambda i: (0, 0)),
        pl.BlockSpec((128, H * H), lambda i: (0, 0)),
        pl.BlockSpec((H, H * H), lambda i: (0, 0)),
        pl.BlockSpec((128, H), lambda i: (0, 0)),
        pl.BlockSpec((H, H), lambda i: (0, 0)),
    ]
    args = [ef, hs, W_e1, b_e1, W_e2b, Rm, S4m, B2m]
    out_specs = pl.BlockSpec((TE, H), lambda i: (i, 0))
    out_shape = jax.ShapeDtypeStruct((EPAD, H), jnp.float32)
    if fin:
        in_specs += [pl.BlockSpec((ncols, H), lambda i: (0, 0)),
                     pl.BlockSpec((1, H), lambda i: (0, 0))]
        args += [W_pe, b_pe]
        out_specs = (out_specs, pl.BlockSpec((TE, H), lambda i: (i, 0)))
        out_shape = (out_shape, jax.ShapeDtypeStruct((EPAD, H), jnp.float32))
    return pl.pallas_call(
        _edge_ee_body if fin else _edge_body,
        grid=(-(-E // TE),),
        in_specs=in_specs,
        out_specs=out_specs,
        out_shape=out_shape,
    )(*args)


def _gru_body(a0_ref, a1_ref, h_ref, wir, wiz, win, whr, whz, whn, bi, bh, o_ref):
    h = h_ref[...]
    m = jax.nn.relu(a0_ref[...] + a1_ref[...]) + h

    def mm(x, w):
        return jnp.dot(x, w[...], preferred_element_type=jnp.float32)

    r = jax.nn.sigmoid(mm(m, wir) + bi[:, 0:H] + mm(h, whr) + bh[:, 0:H])
    z = jax.nn.sigmoid(mm(m, wiz) + bi[:, H:2 * H] + mm(h, whz) + bh[:, H:2 * H])
    n = jnp.tanh(mm(m, win) + bi[:, 2 * H:] + r * (mm(h, whn) + bh[:, 2 * H:]))
    o_ref[...] = (1.0 - z) * n + z * h


def _tc_gru(a0, a1, h, Wsplits, b_ih, b_hh):
    wir, wiz, win, whr, whz, whn = Wsplits
    specs = [pl.BlockSpec((TN, H), lambda i: (i, 0))] * 3
    specs += [pl.BlockSpec((H, H), lambda i: (0, 0))] * 6
    specs += [pl.BlockSpec((1, 3 * H), lambda i: (0, 0))] * 2
    return pl.pallas_call(
        _gru_body,
        grid=(N // TN,),
        in_specs=specs,
        out_specs=pl.BlockSpec((TN, H), lambda i: (i, 0)),
        out_shape=jax.ShapeDtypeStruct((N, H), jnp.float32),
    )(a0, a1, h, wir, wiz, win, whr, whz, whn, b_ih, b_hh)


def _final_body(molA_ref, molB_ref, fp_ref, wfp_ref, bfp_ref, g_ref, be_ref,
                wf1a_ref, wf1b_ref, wf1c_ref, bf1_ref, wf2_ref, bf2_ref,
                wh_ref, bh_ref, o_ref):
    a = molA_ref[0, 0:B, :] + molA_ref[1, 0:B, :]
    b = molB_ref[0, 0:B, :] + molB_ref[1, 0:B, :]
    m = jnp.maximum(jnp.max(a, axis=1, keepdims=True),
                    jnp.max(b, axis=1, keepdims=True))
    ea = jnp.exp(a - m)
    eb = jnp.exp(b - m)
    s = jnp.sum(ea, axis=1, keepdims=True) + jnp.sum(eb, axis=1, keepdims=True)
    an = ea / s
    bn = eb / s
    x = jnp.dot(fp_ref[...], wfp_ref[...], preferred_element_type=jnp.float32) \
        + bfp_ref[...]
    mean = jnp.mean(x, axis=0, keepdims=True)
    var = jnp.mean(x * x, axis=0, keepdims=True) - mean * mean
    x = (x - mean) * jax.lax.rsqrt(var + 1e-5)
    x = jax.nn.relu(x * g_ref[...] + be_ref[...])

    def mm(p, w):
        return jnp.dot(p, w[...], preferred_element_type=jnp.float32)

    h1 = jax.nn.relu(mm(an, wf1a_ref) + mm(bn, wf1b_ref) + mm(x, wf1c_ref)
                     + bf1_ref[...])
    emb = mm(h1, wf2_ref) + bf2_ref[...]
    o_ref[...] = mm(emb, wh_ref) + bh_ref[...]


def _tc_final(molA2, molB2, fp, W_fp, b_fp, gam, bet,
              W_f1a, W_f1b, W_f1c, b_f1, W_f2, b_f2, W_head, b_head):
    args = (molA2, molB2, fp, W_fp, b_fp, gam, bet,
            W_f1a, W_f1b, W_f1c, b_f1, W_f2, b_f2, W_head, b_head)
    return pl.pallas_call(
        _final_body,
        in_specs=[pl.BlockSpec(a.shape, functools.partial(lambda r: (0,) * r, len(a.shape)))
                  for a in args],
        out_specs=pl.BlockSpec((B, W_head.shape[1]), lambda: (0, 0)),
        out_shape=jax.ShapeDtypeStruct((B, W_head.shape[1]), jnp.float32),
    )(*args)



def _sc_gather(h, idx3):
    mesh = plsc.VectorSubcoreMesh(core_axis_name="c", subcore_axis_name="s")

    @functools.partial(
        pl.kernel, mesh=mesh,
        out_type=jax.ShapeDtypeStruct((EPAD, H), jnp.float32),
        scratch_types=[
            pltpu.VMEM((NCHUNK, CW), jnp.int32),
            pltpu.VMEM((CW, H), jnp.float32),
            pltpu.SemaphoreType.DMA,
        ],
        compiler_params=_SC_PARAMS,
    )
    def k(h_hbm, idx_hbm, out_hbm, idx_v, rows_v, sem):
        c = lax.axis_index("c")
        s = lax.axis_index("s")
        wid = c * 16 + s
        pltpu.sync_copy(idx_hbm.at[wid], idx_v)

        def body(i, _):
            pltpu.async_copy(h_hbm.at[idx_v.at[i]], rows_v, sem).wait()
            pltpu.sync_copy(rows_v, out_hbm.at[pl.ds(wid * NCHUNK * CW + i * CW, CW)])
            return ()

        lax.fori_loop(0, NCHUNK, body, (), unroll=False)

    return k(h, idx3)


def _sc_scatter(msg, dst3, zeros_n):
    mesh = plsc.VectorSubcoreMesh(core_axis_name="c", subcore_axis_name="s")
    rows_per_tile = NPAD // 16

    @functools.partial(
        pl.kernel, mesh=mesh,
        out_type=jax.ShapeDtypeStruct((2, NPAD, H), jnp.float32),
        scratch_types=[
            pltpu.VMEM((NCHUNK, CW), jnp.int32),
            pltpu.VMEM((CW, H), jnp.float32),
            pltpu.VMEM_SHARED((NPAD, H), jnp.float32),
            pltpu.SemaphoreType.DMA,
        ],
        compiler_params=_SC_PARAMS,
    )
    def k(msg_hbm, idx_hbm, zero_hbm, out_hbm, idx_v, rows_v, acc, sem):
        c = lax.axis_index("c")
        s = lax.axis_index("s")
        wid = c * 16 + s
        pltpu.sync_copy(zero_hbm.at[pl.ds(0, rows_per_tile)],
                        acc.at[pl.ds(s * rows_per_tile, rows_per_tile)])
        pltpu.sync_copy(idx_hbm.at[wid], idx_v)
        plsc.subcore_barrier()

        def body(i, _):
            pltpu.async_copy(
                msg_hbm.at[pl.ds(wid * NCHUNK * CW + i * CW, CW)], rows_v, sem
            ).wait()
            pltpu.sync_copy(rows_v, acc.at[idx_v.at[i]], add=True)
            return ()

        lax.fori_loop(0, NCHUNK, body, (), unroll=False)
        plsc.subcore_barrier()
        pltpu.sync_copy(acc.at[pl.ds(s * rows_per_tile, rows_per_tile)],
                        out_hbm.at[c].at[pl.ds(s * rows_per_tile, rows_per_tile)])

    return k(msg, dst3, zeros_n)


def _sc_readout(h3, src3, dst3, ee, ngi, zeros_s):
    mesh = plsc.VectorSubcoreMesh(core_axis_name="c", subcore_axis_name="s")
    mol_per_tile = MOLR // 16
    rows_per_tile = NPAD // 16

    @functools.partial(
        pl.kernel, mesh=mesh,
        out_type=(jax.ShapeDtypeStruct((2, MOLR, H), jnp.float32),
                  jax.ShapeDtypeStruct((2, MOLR, H), jnp.float32)),
        scratch_types=[
            pltpu.VMEM((NCHUNK, CW), jnp.int32),
            pltpu.VMEM((NCHUNK, CW), jnp.int32),
            pltpu.VMEM((CW,), jnp.int32),
            pltpu.VMEM((CW, H), jnp.float32),
            pltpu.VMEM((CW, H), jnp.float32),
            pltpu.VMEM((NPAD // 16,), jnp.int32),
            pltpu.VMEM_SHARED((NPAD,), jnp.int32),
            pltpu.VMEM_SHARED((MOLR, H), jnp.float32),
            pltpu.VMEM_SHARED((MOLR, H), jnp.float32),
            pltpu.SemaphoreType.DMA,
        ],
        compiler_params=_SC_PARAMS,
    )
    def k(h_hbm, src_hbm, dst_hbm, ee_hbm, ngi_hbm, zero_hbm,
          outA_hbm, outB_hbm,
          src_v, dst_v, gid_v, hrows_v, erows_v, ngi_stage, ngi_sp,
          accA, accB, sem):
        c = lax.axis_index("c")
        s = lax.axis_index("s")
        wid = c * 16 + s
        pltpu.sync_copy(zero_hbm.at[pl.ds(0, mol_per_tile)],
                        accA.at[pl.ds(s * mol_per_tile, mol_per_tile)])
        pltpu.sync_copy(zero_hbm.at[pl.ds(0, mol_per_tile)],
                        accB.at[pl.ds(s * mol_per_tile, mol_per_tile)])
        pltpu.sync_copy(ngi_hbm.at[pl.ds(s * rows_per_tile, rows_per_tile)],
                        ngi_stage)
        pltpu.sync_copy(ngi_stage,
                        ngi_sp.at[pl.ds(s * rows_per_tile, rows_per_tile)])
        pltpu.sync_copy(src_hbm.at[wid], src_v)
        pltpu.sync_copy(dst_hbm.at[wid], dst_v)
        plsc.subcore_barrier()

        def body(i, _):
            pltpu.async_copy(h_hbm.at[src_v.at[i]], hrows_v, sem).wait()
            pltpu.async_copy(ngi_sp.at[dst_v.at[i]], gid_v, sem).wait()
            pltpu.async_copy(
                ee_hbm.at[pl.ds(wid * NCHUNK * CW + i * CW, CW)], erows_v, sem
            ).wait()
            pltpu.sync_copy(hrows_v, accA.at[gid_v], add=True)
            pltpu.sync_copy(erows_v, accB.at[gid_v], add=True)
            return ()

        lax.fori_loop(0, NCHUNK, body, (), unroll=False)
        plsc.subcore_barrier()
        pltpu.sync_copy(accA.at[pl.ds(s * mol_per_tile, mol_per_tile)],
                        outA_hbm.at[c].at[pl.ds(s * mol_per_tile, mol_per_tile)])
        pltpu.sync_copy(accB.at[pl.ds(s * mol_per_tile, mol_per_tile)],
                        outB_hbm.at[c].at[pl.ds(s * mol_per_tile, mol_per_tile)])

    return k(h3, src3, dst3, ee, ngi, zeros_s)



def kernel(node_feats, edge_feats, fp_vector, edge_index, node_graph_ids,
           W_proj, b_proj, W_e1, b_e1, W_e2, b_e2,
           W_ih, W_hh, b_ih, b_hh, W_pe, b_pe,
           W_fp, b_fp, bn_gamma, bn_beta,
           W_f1, b_f1, W_f2, b_f2, W_head, b_head):
    f32 = jnp.float32
    pad_src = jnp.arange(EPAD - E, dtype=jnp.int32) % 128
    pad_dst = N + jnp.arange(EPAD - E, dtype=jnp.int32) % (NPAD - N)
    src = jnp.concatenate([edge_index[0].astype(jnp.int32), pad_src])
    dst = jnp.concatenate([edge_index[1].astype(jnp.int32), pad_dst])
    src3 = src.reshape(NW, NCHUNK, CW)
    dst3 = dst.reshape(NW, NCHUNK, CW)
    ngi = jnp.concatenate([
        node_graph_ids.astype(jnp.int32),
        B + jnp.arange(NPAD - N, dtype=jnp.int32) % (MOLR - B)])
    zeros_s = jnp.zeros((NPAD // 16, H), f32)

    iota_c = jnp.arange(H * H, dtype=jnp.int32)
    Rm = (iota_c[None, :] // H == jnp.arange(H, dtype=jnp.int32)[:, None]
          ).astype(jnp.bfloat16)
    S4m = (jnp.arange(128, dtype=jnp.int32)[:, None] % H
           == jnp.arange(H, dtype=jnp.int32)[None, :]).astype(f32)
    B2m = b_e2.reshape(H, H)
    W_e2b = W_e2.astype(jnp.bfloat16)
    b_e1r = b_e1.reshape(1, -1)
    b_e2r = b_e2.reshape(1, -1)
    b_per = b_pe.reshape(1, -1)
    b_projr = b_proj.reshape(1, -1)
    Wsplits = (W_ih[:, 0:H], W_ih[:, H:2 * H], W_ih[:, 2 * H:],
               W_hh[:, 0:H], W_hh[:, H:2 * H], W_hh[:, 2 * H:])
    b_ihr = b_ih.reshape(1, -1)
    b_hhr = b_hh.reshape(1, -1)
    W_f1a = W_f1[0:H]
    W_f1b = W_f1[H:2 * H]
    W_f1c = W_f1[2 * H:]

    h = _tc_h0(node_feats, W_proj, b_projr)
    edge_emb = None
    for step in range(3):
        hs = _sc_gather(h, src3)
        if step < 2:
            msg = _tc_edge(edge_feats, hs, W_e1, b_e1r, W_e2b, Rm, S4m, B2m)
        else:
            msg, edge_emb = _tc_edge(edge_feats, hs, W_e1, b_e1r, W_e2b, Rm,
                                     S4m, B2m, W_pe, b_per)
        agg2 = _sc_scatter(msg, dst3, zeros_s)
        h = _tc_gru(agg2[0], agg2[1], h, Wsplits, b_ihr, b_hhr)
    molA2, molB2 = _sc_readout(h, src3, dst3, edge_emb, ngi, zeros_s)
    return _tc_final(molA2, molB2, fp_vector, W_fp, b_fp,
                     bn_gamma.reshape(1, -1), bn_beta.reshape(1, -1),
                     W_f1a, W_f1b, W_f1c, b_f1.reshape(1, -1),
                     W_f2, b_f2.reshape(1, -1), W_head, b_head.reshape(1, -1))

# --- scband reference (transcript-rebuilt; emitter-appended) ---
"""Pipeline reference for scband-mpnnpom-32839319945357 (READ-ONLY COPY).

The authoritative reference and input builder live on the scoring server;
editing this copy changes nothing except your own understanding.
"""

import jax, jax.numpy as jnp
import numpy as np

N = 50000; E = 100000; B = 1024
NODE_IN = 134; EDGE_IN = 6; H = 32; EH = 128; EO = 32
FP = 1024; FPE = 128; FFH = 300; EMB = 256; OUT = 138
STEPS = 3


def _gru_cell(x, h, W_ih, W_hh, b_ih, b_hh):
    gi = x @ W_ih + b_ih
    gh = h @ W_hh + b_hh
    i_r, i_z, i_n = jnp.split(gi, 3, axis=1)
    h_r, h_z, h_n = jnp.split(gh, 3, axis=1)
    r = jax.nn.sigmoid(i_r + h_r)
    z = jax.nn.sigmoid(i_z + h_z)
    n = jnp.tanh(i_n + r * h_n)
    return (1.0 - z) * n + z * h


def setup_inputs(seed: int = 0) -> dict:
    key = jax.random.key(seed)
    ks = jax.random.split(key, 32)
    s = 0.05
    inp = {}
    inp['node_feats'] = jax.random.normal(ks[0], (N, NODE_IN), dtype=jnp.float32)
    inp['edge_feats'] = jax.random.normal(ks[1], (E, EDGE_IN), dtype=jnp.float32)
    inp['fp_vector'] = jax.random.uniform(ks[2], (B, FP), dtype=jnp.float32)
    inp['edge_index'] = jax.random.randint(ks[3], (2, E), 0, N)
    inp['node_graph_ids'] = jnp.sort(jax.random.randint(ks[4], (N,), 0, B))
    inp['W_proj'] = jax.random.normal(ks[5], (NODE_IN, H)) * s
    inp['b_proj'] = jnp.zeros((H,), jnp.float32)
    inp['W_e1'] = jax.random.normal(ks[6], (EDGE_IN, EH)) * s
    inp['b_e1'] = jnp.zeros((EH,), jnp.float32)
    inp['W_e2'] = jax.random.normal(ks[7], (EH, H * H)) * s
    inp['b_e2'] = jnp.zeros((H * H,), jnp.float32)
    inp['W_ih'] = jax.random.normal(ks[8], (H, 3 * H)) * s
    inp['W_hh'] = jax.random.normal(ks[9], (H, 3 * H)) * s
    inp['b_ih'] = jnp.zeros((3 * H,), jnp.float32)
    inp['b_hh'] = jnp.zeros((3 * H,), jnp.float32)
    inp['W_pe'] = jax.random.normal(ks[10], (EDGE_IN, EO)) * s
    inp['b_pe'] = jnp.zeros((EO,), jnp.float32)
    inp['W_fp'] = jax.random.normal(ks[11], (FP, FPE)) * s
    inp['b_fp'] = jnp.zeros((FPE,), jnp.float32)
    inp['bn_gamma'] = jnp.ones((FPE,), jnp.float32)
    inp['bn_beta'] = jnp.zeros((FPE,), jnp.float32)
    inp['W_f1'] = jax.random.normal(ks[12], (H + EO + FPE, FFH)) * s
    inp['b_f1'] = jnp.zeros((FFH,), jnp.float32)
    inp['W_f2'] = jax.random.normal(ks[13], (FFH, EMB)) * s
    inp['b_f2'] = jnp.zeros((EMB,), jnp.float32)
    inp['W_head'] = jax.random.normal(ks[14], (EMB, OUT)) * s
    inp['b_head'] = jnp.zeros((OUT,), jnp.float32)
    return inp


def reference(node_feats, edge_feats, fp_vector, edge_index, node_graph_ids,
              W_proj, b_proj, W_e1, b_e1, W_e2, b_e2,
              W_ih, W_hh, b_ih, b_hh, W_pe, b_pe,
              W_fp, b_fp, bn_gamma, bn_beta,
              W_f1, b_f1, W_f2, b_f2, W_head, b_head):
    src = edge_index[0]
    dst = edge_index[1]
    # CustomMPNNGNN: project + ReLU, then NNConv-style message passing with GRU + residual
    h = jax.nn.relu(node_feats @ W_proj + b_proj)
    hidden = h
    e1 = jax.nn.relu(edge_feats @ W_e1 + b_e1)
    A = (e1 @ W_e2 + b_e2).reshape(E, H, H)
    for _ in range(STEPS):
        msg = jnp.einsum('ei,eij->ej', h[src], A)
        agg = jax.ops.segment_sum(msg, dst, num_segments=N)
        m = jax.nn.relu(agg) + h  # residual
        h = _gru_cell(m, hidden, W_ih, W_hh, b_ih, b_hh)
        hidden = h
    # internal readout: project edge feats, cat with src node emb, scatter-sum to dst
    edge_emb = jax.nn.relu(edge_feats @ W_pe + b_pe)
    src_msg = jnp.concatenate([h[src], edge_emb], axis=1)
    node_sum = jax.ops.segment_sum(src_msg, dst, num_segments=N)
    # global_sum_pooling over each graph + softmax
    mol = jax.ops.segment_sum(node_sum, node_graph_ids, num_segments=B)
    mol = jax.nn.softmax(mol, axis=1)
    # fingerprint encoder: Linear + BatchNorm1d (batch stats) + ReLU (dropout p=0.1 inactive in eval)
    x = fp_vector @ W_fp + b_fp
    mean = jnp.mean(x, axis=0)
    var = jnp.var(x, axis=0)
    x = (x - mean) / jnp.sqrt(var + 1e-5)
    x = jax.nn.relu(x * bn_gamma + bn_beta)
    combined = jnp.concatenate([mol, x], axis=1)
    # CustomPositionwiseFeedForward: 192 -> 300 -> 256 (dropout p=0)
    h1 = jax.nn.relu(combined @ W_f1 + b_f1)
    emb = h1 @ W_f2 + b_f2
    # prediction head: Linear(256, n_tasks * n_classes)
    out = emb @ W_head + b_head
    return out

if __name__ == "__main__":
    import jax
    _d = setup_inputs()
    print(jax.jit(kernel)(*tuple(_d.values())))

</pallas_src>

<mosaic_0001>
#map = affine_map<(d0, d1) -> (0, 0)>
#map1 = affine_map<(d0, d1) -> (0, 0, 0)>
module attributes {stable_mosaic.version = 14 : i64} {
  func.func @k(%arg0: i32, %arg1: i32, %arg2: memref<102400x32xf32, #tpu.memory_space<hbm>>, %arg3: memref<32x25x128xi32, #tpu.memory_space<hbm>>, %arg4: memref<3136x32xf32, #tpu.memory_space<hbm>>, %arg5: memref<2x50176x32xf32, #tpu.memory_space<hbm>>, %arg6: memref<25x128xi32, #tpu.memory_space<vmem>>, %arg7: memref<128x32xf32, #tpu.memory_space<vmem>>, %arg8: memref<50176x32xf32, #tpu.memory_space<vmem_shared>>, %arg9: memref<!tpu.dma_semaphore, #tpu.memory_space<semaphore_mem>>) attributes {dimension_semantics = [#tpu.dimension_semantics<core_parallel>, #tpu.dimension_semantics<subcore_parallel>], iteration_bounds = array<i64: 2, 16>, scalar_prefetch = 0 : i64, scratch_operands = 4 : i64, tpu.core_type = #tpu.core_type<sc_vector_subcore>, window_params = [{transform_indices = #map}, {transform_indices = #map1}, {transform_indices = #map}, {transform_indices = #map1}]} {
    %mul3A = arith.constant 16 : i32
    %mul3A_0 = arith.muli %arg0, %mul3A : i32
    %add3A = arith.addi %mul3A_0, %arg1 : i32
    %mul3A_1 = arith.constant 3136 : i32
    %mul3A_2 = arith.muli %arg1, %mul3A_1 : i32
    "tpu.region"() ({
      %run_scoped3A = tpu.sem_alloc : memref<!tpu.dma_semaphore, #tpu.memory_space<semaphore_mem>>
      %dma_start3A = arith.constant 0 : i32
      %dma_start3A_12 = tpu.memref_slice %arg8[%mul3A_2, %dma_start3A] : memref<50176x32xf32, #tpu.memory_space<vmem_shared>> -> memref<3136x32xf32, #tpu.memory_space<vmem_shared>>
      %dma_start3A_13 = arith.constant 0 : i32
      %dma_start3A_14 = arith.constant 0 : i32
      %dma_start3A_15 = tpu.memref_slice %arg4[%dma_start3A_13, %dma_start3A_14] : memref<3136x32xf32, #tpu.memory_space<hbm>> -> memref<3136x32xf32, #tpu.memory_space<hbm>>
      tpu.enqueue_dma source(%dma_start3A_15 : memref<3136x32xf32, #tpu.memory_space<hbm>>) target(%dma_start3A_12 : memref<3136x32xf32, #tpu.memory_space<vmem_shared>>) target_semaphore(%run_scoped3A : memref<!tpu.dma_semaphore, #tpu.memory_space<semaphore_mem>>)
      %dma_wait3A = arith.constant 0 : i32
      %dma_wait3A_16 = tpu.memref_slice %arg8[%mul3A_2, %dma_wait3A] : memref<50176x32xf32, #tpu.memory_space<vmem_shared>> -> memref<3136x32xf32, #tpu.memory_space<vmem_shared>>
      %dma_wait3A_17 = arith.constant 0 : i32
      %dma_wait3A_18 = arith.constant 0 : i32
      %dma_wait3A_19 = tpu.memref_slice %arg4[%dma_wait3A_17, %dma_wait3A_18] : memref<3136x32xf32, #tpu.memory_space<hbm>> -> memref<3136x32xf32, #tpu.memory_space<hbm>>
      tpu.wait_dma2 semaphore(%run_scoped3A : memref<!tpu.dma_semaphore, #tpu.memory_space<semaphore_mem>>) src(%dma_wait3A_19 : memref<3136x32xf32, #tpu.memory_space<hbm>>) dst(%dma_wait3A_16 : memref<3136x32xf32, #tpu.memory_space<vmem_shared>>)
      tpu.yield
    }) : () -> ()
    "tpu.region"() ({
      %run_scoped3A = tpu.sem_alloc : memref<!tpu.dma_semaphore, #tpu.memory_space<semaphore_mem>>
      %dma_start3A = arith.constant 0 : i32
      %dma_start3A_12 = arith.constant 0 : i32
      %dma_start3A_13 = tpu.memref_slice %arg3[%add3A, %dma_start3A, %dma_start3A_12] : memref<32x25x128xi32, #tpu.memory_space<hbm>> -> memref<1x25x128xi32, #tpu.memory_space<hbm>>
      %dma_start3A_14 = tpu.memref_squeeze %dma_start3A_13 : memref<1x25x128xi32, #tpu.memory_space<hbm>> -> memref<25x128xi32, #tpu.memory_space<hbm>>
      %dma_start3A_15 = arith.constant 0 : i32
      %dma_start3A_16 = arith.constant 0 : i32
      %dma_start3A_17 = tpu.memref_slice %arg3[%add3A, %dma_start3A_15, %dma_start3A_16] : memref<32x25x128xi32, #tpu.memory_space<hbm>> -> memref<1x25x128xi32, #tpu.memory_space<hbm>>
      %dma_start3A_18 = tpu.memref_squeeze %dma_start3A_17 : memref<1x25x128xi32, #tpu.memory_space<hbm>> -> memref<25x128xi32, #tpu.memory_space<hbm>>
      tpu.enqueue_dma source(%dma_start3A_18 : memref<25x128xi32, #tpu.memory_space<hbm>>) target(%arg6 : memref<25x128xi32, #tpu.memory_space<vmem>>) target_semaphore(%run_scoped3A : memref<!tpu.dma_semaphore, #tpu.memory_space<semaphore_mem>>)
      %dma_wait3A = arith.constant 0 : i32
      %dma_wait3A_19 = arith.constant 0 : i32
      %dma_wait3A_20 = tpu.memref_slice %arg3[%add3A, %dma_wait3A, %dma_wait3A_19] : memref<32x25x128xi32, #tpu.memory_space<hbm>> -> memref<1x25x128xi32, #tpu.memory_space<hbm>>
      %dma_wait3A_21 = tpu.memref_squeeze %dma_wait3A_20 : memref<1x25x128xi32, #tpu.memory_space<hbm>> -> memref<25x128xi32, #tpu.memory_space<hbm>>
      %dma_wait3A_22 = arith.constant 0 : i32
      %dma_wait3A_23 = arith.constant 0 : i32
      %dma_wait3A_24 = tpu.memref_slice %arg3[%add3A, %dma_wait3A_22, %dma_wait3A_23] : memref<32x25x128xi32, #tpu.memory_space<hbm>> -> memref<1x25x128xi32, #tpu.memory_space<hbm>>
      %dma_wait3A_25 = tpu.memref_squeeze %dma_wait3A_24 : memref<1x25x128xi32, #tpu.memory_space<hbm>> -> memref<25x128xi32, #tpu.memory_space<hbm>>
      tpu.wait_dma2 semaphore(%run_scoped3A : memref<!tpu.dma_semaphore, #tpu.memory_space<semaphore_mem>>) src(%dma_wait3A_25 : memref<25x128xi32, #tpu.memory_space<hbm>>) dst(%arg6 : memref<25x128xi32, #tpu.memory_space<vmem>>)
      tpu.yield
    }) : () -> ()
    %barrier3A = arith.constant 0 : index
    tpu.barrier barrier_id(%barrier3A)
    %scan3A = arith.constant 0 : i32
    %scan3A_3 = arith.constant 25 : i32
    %scan3A_4 = arith.addi %scan3A, %scan3A_3 : i32
    %scan3A_5 = arith.constant 1 : i32
    scf.for %scan3A_12 = %scan3A to %scan3A_4 step %scan3A_5  : i32 {
      %mul3A_13 = arith.constant 25 : i32
      %mul3A_14 = arith.muli %add3A, %mul3A_13 : i32
      %mul3A_15 = arith.constant 128 : i32
      %mul3A_16 = arith.muli %mul3A_14, %mul3A_15 : i32
      %mul3A_17 = arith.constant 128 : i32
      %mul3A_18 = arith.muli %scan3A_12, %mul3A_17 : i32
      %add3A_19 = arith.addi %mul3A_16, %mul3A_18 : i32
      %dma_start3A = arith.constant 0 : i32
      %dma_start3A_20 = tpu.memref_slice %arg2[%add3A_19, %dma_start3A] : memref<102400x32xf32, #tpu.memory_space<hbm>> -> memref<128x32xf32, #tpu.memory_space<hbm>>
      %dma_start3A_21 = arith.constant 0 : i32
      %dma_start3A_22 = tpu.memref_slice %arg2[%add3A_19, %dma_start3A_21] : memref<102400x32xf32, #tpu.memory_space<hbm>> -> memref<128x32xf32, #tpu.memory_space<hbm>>
      tpu.enqueue_dma source(%dma_start3A_22 : memref<128x32xf32, #tpu.memory_space<hbm>>) target(%arg7 : memref<128x32xf32, #tpu.memory_space<vmem>>) target_semaphore(%arg9 : memref<!tpu.dma_semaphore, #tpu.memory_space<semaphore_mem>>)
      %dma_wait3A = arith.constant 0 : i32
      %dma_wait3A_23 = tpu.memref_slice %arg2[%add3A_19, %dma_wait3A] : memref<102400x32xf32, #tpu.memory_space<hbm>> -> memref<128x32xf32, #tpu.memory_space<hbm>>
      %dma_wait3A_24 = arith.constant 0 : i32
      %dma_wait3A_25 = tpu.memref_slice %arg2[%add3A_19, %dma_wait3A_24] : memref<102400x32xf32, #tpu.memory_space<hbm>> -> memref<128x32xf32, #tpu.memory_space<hbm>>
      tpu.wait_dma2 semaphore(%arg9 : memref<!tpu.dma_semaphore, #tpu.memory_space<semaphore_mem>>) src(%dma_wait3A_25 : memref<128x32xf32, #tpu.memory_space<hbm>>) dst(%arg7 : memref<128x32xf32, #tpu.memory_space<vmem>>)
      "tpu.region"() ({
        %run_scoped3A = tpu.sem_alloc : memref<!tpu.dma_semaphore, #tpu.memory_space<semaphore_mem>>
        %dma_start3A_26 = arith.constant 0 : i32
        %dma_start3A_27 = tpu.memref_slice %arg6[%scan3A_12, %dma_start3A_26] : memref<25x128xi32, #tpu.memory_space<vmem>> -> memref<1x128xi32, #tpu.memory_space<vmem>>
        %dma_start3A_28 = tpu.memref_squeeze %dma_start3A_27 : memref<1x128xi32, #tpu.memory_space<vmem>> -> memref<128xi32, #tpu.memory_space<vmem>>
        %dma_start3A_29 = arith.constant 0 : i32
        %dma_start3A_30 = arith.constant 0 : i32
        %dma_start3A_31 = tpu.memref_slice %arg8[%dma_start3A_29, %dma_start3A_30] : memref<50176x32xf32, #tpu.memory_space<vmem_shared>> -> memref<50176x32xf32, #tpu.memory_space<vmem_shared>>
        tpu.enqueue_indirect_dma source(%arg7 : memref<128x32xf32, #tpu.memory_space<vmem>>) target(%dma_start3A_31 : memref<50176x32xf32, #tpu.memory_space<vmem_shared>>) offsets(%dma_start3A_28 : memref<128xi32, #tpu.memory_space<vmem>>) semaphore(%run_scoped3A : memref<!tpu.dma_semaphore, #tpu.memory_space<semaphore_mem>>) {add = true}
        %dma_wait3A_32 = arith.constant 0 : i32
        %dma_wait3A_33 = tpu.memref_slice %arg6[%scan3A_12, %dma_wait3A_32] : memref<25x128xi32, #tpu.memory_space<vmem>> -> memref<1x128xi32, #tpu.memory_space<vmem>>
        %dma_wait3A_34 = tpu.memref_squeeze %dma_wait3A_33 : memref<1x128xi32, #tpu.memory_space<vmem>> -> memref<128xi32, #tpu.memory_space<vmem>>
        %dma_wait3A_35 = arith.constant 0 : i32
        %dma_wait3A_36 = arith.constant 0 : i32
        %dma_wait3A_37 = tpu.memref_slice %arg8[%dma_wait3A_35, %dma_wait3A_36] : memref<50176x32xf32, #tpu.memory_space<vmem_shared>> -> memref<50176x32xf32, #tpu.memory_space<vmem_shared>>
        tpu.wait_indirect_dma semaphore(%run_scoped3A : memref<!tpu.dma_semaphore, #tpu.memory_space<semaphore_mem>>) src(%arg7 : memref<128x32xf32, #tpu.memory_space<vmem>>) dst(%dma_wait3A_37 : memref<50176x32xf32, #tpu.memory_space<vmem_shared>>)
        tpu.yield
      }) : () -> ()
    }
    %scan3A_6 = arith.constant 25 : i32
    %barrier3A_7 = arith.constant 0 : index
    tpu.barrier barrier_id(%barrier3A_7)
    %mul3A_8 = arith.constant 3136 : i32
    %mul3A_9 = arith.muli %arg1, %mul3A_8 : i32
    %mul3A_10 = arith.constant 3136 : i32
    %mul3A_11 = arith.muli %arg1, %mul3A_10 : i32
    "tpu.region"() ({
      %run_scoped3A = tpu.sem_alloc : memref<!tpu.dma_semaphore, #tpu.memory_space<semaphore_mem>>
      %dma_start3A = arith.constant 0 : i32
      %dma_start3A_12 = arith.constant 0 : i32
      %dma_start3A_13 = tpu.memref_slice %arg5[%arg0, %dma_start3A, %dma_start3A_12] : memref<2x50176x32xf32, #tpu.memory_space<hbm>> -> memref<1x50176x32xf32, #tpu.memory_space<hbm>>
      %dma_start3A_14 = tpu.memref_squeeze %dma_start3A_13 : memref<1x50176x32xf32, #tpu.memory_space<hbm>> -> memref<50176x32xf32, #tpu.memory_space<hbm>>
      %dma_start3A_15 = arith.constant 0 : i32
      %dma_start3A_16 = tpu.memref_slice %dma_start3A_14[%mul3A_11, %dma_start3A_15] : memref<50176x32xf32, #tpu.memory_space<hbm>> -> memref<3136x32xf32, #tpu.memory_space<hbm>>
      %dma_start3A_17 = arith.constant 0 : i32
      %dma_start3A_18 = tpu.memref_slice %arg8[%mul3A_9, %dma_start3A_17] : memref<50176x32xf32, #tpu.memory_space<vmem_shared>> -> memref<3136x32xf32, #tpu.memory_space<vmem_shared>>
      tpu.enqueue_dma source(%dma_start3A_18 : memref<3136x32xf32, #tpu.memory_space<vmem_shared>>) target(%dma_start3A_16 : memref<3136x32xf32, #tpu.memory_space<hbm>>) target_semaphore(%run_scoped3A : memref<!tpu.dma_semaphore, #tpu.memory_space<semaphore_mem>>)
      %dma_wait3A = arith.constant 0 : i32
      %dma_wait3A_19 = arith.constant 0 : i32
      %dma_wait3A_20 = tpu.memref_slice %arg5[%arg0, %dma_wait3A, %dma_wait3A_19] : memref<2x50176x32xf32, #tpu.memory_space<hbm>> -> memref<1x50176x32xf32, #tpu.memory_space<hbm>>
      %dma_wait3A_21 = tpu.memref_squeeze %dma_wait3A_20 : memref<1x50176x32xf32, #tpu.memory_space<hbm>> -> memref<50176x32xf32, #tpu.memory_space<hbm>>
      %dma_wait3A_22 = arith.constant 0 : i32
      %dma_wait3A_23 = tpu.memref_slice %dma_wait3A_21[%mul3A_11, %dma_wait3A_22] : memref<50176x32xf32, #tpu.memory_space<hbm>> -> memref<3136x32xf32, #tpu.memory_space<hbm>>
      %dma_wait3A_24 = arith.constant 0 : i32
      %dma_wait3A_25 = tpu.memref_slice %arg8[%mul3A_9, %dma_wait3A_24] : memref<50176x32xf32, #tpu.memory_space<vmem_shared>> -> memref<3136x32xf32, #tpu.memory_space<vmem_shared>>
      tpu.wait_dma2 semaphore(%run_scoped3A : memref<!tpu.dma_semaphore, #tpu.memory_space<semaphore_mem>>) src(%dma_wait3A_25 : memref<3136x32xf32, #tpu.memory_space<vmem_shared>>) dst(%dma_wait3A_23 : memref<3136x32xf32, #tpu.memory_space<hbm>>)
      tpu.yield
    }) : () -> ()
    return
  }
}

#map = affine_map<(d0, d1) -> (0, 0)>
#map1 = affine_map<(d0, d1) -> (0, 0, 0)>
module attributes {stable_mosaic.version = 14 : i64} {
  func.func @k(%arg0: i32, %arg1: i32, %arg2: memref<50000x32xf32, #tpu.memory_space<hbm>>, %arg3: memref<32x25x128xi32, #tpu.memory_space<hbm>>, %arg4: memref<102400x32xf32, #tpu.memory_space<hbm>>, %arg5: memref<25x128xi32, #tpu.memory_space<vmem>>, %arg6: memref<128x32xf32, #tpu.memory_space<vmem>>, %arg7: memref<!tpu.dma_semaphore, #tpu.memory_space<semaphore_mem>>) attributes {dimension_semantics = [#tpu.dimension_semantics<core_parallel>, #tpu.dimension_semantics<subcore_parallel>], iteration_bounds = array<i64: 2, 16>, scalar_prefetch = 0 : i64, scratch_operands = 3 : i64, tpu.core_type = #tpu.core_type<sc_vector_subcore>, window_params = [{transform_indices = #map}, {transform_indices = #map1}, {transform_indices = #map}]} {
    %mul3A = arith.constant 16 : i32
    %mul3A_0 = arith.muli %arg0, %mul3A : i32
    %add3A = arith.addi %mul3A_0, %arg1 : i32
    "tpu.region"() ({
      %run_scoped3A = tpu.sem_alloc : memref<!tpu.dma_semaphore, #tpu.memory_space<semaphore_mem>>
      %dma_start3A = arith.constant 0 : i32
      %dma_start3A_5 = arith.constant 0 : i32
      %dma_start3A_6 = tpu.memref_slice %arg3[%add3A, %dma_start3A, %dma_start3A_5] : memref<32x25x128xi32, #tpu.memory_space<hbm>> -> memref<1x25x128xi32, #tpu.memory_space<hbm>>
      %dma_start3A_7 = tpu.memref_squeeze %dma_start3A_6 : memref<1x25x128xi32, #tpu.memory_space<hbm>> -> memref<25x128xi32, #tpu.memory_space<hbm>>
      %dma_start3A_8 = arith.constant 0 : i32
      %dma_start3A_9 = arith.constant 0 : i32
      %dma_start3A_10 = tpu.memref_slice %arg3[%add3A, %dma_start3A_8, %dma_start3A_9] : memref<32x25x128xi32, #tpu.memory_space<hbm>> -> memref<1x25x128xi32, #tpu.memory_space<hbm>>
      %dma_start3A_11 = tpu.memref_squeeze %dma_start3A_10 : memref<1x25x128xi32, #tpu.memory_space<hbm>> -> memref<25x128xi32, #tpu.memory_space<hbm>>
      tpu.enqueue_dma source(%dma_start3A_11 : memref<25x128xi32, #tpu.memory_space<hbm>>) target(%arg5 : memref<25x128xi32, #tpu.memory_space<vmem>>) target_semaphore(%run_scoped3A : memref<!tpu.dma_semaphore, #tpu.memory_space<semaphore_mem>>)
      %dma_wait3A = arith.constant 0 : i32
      %dma_wait3A_12 = arith.constant 0 : i32
      %dma_wait3A_13 = tpu.memref_slice %arg3[%add3A, %dma_wait3A, %dma_wait3A_12] : memref<32x25x128xi32, #tpu.memory_space<hbm>> -> memref<1x25x128xi32, #tpu.memory_space<hbm>>
      %dma_wait3A_14 = tpu.memref_squeeze %dma_wait3A_13 : memref<1x25x128xi32, #tpu.memory_space<hbm>> -> memref<25x128xi32, #tpu.memory_space<hbm>>
      %dma_wait3A_15 = arith.constant 0 : i32
      %dma_wait3A_16 = arith.constant 0 : i32
      %dma_wait3A_17 = tpu.memref_slice %arg3[%add3A, %dma_wait3A_15, %dma_wait3A_16] : memref<32x25x128xi32, #tpu.memory_space<hbm>> -> memref<1x25x128xi32, #tpu.memory_space<hbm>>
      %dma_wait3A_18 = tpu.memref_squeeze %dma_wait3A_17 : memref<1x25x128xi32, #tpu.memory_space<hbm>> -> memref<25x128xi32, #tpu.memory_space<hbm>>
      tpu.wait_dma2 semaphore(%run_scoped3A : memref<!tpu.dma_semaphore, #tpu.memory_space<semaphore_mem>>) src(%dma_wait3A_18 : memref<25x128xi32, #tpu.memory_space<hbm>>) dst(%arg5 : memref<25x128xi32, #tpu.memory_space<vmem>>)
      tpu.yield
    }) : () -> ()
    %scan3A = arith.constant 0 : i32
    %scan3A_1 = arith.constant 25 : i32
    %scan3A_2 = arith.addi %scan3A, %scan3A_1 : i32
    %scan3A_3 = arith.constant 1 : i32
    scf.for %scan3A_5 = %scan3A to %scan3A_2 step %scan3A_3  : i32 {
      %dma_start3A = arith.constant 0 : i32
      %dma_start3A_6 = tpu.memref_slice %arg5[%scan3A_5, %dma_start3A] : memref<25x128xi32, #tpu.memory_space<vmem>> -> memref<1x128xi32, #tpu.memory_space<vmem>>
      %dma_start3A_7 = tpu.memref_squeeze %dma_start3A_6 : memref<1x128xi32, #tpu.memory_space<vmem>> -> memref<128xi32, #tpu.memory_space<vmem>>
      %dma_start3A_8 = arith.constant 0 : i32
      %dma_start3A_9 = arith.constant 0 : i32
      %dma_start3A_10 = tpu.memref_slice %arg2[%dma_start3A_8, %dma_start3A_9] : memref<50000x32xf32, #tpu.memory_space<hbm>> -> memref<50000x32xf32, #tpu.memory_space<hbm>>
      tpu.enqueue_indirect_dma source(%dma_start3A_10 : memref<50000x32xf32, #tpu.memory_space<hbm>>) target(%arg6 : memref<128x32xf32, #tpu.memory_space<vmem>>) offsets(%dma_start3A_7 : memref<128xi32, #tpu.memory_space<vmem>>) semaphore(%arg7 : memref<!tpu.dma_semaphore, #tpu.memory_space<semaphore_mem>>)
      %dma_wait3A = arith.constant 0 : i32
      %dma_wait3A_11 = tpu.memref_slice %arg5[%scan3A_5, %dma_wait3A] : memref<25x128xi32, #tpu.memory_space<vmem>> -> memref<1x128xi32, #tpu.memory_space<vmem>>
      %dma_wait3A_12 = tpu.memref_squeeze %dma_wait3A_11 : memref<1x128xi32, #tpu.memory_space<vmem>> -> memref<128xi32, #tpu.memory_space<vmem>>
      %dma_wait3A_13 = arith.constant 0 : i32
      %dma_wait3A_14 = arith.constant 0 : i32
      %dma_wait3A_15 = tpu.memref_slice %arg2[%dma_wait3A_13, %dma_wait3A_14] : memref<50000x32xf32, #tpu.memory_space<hbm>> -> memref<50000x32xf32, #tpu.memory_space<hbm>>
      tpu.wait_indirect_dma semaphore(%arg7 : memref<!tpu.dma_semaphore, #tpu.memory_space<semaphore_mem>>) src(%dma_wait3A_15 : memref<50000x32xf32, #tpu.memory_space<hbm>>) dst(%arg6 : memref<128x32xf32, #tpu.memory_space<vmem>>)
      %mul3A_16 = arith.constant 25 : i32
      %mul3A_17 = arith.muli %add3A, %mul3A_16 : i32
      %mul3A_18 = arith.constant 128 : i32
      %mul3A_19 = arith.muli %mul3A_17, %mul3A_18 : i32
      %mul3A_20 = arith.constant 128 : i32
      %mul3A_21 = arith.muli %scan3A_5, %mul3A_20 : i32
      %add3A_22 = arith.addi %mul3A_19, %mul3A_21 : i32
      "tpu.region"() ({
        %run_scoped3A = tpu.sem_alloc : memref<!tpu.dma_semaphore, #tpu.memory_space<semaphore_mem>>
        %dma_start3A_23 = arith.constant 0 : i32
        %dma_start3A_24 = tpu.memref_slice %arg4[%add3A_22, %dma_start3A_23] : memref<102400x32xf32, #tpu.memory_space<hbm>> -> memref<128x32xf32, #tpu.memory_space<hbm>>
        %dma_start3A_25 = arith.constant 0 : i32
        %dma_start3A_26 = tpu.memref_slice %arg4[%add3A_22, %dma_start3A_25] : memref<102400x32xf32, #tpu.memory_space<hbm>> -> memref<128x32xf32, #tpu.memory_space<hbm>>
        tpu.enqueue_dma source(%arg6 : memref<128x32xf32, #tpu.memory_space<vmem>>) target(%dma_start3A_26 : memref<128x32xf32, #tpu.memory_space<hbm>>) target_semaphore(%run_scoped3A : memref<!tpu.dma_semaphore, #tpu.memory_space<semaphore_mem>>)
        %dma_wait3A_27 = arith.constant 0 : i32
        %dma_wait3A_28 = tpu.memref_slice %arg4[%add3A_22, %dma_wait3A_27] : memref<102400x32xf32, #tpu.memory_space<hbm>> -> memref<128x32xf32, #tpu.memory_space<hbm>>
        %dma_wait3A_29 = arith.constant 0 : i32
        %dma_wait3A_30 = tpu.memref_slice %arg4[%add3A_22, %dma_wait3A_29] : memref<102400x32xf32, #tpu.memory_space<hbm>> -> memref<128x32xf32, #tpu.memory_space<hbm>>
        tpu.wait_dma2 semaphore(%run_scoped3A : memref<!tpu.dma_semaphore, #tpu.memory_space<semaphore_mem>>) src(%arg6 : memref<128x32xf32, #tpu.memory_space<vmem>>) dst(%dma_wait3A_30 : memref<128x32xf32, #tpu.memory_space<hbm>>)
        tpu.yield
      }) : () -> ()
    }
    %scan3A_4 = arith.constant 25 : i32
    return
  }
}

#map = affine_map<(d0, d1) -> (0, 0)>
#map1 = affine_map<(d0, d1) -> (0, 0, 0)>
module attributes {stable_mosaic.version = 14 : i64} {
  func.func @k(%arg0: i32, %arg1: i32, %arg2: memref<50000x32xf32, #tpu.memory_space<hbm>>, %arg3: memref<32x25x128xi32, #tpu.memory_space<hbm>>, %arg4: memref<102400x32xf32, #tpu.memory_space<hbm>>, %arg5: memref<25x128xi32, #tpu.memory_space<vmem>>, %arg6: memref<128x32xf32, #tpu.memory_space<vmem>>, %arg7: memref<!tpu.dma_semaphore, #tpu.memory_space<semaphore_mem>>) attributes {dimension_semantics = [#tpu.dimension_semantics<core_parallel>, #tpu.dimension_semantics<subcore_parallel>], iteration_bounds = array<i64: 2, 16>, scalar_prefetch = 0 : i64, scratch_operands = 3 : i64, tpu.core_type = #tpu.core_type<sc_vector_subcore>, window_params = [{transform_indices = #map}, {transform_indices = #map1}, {transform_indices = #map}]} {
    %mul3A = arith.constant 16 : i32
    %mul3A_0 = arith.muli %arg0, %mul3A : i32
    %add3A = arith.addi %mul3A_0, %arg1 : i32
    "tpu.region"() ({
      %run_scoped3A = tpu.sem_alloc : memref<!tpu.dma_semaphore, #tpu.memory_space<semaphore_mem>>
      %dma_start3A = arith.constant 0 : i32
      %dma_start3A_5 = arith.constant 0 : i32
      %dma_start3A_6 = tpu.memref_slice %arg3[%add3A, %dma_start3A, %dma_start3A_5] : memref<32x25x128xi32, #tpu.memory_space<hbm>> -> memref<1x25x128xi32, #tpu.memory_space<hbm>>
      %dma_start3A_7 = tpu.memref_squeeze %dma_start3A_6 : memref<1x25x128xi32, #tpu.memory_space<hbm>> -> memref<25x128xi32, #tpu.memory_space<hbm>>
      %dma_start3A_8 = arith.constant 0 : i32
      %dma_start3A_9 = arith.constant 0 : i32
      %dma_start3A_10 = tpu.memref_slice %arg3[%add3A, %dma_start3A_8, %dma_start3A_9] : memref<32x25x128xi32, #tpu.memory_space<hbm>> -> memref<1x25x128xi32, #tpu.memory_space<hbm>>
      %dma_start3A_11 = tpu.memref_squeeze %dma_start3A_10 : memref<1x25x128xi32, #tpu.memory_space<hbm>> -> memref<25x128xi32, #tpu.memory_space<hbm>>
      tpu.enqueue_dma source(%dma_start3A_11 : memref<25x128xi32, #tpu.memory_space<hbm>>) target(%arg5 : memref<25x128xi32, #tpu.memory_space<vmem>>) target_semaphore(%run_scoped3A : memref<!tpu.dma_semaphore, #tpu.memory_space<semaphore_mem>>)
      %dma_wait3A = arith.constant 0 : i32
      %dma_wait3A_12 = arith.constant 0 : i32
      %dma_wait3A_13 = tpu.memref_slice %arg3[%add3A, %dma_wait3A, %dma_wait3A_12] : memref<32x25x128xi32, #tpu.memory_space<hbm>> -> memref<1x25x128xi32, #tpu.memory_space<hbm>>
      %dma_wait3A_14 = tpu.memref_squeeze %dma_wait3A_13 : memref<1x25x128xi32, #tpu.memory_space<hbm>> -> memref<25x128xi32, #tpu.memory_space<hbm>>
      %dma_wait3A_15 = arith.constant 0 : i32
      %dma_wait3A_16 = arith.constant 0 : i32
      %dma_wait3A_17 = tpu.memref_slice %arg3[%add3A, %dma_wait3A_15, %dma_wait3A_16] : memref<32x25x128xi32, #tpu.memory_space<hbm>> -> memref<1x25x128xi32, #tpu.memory_space<hbm>>
      %dma_wait3A_18 = tpu.memref_squeeze %dma_wait3A_17 : memref<1x25x128xi32, #tpu.memory_space<hbm>> -> memref<25x128xi32, #tpu.memory_space<hbm>>
      tpu.wait_dma2 semaphore(%run_scoped3A : memref<!tpu.dma_semaphore, #tpu.memory_space<semaphore_mem>>) src(%dma_wait3A_18 : memref<25x128xi32, #tpu.memory_space<hbm>>) dst(%arg5 : memref<25x128xi32, #tpu.memory_space<vmem>>)
      tpu.yield
    }) : () -> ()
    %scan3A = arith.constant 0 : i32
    %scan3A_1 = arith.constant 25 : i32
    %scan3A_2 = arith.addi %scan3A, %scan3A_1 : i32
    %scan3A_3 = arith.constant 1 : i32
    scf.for %scan3A_5 = %scan3A to %scan3A_2 step %scan3A_3  : i32 {
      %dma_start3A = arith.constant 0 : i32
      %dma_start3A_6 = tpu.memref_slice %arg5[%scan3A_5, %dma_start3A] : memref<25x128xi32, #tpu.memory_space<vmem>> -> memref<1x128xi32, #tpu.memory_space<vmem>>
      %dma_start3A_7 = tpu.memref_squeeze %dma_start3A_6 : memref<1x128xi32, #tpu.memory_space<vmem>> -> memref<128xi32, #tpu.memory_space<vmem>>
      %dma_start3A_8 = arith.constant 0 : i32
      %dma_start3A_9 = arith.constant 0 : i32
      %dma_start3A_10 = tpu.memref_slice %arg2[%dma_start3A_8, %dma_start3A_9] : memref<50000x32xf32, #tpu.memory_space<hbm>> -> memref<50000x32xf32, #tpu.memory_space<hbm>>
      tpu.enqueue_indirect_dma source(%dma_start3A_10 : memref<50000x32xf32, #tpu.memory_space<hbm>>) target(%arg6 : memref<128x32xf32, #tpu.memory_space<vmem>>) offsets(%dma_start3A_7 : memref<128xi32, #tpu.memory_space<vmem>>) semaphore(%arg7 : memref<!tpu.dma_semaphore, #tpu.memory_space<semaphore_mem>>)
      %dma_wait3A = arith.constant 0 : i32
      %dma_wait3A_11 = tpu.memref_slice %arg5[%scan3A_5, %dma_wait3A] : memref<25x128xi32, #tpu.memory_space<vmem>> -> memref<1x128xi32, #tpu.memory_space<vmem>>
      %dma_wait3A_12 = tpu.memref_squeeze %dma_wait3A_11 : memref<1x128xi32, #tpu.memory_space<vmem>> -> memref<128xi32, #tpu.memory_space<vmem>>
      %dma_wait3A_13 = arith.constant 0 : i32
      %dma_wait3A_14 = arith.constant 0 : i32
      %dma_wait3A_15 = tpu.memref_slice %arg2[%dma_wait3A_13, %dma_wait3A_14] : memref<50000x32xf32, #tpu.memory_space<hbm>> -> memref<50000x32xf32, #tpu.memory_space<hbm>>
      tpu.wait_indirect_dma semaphore(%arg7 : memref<!tpu.dma_semaphore, #tpu.memory_space<semaphore_mem>>) src(%dma_wait3A_15 : memref<50000x32xf32, #tpu.memory_space<hbm>>) dst(%arg6 : memref<128x32xf32, #tpu.memory_space<vmem>>)
      %mul3A_16 = arith.constant 25 : i32
      %mul3A_17 = arith.muli %add3A, %mul3A_16 : i32
      %mul3A_18 = arith.constant 128 : i32
      %mul3A_19 = arith.muli %mul3A_17, %mul3A_18 : i32
      %mul3A_20 = arith.constant 128 : i32
      %mul3A_21 = arith.muli %scan3A_5, %mul3A_20 : i32
      %add3A_22 = arith.addi %mul3A_19, %mul3A_21 : i32
      "tpu.region"() ({
        %run_scoped3A = tpu.sem_alloc : memref<!tpu.dma_semaphore, #tpu.memory_space<semaphore_mem>>
        %dma_start3A_23 = arith.constant 0 : i32
        %dma_start3A_24 = tpu.memref_slice %arg4[%add3A_22, %dma_start3A_23] : memref<102400x32xf32, #tpu.memory_space<hbm>> -> memref<128x32xf32, #tpu.memory_space<hbm>>
        %dma_start3A_25 = arith.constant 0 : i32
        %dma_start3A_26 = tpu.memref_slice %arg4[%add3A_22, %dma_start3A_25] : memref<102400x32xf32, #tpu.memory_space<hbm>> -> memref<128x32xf32, #tpu.memory_space<hbm>>
        tpu.enqueue_dma source(%arg6 : memref<128x32xf32, #tpu.memory_space<vmem>>) target(%dma_start3A_26 : memref<128x32xf32, #tpu.memory_space<hbm>>) target_semaphore(%run_scoped3A : memref<!tpu.dma_semaphore, #tpu.memory_space<semaphore_mem>>)
        %dma_wait3A_27 = arith.constant 0 : i32
        %dma_wait3A_28 = tpu.memref_slice %arg4[%add3A_22, %dma_wait3A_27] : memref<102400x32xf32, #tpu.memory_space<hbm>> -> memref<128x32xf32, #tpu.memory_space<hbm>>
        %dma_wait3A_29 = arith.constant 0 : i32
        %dma_wait3A_30 = tpu.memref_slice %arg4[%add3A_22, %dma_wait3A_29] : memref<102400x32xf32, #tpu.memory_space<hbm>> -> memref<128x32xf32, #tpu.memory_space<hbm>>
        tpu.wait_dma2 semaphore(%run_scoped3A : memref<!tpu.dma_semaphore, #tpu.memory_space<semaphore_mem>>) src(%arg6 : memref<128x32xf32, #tpu.memory_space<vmem>>) dst(%dma_wait3A_30 : memref<128x32xf32, #tpu.memory_space<hbm>>)
        tpu.yield
      }) : () -> ()
    }
    %scan3A_4 = arith.constant 25 : i32
    return
  }
}

#map = affine_map<(d0, d1) -> (0, 0)>
#map1 = affine_map<(d0, d1) -> (0, 0, 0)>
module attributes {stable_mosaic.version = 14 : i64} {
  func.func @k(%arg0: i32, %arg1: i32, %arg2: memref<102400x32xf32, #tpu.memory_space<hbm>>, %arg3: memref<32x25x128xi32, #tpu.memory_space<hbm>>, %arg4: memref<3136x32xf32, #tpu.memory_space<hbm>>, %arg5: memref<2x50176x32xf32, #tpu.memory_space<hbm>>, %arg6: memref<25x128xi32, #tpu.memory_space<vmem>>, %arg7: memref<128x32xf32, #tpu.memory_space<vmem>>, %arg8: memref<50176x32xf32, #tpu.memory_space<vmem_shared>>, %arg9: memref<!tpu.dma_semaphore, #tpu.memory_space<semaphore_mem>>) attributes {dimension_semantics = [#tpu.dimension_semantics<core_parallel>, #tpu.dimension_semantics<subcore_parallel>], iteration_bounds = array<i64: 2, 16>, scalar_prefetch = 0 : i64, scratch_operands = 4 : i64, tpu.core_type = #tpu.core_type<sc_vector_subcore>, window_params = [{transform_indices = #map}, {transform_indices = #map1}, {transform_indices = #map}, {transform_indices = #map1}]} {
    %mul3A = arith.constant 16 : i32
    %mul3A_0 = arith.muli %arg0, %mul3A : i32
    %add3A = arith.addi %mul3A_0, %arg1 : i32
    %mul3A_1 = arith.constant 3136 : i32
    %mul3A_2 = arith.muli %arg1, %mul3A_1 : i32
    "tpu.region"() ({
      %run_scoped3A = tpu.sem_alloc : memref<!tpu.dma_semaphore, #tpu.memory_space<semaphore_mem>>
      %dma_start3A = arith.constant 0 : i32
      %dma_start3A_12 = tpu.memref_slice %arg8[%mul3A_2, %dma_start3A] : memref<50176x32xf32, #tpu.memory_space<vmem_shared>> -> memref<3136x32xf32, #tpu.memory_space<vmem_shared>>
      %dma_start3A_13 = arith.constant 0 : i32
      %dma_start3A_14 = arith.constant 0 : i32
      %dma_start3A_15 = tpu.memref_slice %arg4[%dma_start3A_13, %dma_start3A_14] : memref<3136x32xf32, #tpu.memory_space<hbm>> -> memref<3136x32xf32, #tpu.memory_space<hbm>>
      tpu.enqueue_dma source(%dma_start3A_15 : memref<3136x32xf32, #tpu.memory_space<hbm>>) target(%dma_start3A_12 : memref<3136x32xf32, #tpu.memory_space<vmem_shared>>) target_semaphore(%run_scoped3A : memref<!tpu.dma_semaphore, #tpu.memory_space<semaphore_mem>>)
      %dma_wait3A = arith.constant 0 : i32
      %dma_wait3A_16 = tpu.memref_slice %arg8[%mul3A_2, %dma_wait3A] : memref<50176x32xf32, #tpu.memory_space<vmem_shared>> -> memref<3136x32xf32, #tpu.memory_space<vmem_shared>>
      %dma_wait3A_17 = arith.constant 0 : i32
      %dma_wait3A_18 = arith.constant 0 : i32
      %dma_wait3A_19 = tpu.memref_slice %arg4[%dma_wait3A_17, %dma_wait3A_18] : memref<3136x32xf32, #tpu.memory_space<hbm>> -> memref<3136x32xf32, #tpu.memory_space<hbm>>
      tpu.wait_dma2 semaphore(%run_scoped3A : memref<!tpu.dma_semaphore, #tpu.memory_space<semaphore_mem>>) src(%dma_wait3A_19 : memref<3136x32xf32, #tpu.memory_space<hbm>>) dst(%dma_wait3A_16 : memref<3136x32xf32, #tpu.memory_space<vmem_shared>>)
      tpu.yield
    }) : () -> ()
    "tpu.region"() ({
      %run_scoped3A = tpu.sem_alloc : memref<!tpu.dma_semaphore, #tpu.memory_space<semaphore_mem>>
      %dma_start3A = arith.constant 0 : i32
      %dma_start3A_12 = arith.constant 0 : i32
      %dma_start3A_13 = tpu.memref_slice %arg3[%add3A, %dma_start3A, %dma_start3A_12] : memref<32x25x128xi32, #tpu.memory_space<hbm>> -> memref<1x25x128xi32, #tpu.memory_space<hbm>>
      %dma_start3A_14 = tpu.memref_squeeze %dma_start3A_13 : memref<1x25x128xi32, #tpu.memory_space<hbm>> -> memref<25x128xi32, #tpu.memory_space<hbm>>
      %dma_start3A_15 = arith.constant 0 : i32
      %dma_start3A_16 = arith.constant 0 : i32
      %dma_start3A_17 = tpu.memref_slice %arg3[%add3A, %dma_start3A_15, %dma_start3A_16] : memref<32x25x128xi32, #tpu.memory_space<hbm>> -> memref<1x25x128xi32, #tpu.memory_space<hbm>>
      %dma_start3A_18 = tpu.memref_squeeze %dma_start3A_17 : memref<1x25x128xi32, #tpu.memory_space<hbm>> -> memref<25x128xi32, #tpu.memory_space<hbm>>
      tpu.enqueue_dma source(%dma_start3A_18 : memref<25x128xi32, #tpu.memory_space<hbm>>) target(%arg6 : memref<25x128xi32, #tpu.memory_space<vmem>>) target_semaphore(%run_scoped3A : memref<!tpu.dma_semaphore, #tpu.memory_space<semaphore_mem>>)
      %dma_wait3A = arith.constant 0 : i32
      %dma_wait3A_19 = arith.constant 0 : i32
      %dma_wait3A_20 = tpu.memref_slice %arg3[%add3A, %dma_wait3A, %dma_wait3A_19] : memref<32x25x128xi32, #tpu.memory_space<hbm>> -> memref<1x25x128xi32, #tpu.memory_space<hbm>>
      %dma_wait3A_21 = tpu.memref_squeeze %dma_wait3A_20 : memref<1x25x128xi32, #tpu.memory_space<hbm>> -> memref<25x128xi32, #tpu.memory_space<hbm>>
      %dma_wait3A_22 = arith.constant 0 : i32
      %dma_wait3A_23 = arith.constant 0 : i32
      %dma_wait3A_24 = tpu.memref_slice %arg3[%add3A, %dma_wait3A_22, %dma_wait3A_23] : memref<32x25x128xi32, #tpu.memory_space<hbm>> -> memref<1x25x128xi32, #tpu.memory_space<hbm>>
      %dma_wait3A_25 = tpu.memref_squeeze %dma_wait3A_24 : memref<1x25x128xi32, #tpu.memory_space<hbm>> -> memref<25x128xi32, #tpu.memory_space<hbm>>
      tpu.wait_dma2 semaphore(%run_scoped3A : memref<!tpu.dma_semaphore, #tpu.memory_space<semaphore_mem>>) src(%dma_wait3A_25 : memref<25x128xi32, #tpu.memory_space<hbm>>) dst(%arg6 : memref<25x128xi32, #tpu.memory_space<vmem>>)
      tpu.yield
    }) : () -> ()
    %barrier3A = arith.constant 0 : index
    tpu.barrier barrier_id(%barrier3A)
    %scan3A = arith.constant 0 : i32
    %scan3A_3 = arith.constant 25 : i32
    %scan3A_4 = arith.addi %scan3A, %scan3A_3 : i32
    %scan3A_5 = arith.constant 1 : i32
    scf.for %scan3A_12 = %scan3A to %scan3A_4 step %scan3A_5  : i32 {
      %mul3A_13 = arith.constant 25 : i32
      %mul3A_14 = arith.muli %add3A, %mul3A_13 : i32
      %mul3A_15 = arith.constant 128 : i32
      %mul3A_16 = arith.muli %mul3A_14, %mul3A_15 : i32
      %mul3A_17 = arith.constant 128 : i32
      %mul3A_18 = arith.muli %scan3A_12, %mul3A_17 : i32
      %add3A_19 = arith.addi %mul3A_16, %mul3A_18 : i32
      %dma_start3A = arith.constant 0 : i32
      %dma_start3A_20 = tpu.memref_slice %arg2[%add3A_19, %dma_start3A] : memref<102400x32xf32, #tpu.memory_space<hbm>> -> memref<128x32xf32, #tpu.memory_space<hbm>>
      %dma_start3A_21 = arith.constant 0 : i32
      %dma_start3A_22 = tpu.memref_slice %arg2[%add3A_19, %dma_start3A_21] : memref<102400x32xf32, #tpu.memory_space<hbm>> -> memref<128x32xf32, #tpu.memory_space<hbm>>
      tpu.enqueue_dma source(%dma_start3A_22 : memref<128x32xf32, #tpu.memory_space<hbm>>) target(%arg7 : memref<128x32xf32, #tpu.memory_space<vmem>>) target_semaphore(%arg9 : memref<!tpu.dma_semaphore, #tpu.memory_space<semaphore_mem>>)
      %dma_wait3A = arith.constant 0 : i32
      %dma_wait3A_23 = tpu.memref_slice %arg2[%add3A_19, %dma_wait3A] : memref<102400x32xf32, #tpu.memory_space<hbm>> -> memref<128x32xf32, #tpu.memory_space<hbm>>
      %dma_wait3A_24 = arith.constant 0 : i32
      %dma_wait3A_25 = tpu.memref_slice %arg2[%add3A_19, %dma_wait3A_24] : memref<102400x32xf32, #tpu.memory_space<hbm>> -> memref<128x32xf32, #tpu.memory_space<hbm>>
      tpu.wait_dma2 semaphore(%arg9 : memref<!tpu.dma_semaphore, #tpu.memory_space<semaphore_mem>>) src(%dma_wait3A_25 : memref<128x32xf32, #tpu.memory_space<hbm>>) dst(%arg7 : memref<128x32xf32, #tpu.memory_space<vmem>>)
      "tpu.region"() ({
        %run_scoped3A = tpu.sem_alloc : memref<!tpu.dma_semaphore, #tpu.memory_space<semaphore_mem>>
        %dma_start3A_26 = arith.constant 0 : i32
        %dma_start3A_27 = tpu.memref_slice %arg6[%scan3A_12, %dma_start3A_26] : memref<25x128xi32, #tpu.memory_space<vmem>> -> memref<1x128xi32, #tpu.memory_space<vmem>>
        %dma_start3A_28 = tpu.memref_squeeze %dma_start3A_27 : memref<1x128xi32, #tpu.memory_space<vmem>> -> memref<128xi32, #tpu.memory_space<vmem>>
        %dma_start3A_29 = arith.constant 0 : i32
        %dma_start3A_30 = arith.constant 0 : i32
        %dma_start3A_31 = tpu.memref_slice %arg8[%dma_start3A_29, %dma_start3A_30] : memref<50176x32xf32, #tpu.memory_space<vmem_shared>> -> memref<50176x32xf32, #tpu.memory_space<vmem_shared>>
        tpu.enqueue_indirect_dma source(%arg7 : memref<128x32xf32, #tpu.memory_space<vmem>>) target(%dma_start3A_31 : memref<50176x32xf32, #tpu.memory_space<vmem_shared>>) offsets(%dma_start3A_28 : memref<128xi32, #tpu.memory_space<vmem>>) semaphore(%run_scoped3A : memref<!tpu.dma_semaphore, #tpu.memory_space<semaphore_mem>>) {add = true}
        %dma_wait3A_32 = arith.constant 0 : i32
        %dma_wait3A_33 = tpu.memref_slice %arg6[%scan3A_12, %dma_wait3A_32] : memref<25x128xi32, #tpu.memory_space<vmem>> -> memref<1x128xi32, #tpu.memory_space<vmem>>
        %dma_wait3A_34 = tpu.memref_squeeze %dma_wait3A_33 : memref<1x128xi32, #tpu.memory_space<vmem>> -> memref<128xi32, #tpu.memory_space<vmem>>
        %dma_wait3A_35 = arith.constant 0 : i32
        %dma_wait3A_36 = arith.constant 0 : i32
        %dma_wait3A_37 = tpu.memref_slice %arg8[%dma_wait3A_35, %dma_wait3A_36] : memref<50176x32xf32, #tpu.memory_space<vmem_shared>> -> memref<50176x32xf32, #tpu.memory_space<vmem_shared>>
        tpu.wait_indirect_dma semaphore(%run_scoped3A : memref<!tpu.dma_semaphore, #tpu.memory_space<semaphore_mem>>) src(%arg7 : memref<128x32xf32, #tpu.memory_space<vmem>>) dst(%dma_wait3A_37 : memref<50176x32xf32, #tpu.memory_space<vmem_shared>>)
        tpu.yield
      }) : () -> ()
    }
    %scan3A_6 = arith.constant 25 : i32
    %barrier3A_7 = arith.constant 0 : index
    tpu.barrier barrier_id(%barrier3A_7)
    %mul3A_8 = arith.constant 3136 : i32
    %mul3A_9 = arith.muli %arg1, %mul3A_8 : i32
    %mul3A_10 = arith.constant 3136 : i32
    %mul3A_11 = arith.muli %arg1, %mul3A_10 : i32
    "tpu.region"() ({
      %run_scoped3A = tpu.sem_alloc : memref<!tpu.dma_semaphore, #tpu.memory_space<semaphore_mem>>
      %dma_start3A = arith.constant 0 : i32
      %dma_start3A_12 = arith.constant 0 : i32
      %dma_start3A_13 = tpu.memref_slice %arg5[%arg0, %dma_start3A, %dma_start3A_12] : memref<2x50176x32xf32, #tpu.memory_space<hbm>> -> memref<1x50176x32xf32, #tpu.memory_space<hbm>>
      %dma_start3A_14 = tpu.memref_squeeze %dma_start3A_13 : memref<1x50176x32xf32, #tpu.memory_space<hbm>> -> memref<50176x32xf32, #tpu.memory_space<hbm>>
      %dma_start3A_15 = arith.constant 0 : i32
      %dma_start3A_16 = tpu.memref_slice %dma_start3A_14[%mul3A_11, %dma_start3A_15] : memref<50176x32xf32, #tpu.memory_space<hbm>> -> memref<3136x32xf32, #tpu.memory_space<hbm>>
      %dma_start3A_17 = arith.constant 0 : i32
      %dma_start3A_18 = tpu.memref_slice %arg8[%mul3A_9, %dma_start3A_17] : memref<50176x32xf32, #tpu.memory_space<vmem_shared>> -> memref<3136x32xf32, #tpu.memory_space<vmem_shared>>
      tpu.enqueue_dma source(%dma_start3A_18 : memref<3136x32xf32, #tpu.memory_space<vmem_shared>>) target(%dma_start3A_16 : memref<3136x32xf32, #tpu.memory_space<hbm>>) target_semaphore(%run_scoped3A : memref<!tpu.dma_semaphore, #tpu.memory_space<semaphore_mem>>)
      %dma_wait3A = arith.constant 0 : i32
      %dma_wait3A_19 = arith.constant 0 : i32
      %dma_wait3A_20 = tpu.memref_slice %arg5[%arg0, %dma_wait3A, %dma_wait3A_19] : memref<2x50176x32xf32, #tpu.memory_space<hbm>> -> memref<1x50176x32xf32, #tpu.memory_space<hbm>>
      %dma_wait3A_21 = tpu.memref_squeeze %dma_wait3A_20 : memref<1x50176x32xf32, #tpu.memory_space<hbm>> -> memref<50176x32xf32, #tpu.memory_space<hbm>>
      %dma_wait3A_22 = arith.constant 0 : i32
      %dma_wait3A_23 = tpu.memref_slice %dma_wait3A_21[%mul3A_11, %dma_wait3A_22] : memref<50176x32xf32, #tpu.memory_space<hbm>> -> memref<3136x32xf32, #tpu.memory_space<hbm>>
      %dma_wait3A_24 = arith.constant 0 : i32
      %dma_wait3A_25 = tpu.memref_slice %arg8[%mul3A_9, %dma_wait3A_24] : memref<50176x32xf32, #tpu.memory_space<vmem_shared>> -> memref<3136x32xf32, #tpu.memory_space<vmem_shared>>
      tpu.wait_dma2 semaphore(%run_scoped3A : memref<!tpu.dma_semaphore, #tpu.memory_space<semaphore_mem>>) src(%dma_wait3A_25 : memref<3136x32xf32, #tpu.memory_space<vmem_shared>>) dst(%dma_wait3A_23 : memref<3136x32xf32, #tpu.memory_space<hbm>>)
      tpu.yield
    }) : () -> ()
    return
  }
}

#map = affine_map<(d0, d1) -> (0, 0)>
#map1 = affine_map<(d0, d1) -> (0, 0, 0)>
module attributes {stable_mosaic.version = 14 : i64} {
  func.func @k(%arg0: i32, %arg1: i32, %arg2: memref<50000x32xf32, #tpu.memory_space<hbm>>, %arg3: memref<32x25x128xi32, #tpu.memory_space<hbm>>, %arg4: memref<102400x32xf32, #tpu.memory_space<hbm>>, %arg5: memref<25x128xi32, #tpu.memory_space<vmem>>, %arg6: memref<128x32xf32, #tpu.memory_space<vmem>>, %arg7: memref<!tpu.dma_semaphore, #tpu.memory_space<semaphore_mem>>) attributes {dimension_semantics = [#tpu.dimension_semantics<core_parallel>, #tpu.dimension_semantics<subcore_parallel>], iteration_bounds = array<i64: 2, 16>, scalar_prefetch = 0 : i64, scratch_operands = 3 : i64, tpu.core_type = #tpu.core_type<sc_vector_subcore>, window_params = [{transform_indices = #map}, {transform_indices = #map1}, {transform_indices = #map}]} {
    %mul3A = arith.constant 16 : i32
    %mul3A_0 = arith.muli %arg0, %mul3A : i32
    %add3A = arith.addi %mul3A_0, %arg1 : i32
    "tpu.region"() ({
      %run_scoped3A = tpu.sem_alloc : memref<!tpu.dma_semaphore, #tpu.memory_space<semaphore_mem>>
      %dma_start3A = arith.constant 0 : i32
      %dma_start3A_5 = arith.constant 0 : i32
      %dma_start3A_6 = tpu.memref_slice %arg3[%add3A, %dma_start3A, %dma_start3A_5] : memref<32x25x128xi32, #tpu.memory_space<hbm>> -> memref<1x25x128xi32, #tpu.memory_space<hbm>>
      %dma_start3A_7 = tpu.memref_squeeze %dma_start3A_6 : memref<1x25x128xi32, #tpu.memory_space<hbm>> -> memref<25x128xi32, #tpu.memory_space<hbm>>
      %dma_start3A_8 = arith.constant 0 : i32
      %dma_start3A_9 = arith.constant 0 : i32
      %dma_start3A_10 = tpu.memref_slice %arg3[%add3A, %dma_start3A_8, %dma_start3A_9] : memref<32x25x128xi32, #tpu.memory_space<hbm>> -> memref<1x25x128xi32, #tpu.memory_space<hbm>>
      %dma_start3A_11 = tpu.memref_squeeze %dma_start3A_10 : memref<1x25x128xi32, #tpu.memory_space<hbm>> -> memref<25x128xi32, #tpu.memory_space<hbm>>
      tpu.enqueue_dma source(%dma_start3A_11 : memref<25x128xi32, #tpu.memory_space<hbm>>) target(%arg5 : memref<25x128xi32, #tpu.memory_space<vmem>>) target_semaphore(%run_scoped3A : memref<!tpu.dma_semaphore, #tpu.memory_space<semaphore_mem>>)
      %dma_wait3A = arith.constant 0 : i32
      %dma_wait3A_12 = arith.constant 0 : i32
      %dma_wait3A_13 = tpu.memref_slice %arg3[%add3A, %dma_wait3A, %dma_wait3A_12] : memref<32x25x128xi32, #tpu.memory_space<hbm>> -> memref<1x25x128xi32, #tpu.memory_space<hbm>>
      %dma_wait3A_14 = tpu.memref_squeeze %dma_wait3A_13 : memref<1x25x128xi32, #tpu.memory_space<hbm>> -> memref<25x128xi32, #tpu.memory_space<hbm>>
      %dma_wait3A_15 = arith.constant 0 : i32
      %dma_wait3A_16 = arith.constant 0 : i32
      %dma_wait3A_17 = tpu.memref_slice %arg3[%add3A, %dma_wait3A_15, %dma_wait3A_16] : memref<32x25x128xi32, #tpu.memory_space<hbm>> -> memref<1x25x128xi32, #tpu.memory_space<hbm>>
      %dma_wait3A_18 = tpu.memref_squeeze %dma_wait3A_17 : memref<1x25x128xi32, #tpu.memory_space<hbm>> -> memref<25x128xi32, #tpu.memory_space<hbm>>
      tpu.wait_dma2 semaphore(%run_scoped3A : memref<!tpu.dma_semaphore, #tpu.memory_space<semaphore_mem>>) src(%dma_wait3A_18 : memref<25x128xi32, #tpu.memory_space<hbm>>) dst(%arg5 : memref<25x128xi32, #tpu.memory_space<vmem>>)
      tpu.yield
    }) : () -> ()
    %scan3A = arith.constant 0 : i32
    %scan3A_1 = arith.constant 25 : i32
    %scan3A_2 = arith.addi %scan3A, %scan3A_1 : i32
    %scan3A_3 = arith.constant 1 : i32
    scf.for %scan3A_5 = %scan3A to %scan3A_2 step %scan3A_3  : i32 {
      %dma_start3A = arith.constant 0 : i32
      %dma_start3A_6 = tpu.memref_slice %arg5[%scan3A_5, %dma_start3A] : memref<25x128xi32, #tpu.memory_space<vmem>> -> memref<1x128xi32, #tpu.memory_space<vmem>>
      %dma_start3A_7 = tpu.memref_squeeze %dma_start3A_6 : memref<1x128xi32, #tpu.memory_space<vmem>> -> memref<128xi32, #tpu.memory_space<vmem>>
      %dma_start3A_8 = arith.constant 0 : i32
      %dma_start3A_9 = arith.constant 0 : i32
      %dma_start3A_10 = tpu.memref_slice %arg2[%dma_start3A_8, %dma_start3A_9] : memref<50000x32xf32, #tpu.memory_space<hbm>> -> memref<50000x32xf32, #tpu.memory_space<hbm>>
      tpu.enqueue_indirect_dma source(%dma_start3A_10 : memref<50000x32xf32, #tpu.memory_space<hbm>>) target(%arg6 : memref<128x32xf32, #tpu.memory_space<vmem>>) offsets(%dma_start3A_7 : memref<128xi32, #tpu.memory_space<vmem>>) semaphore(%arg7 : memref<!tpu.dma_semaphore, #tpu.memory_space<semaphore_mem>>)
      %dma_wait3A = arith.constant 0 : i32
      %dma_wait3A_11 = tpu.memref_slice %arg5[%scan3A_5, %dma_wait3A] : memref<25x128xi32, #tpu.memory_space<vmem>> -> memref<1x128xi32, #tpu.memory_space<vmem>>
      %dma_wait3A_12 = tpu.memref_squeeze %dma_wait3A_11 : memref<1x128xi32, #tpu.memory_space<vmem>> -> memref<128xi32, #tpu.memory_space<vmem>>
      %dma_wait3A_13 = arith.constant 0 : i32
      %dma_wait3A_14 = arith.constant 0 : i32
      %dma_wait3A_15 = tpu.memref_slice %arg2[%dma_wait3A_13, %dma_wait3A_14] : memref<50000x32xf32, #tpu.memory_space<hbm>> -> memref<50000x32xf32, #tpu.memory_space<hbm>>
      tpu.wait_indirect_dma semaphore(%arg7 : memref<!tpu.dma_semaphore, #tpu.memory_space<semaphore_mem>>) src(%dma_wait3A_15 : memref<50000x32xf32, #tpu.memory_space<hbm>>) dst(%arg6 : memref<128x32xf32, #tpu.memory_space<vmem>>)
      %mul3A_16 = arith.constant 25 : i32
      %mul3A_17 = arith.muli %add3A, %mul3A_16 : i32
      %mul3A_18 = arith.constant 128 : i32
      %mul3A_19 = arith.muli %mul3A_17, %mul3A_18 : i32
      %mul3A_20 = arith.constant 128 : i32
      %mul3A_21 = arith.muli %scan3A_5, %mul3A_20 : i32
      %add3A_22 = arith.addi %mul3A_19, %mul3A_21 : i32
      "tpu.region"() ({
        %run_scoped3A = tpu.sem_alloc : memref<!tpu.dma_semaphore, #tpu.memory_space<semaphore_mem>>
        %dma_start3A_23 = arith.constant 0 : i32
        %dma_start3A_24 = tpu.memref_slice %arg4[%add3A_22, %dma_start3A_23] : memref<102400x32xf32, #tpu.memory_space<hbm>> -> memref<128x32xf32, #tpu.memory_space<hbm>>
        %dma_start3A_25 = arith.constant 0 : i32
        %dma_start3A_26 = tpu.memref_slice %arg4[%add3A_22, %dma_start3A_25] : memref<102400x32xf32, #tpu.memory_space<hbm>> -> memref<128x32xf32, #tpu.memory_space<hbm>>
        tpu.enqueue_dma source(%arg6 : memref<128x32xf32, #tpu.memory_space<vmem>>) target(%dma_start3A_26 : memref<128x32xf32, #tpu.memory_space<hbm>>) target_semaphore(%run_scoped3A : memref<!tpu.dma_semaphore, #tpu.memory_space<semaphore_mem>>)
        %dma_wait3A_27 = arith.constant 0 : i32
        %dma_wait3A_28 = tpu.memref_slice %arg4[%add3A_22, %dma_wait3A_27] : memref<102400x32xf32, #tpu.memory_space<hbm>> -> memref<128x32xf32, #tpu.memory_space<hbm>>
        %dma_wait3A_29 = arith.constant 0 : i32
        %dma_wait3A_30 = tpu.memref_slice %arg4[%add3A_22, %dma_wait3A_29] : memref<102400x32xf32, #tpu.memory_space<hbm>> -> memref<128x32xf32, #tpu.memory_space<hbm>>
        tpu.wait_dma2 semaphore(%run_scoped3A : memref<!tpu.dma_semaphore, #tpu.memory_space<semaphore_mem>>) src(%arg6 : memref<128x32xf32, #tpu.memory_space<vmem>>) dst(%dma_wait3A_30 : memref<128x32xf32, #tpu.memory_space<hbm>>)
        tpu.yield
      }) : () -> ()
    }
    %scan3A_4 = arith.constant 25 : i32
    return
  }
}

#map = affine_map<(d0, d1) -> (0, 0)>
#map1 = affine_map<(d0, d1) -> (0, 0, 0)>
module attributes {stable_mosaic.version = 14 : i64} {
  func.func @k(%arg0: i32, %arg1: i32, %arg2: memref<102400x32xf32, #tpu.memory_space<hbm>>, %arg3: memref<32x25x128xi32, #tpu.memory_space<hbm>>, %arg4: memref<3136x32xf32, #tpu.memory_space<hbm>>, %arg5: memref<2x50176x32xf32, #tpu.memory_space<hbm>>, %arg6: memref<25x128xi32, #tpu.memory_space<vmem>>, %arg7: memref<128x32xf32, #tpu.memory_space<vmem>>, %arg8: memref<50176x32xf32, #tpu.memory_space<vmem_shared>>, %arg9: memref<!tpu.dma_semaphore, #tpu.memory_space<semaphore_mem>>) attributes {dimension_semantics = [#tpu.dimension_semantics<core_parallel>, #tpu.dimension_semantics<subcore_parallel>], iteration_bounds = array<i64: 2, 16>, scalar_prefetch = 0 : i64, scratch_operands = 4 : i64, tpu.core_type = #tpu.core_type<sc_vector_subcore>, window_params = [{transform_indices = #map}, {transform_indices = #map1}, {transform_indices = #map}, {transform_indices = #map1}]} {
    %mul3A = arith.constant 16 : i32
    %mul3A_0 = arith.muli %arg0, %mul3A : i32
    %add3A = arith.addi %mul3A_0, %arg1 : i32
    %mul3A_1 = arith.constant 3136 : i32
    %mul3A_2 = arith.muli %arg1, %mul3A_1 : i32
    "tpu.region"() ({
      %run_scoped3A = tpu.sem_alloc : memref<!tpu.dma_semaphore, #tpu.memory_space<semaphore_mem>>
      %dma_start3A = arith.constant 0 : i32
      %dma_start3A_12 = tpu.memref_slice %arg8[%mul3A_2, %dma_start3A] : memref<50176x32xf32, #tpu.memory_space<vmem_shared>> -> memref<3136x32xf32, #tpu.memory_space<vmem_shared>>
      %dma_start3A_13 = arith.constant 0 : i32
      %dma_start3A_14 = arith.constant 0 : i32
      %dma_start3A_15 = tpu.memref_slice %arg4[%dma_start3A_13, %dma_start3A_14] : memref<3136x32xf32, #tpu.memory_space<hbm>> -> memref<3136x32xf32, #tpu.memory_space<hbm>>
      tpu.enqueue_dma source(%dma_start3A_15 : memref<3136x32xf32, #tpu.memory_space<hbm>>) target(%dma_start3A_12 : memref<3136x32xf32, #tpu.memory_space<vmem_shared>>) target_semaphore(%run_scoped3A : memref<!tpu.dma_semaphore, #tpu.memory_space<semaphore_mem>>)
      %dma_wait3A = arith.constant 0 : i32
      %dma_wait3A_16 = tpu.memref_slice %arg8[%mul3A_2, %dma_wait3A] : memref<50176x32xf32, #tpu.memory_space<vmem_shared>> -> memref<3136x32xf32, #tpu.memory_space<vmem_shared>>
      %dma_wait3A_17 = arith.constant 0 : i32
      %dma_wait3A_18 = arith.constant 0 : i32
      %dma_wait3A_19 = tpu.memref_slice %arg4[%dma_wait3A_17, %dma_wait3A_18] : memref<3136x32xf32, #tpu.memory_space<hbm>> -> memref<3136x32xf32, #tpu.memory_space<hbm>>
      tpu.wait_dma2 semaphore(%run_scoped3A : memref<!tpu.dma_semaphore, #tpu.memory_space<semaphore_mem>>) src(%dma_wait3A_19 : memref<3136x32xf32, #tpu.memory_space<hbm>>) dst(%dma_wait3A_16 : memref<3136x32xf32, #tpu.memory_space<vmem_shared>>)
      tpu.yield
    }) : () -> ()
    "tpu.region"() ({
      %run_scoped3A = tpu.sem_alloc : memref<!tpu.dma_semaphore, #tpu.memory_space<semaphore_mem>>
      %dma_start3A = arith.constant 0 : i32
      %dma_start3A_12 = arith.constant 0 : i32
      %dma_start3A_13 = tpu.memref_slice %arg3[%add3A, %dma_start3A, %dma_start3A_12] : memref<32x25x128xi32, #tpu.memory_space<hbm>> -> memref<1x25x128xi32, #tpu.memory_space<hbm>>
      %dma_start3A_14 = tpu.memref_squeeze %dma_start3A_13 : memref<1x25x128xi32, #tpu.memory_space<hbm>> -> memref<25x128xi32, #tpu.memory_space<hbm>>
      %dma_start3A_15 = arith.constant 0 : i32
      %dma_start3A_16 = arith.constant 0 : i32
      %dma_start3A_17 = tpu.memref_slice %arg3[%add3A, %dma_start3A_15, %dma_start3A_16] : memref<32x25x128xi32, #tpu.memory_space<hbm>> -> memref<1x25x128xi32, #tpu.memory_space<hbm>>
      %dma_start3A_18 = tpu.memref_squeeze %dma_start3A_17 : memref<1x25x128xi32, #tpu.memory_space<hbm>> -> memref<25x128xi32, #tpu.memory_space<hbm>>
      tpu.enqueue_dma source(%dma_start3A_18 : memref<25x128xi32, #tpu.memory_space<hbm>>) target(%arg6 : memref<25x128xi32, #tpu.memory_space<vmem>>) target_semaphore(%run_scoped3A : memref<!tpu.dma_semaphore, #tpu.memory_space<semaphore_mem>>)
      %dma_wait3A = arith.constant 0 : i32
      %dma_wait3A_19 = arith.constant 0 : i32
      %dma_wait3A_20 = tpu.memref_slice %arg3[%add3A, %dma_wait3A, %dma_wait3A_19] : memref<32x25x128xi32, #tpu.memory_space<hbm>> -> memref<1x25x128xi32, #tpu.memory_space<hbm>>
      %dma_wait3A_21 = tpu.memref_squeeze %dma_wait3A_20 : memref<1x25x128xi32, #tpu.memory_space<hbm>> -> memref<25x128xi32, #tpu.memory_space<hbm>>
      %dma_wait3A_22 = arith.constant 0 : i32
      %dma_wait3A_23 = arith.constant 0 : i32
      %dma_wait3A_24 = tpu.memref_slice %arg3[%add3A, %dma_wait3A_22, %dma_wait3A_23] : memref<32x25x128xi32, #tpu.memory_space<hbm>> -> memref<1x25x128xi32, #tpu.memory_space<hbm>>
      %dma_wait3A_25 = tpu.memref_squeeze %dma_wait3A_24 : memref<1x25x128xi32, #tpu.memory_space<hbm>> -> memref<25x128xi32, #tpu.memory_space<hbm>>
      tpu.wait_dma2 semaphore(%run_scoped3A : memref<!tpu.dma_semaphore, #tpu.memory_space<semaphore_mem>>) src(%dma_wait3A_25 : memref<25x128xi32, #tpu.memory_space<hbm>>) dst(%arg6 : memref<25x128xi32, #tpu.memory_space<vmem>>)
      tpu.yield
    }) : () -> ()
    %barrier3A = arith.constant 0 : index
    tpu.barrier barrier_id(%barrier3A)
    %scan3A = arith.constant 0 : i32
    %scan3A_3 = arith.constant 25 : i32
    %scan3A_4 = arith.addi %scan3A, %scan3A_3 : i32
    %scan3A_5 = arith.constant 1 : i32
    scf.for %scan3A_12 = %scan3A to %scan3A_4 step %scan3A_5  : i32 {
      %mul3A_13 = arith.constant 25 : i32
      %mul3A_14 = arith.muli %add3A, %mul3A_13 : i32
      %mul3A_15 = arith.constant 128 : i32
      %mul3A_16 = arith.muli %mul3A_14, %mul3A_15 : i32
      %mul3A_17 = arith.constant 128 : i32
      %mul3A_18 = arith.muli %scan3A_12, %mul3A_17 : i32
      %add3A_19 = arith.addi %mul3A_16, %mul3A_18 : i32
      %dma_start3A = arith.constant 0 : i32
      %dma_start3A_20 = tpu.memref_slice %arg2[%add3A_19, %dma_start3A] : memref<102400x32xf32, #tpu.memory_space<hbm>> -> memref<128x32xf32, #tpu.memory_space<hbm>>
      %dma_start3A_21 = arith.constant 0 : i32
      %dma_start3A_22 = tpu.memref_slice %arg2[%add3A_19, %dma_start3A_21] : memref<102400x32xf32, #tpu.memory_space<hbm>> -> memref<128x32xf32, #tpu.memory_space<hbm>>
      tpu.enqueue_dma source(%dma_start3A_22 : memref<128x32xf32, #tpu.memory_space<hbm>>) target(%arg7 : memref<128x32xf32, #tpu.memory_space<vmem>>) target_semaphore(%arg9 : memref<!tpu.dma_semaphore, #tpu.memory_space<semaphore_mem>>)
      %dma_wait3A = arith.constant 0 : i32
      %dma_wait3A_23 = tpu.memref_slice %arg2[%add3A_19, %dma_wait3A] : memref<102400x32xf32, #tpu.memory_space<hbm>> -> memref<128x32xf32, #tpu.memory_space<hbm>>
      %dma_wait3A_24 = arith.constant 0 : i32
      %dma_wait3A_25 = tpu.memref_slice %arg2[%add3A_19, %dma_wait3A_24] : memref<102400x32xf32, #tpu.memory_space<hbm>> -> memref<128x32xf32, #tpu.memory_space<hbm>>
      tpu.wait_dma2 semaphore(%arg9 : memref<!tpu.dma_semaphore, #tpu.memory_space<semaphore_mem>>) src(%dma_wait3A_25 : memref<128x32xf32, #tpu.memory_space<hbm>>) dst(%arg7 : memref<128x32xf32, #tpu.memory_space<vmem>>)
      "tpu.region"() ({
        %run_scoped3A = tpu.sem_alloc : memref<!tpu.dma_semaphore, #tpu.memory_space<semaphore_mem>>
        %dma_start3A_26 = arith.constant 0 : i32
        %dma_start3A_27 = tpu.memref_slice %arg6[%scan3A_12, %dma_start3A_26] : memref<25x128xi32, #tpu.memory_space<vmem>> -> memref<1x128xi32, #tpu.memory_space<vmem>>
        %dma_start3A_28 = tpu.memref_squeeze %dma_start3A_27 : memref<1x128xi32, #tpu.memory_space<vmem>> -> memref<128xi32, #tpu.memory_space<vmem>>
        %dma_start3A_29 = arith.constant 0 : i32
        %dma_start3A_30 = arith.constant 0 : i32
        %dma_start3A_31 = tpu.memref_slice %arg8[%dma_start3A_29, %dma_start3A_30] : memref<50176x32xf32, #tpu.memory_space<vmem_shared>> -> memref<50176x32xf32, #tpu.memory_space<vmem_shared>>
        tpu.enqueue_indirect_dma source(%arg7 : memref<128x32xf32, #tpu.memory_space<vmem>>) target(%dma_start3A_31 : memref<50176x32xf32, #tpu.memory_space<vmem_shared>>) offsets(%dma_start3A_28 : memref<128xi32, #tpu.memory_space<vmem>>) semaphore(%run_scoped3A : memref<!tpu.dma_semaphore, #tpu.memory_space<semaphore_mem>>) {add = true}
        %dma_wait3A_32 = arith.constant 0 : i32
        %dma_wait3A_33 = tpu.memref_slice %arg6[%scan3A_12, %dma_wait3A_32] : memref<25x128xi32, #tpu.memory_space<vmem>> -> memref<1x128xi32, #tpu.memory_space<vmem>>
        %dma_wait3A_34 = tpu.memref_squeeze %dma_wait3A_33 : memref<1x128xi32, #tpu.memory_space<vmem>> -> memref<128xi32, #tpu.memory_space<vmem>>
        %dma_wait3A_35 = arith.constant 0 : i32
        %dma_wait3A_36 = arith.constant 0 : i32
        %dma_wait3A_37 = tpu.memref_slice %arg8[%dma_wait3A_35, %dma_wait3A_36] : memref<50176x32xf32, #tpu.memory_space<vmem_shared>> -> memref<50176x32xf32, #tpu.memory_space<vmem_shared>>
        tpu.wait_indirect_dma semaphore(%run_scoped3A : memref<!tpu.dma_semaphore, #tpu.memory_space<semaphore_mem>>) src(%arg7 : memref<128x32xf32, #tpu.memory_space<vmem>>) dst(%dma_wait3A_37 : memref<50176x32xf32, #tpu.memory_space<vmem_shared>>)
        tpu.yield
      }) : () -> ()
    }
    %scan3A_6 = arith.constant 25 : i32
    %barrier3A_7 = arith.constant 0 : index
    tpu.barrier barrier_id(%barrier3A_7)
    %mul3A_8 = arith.constant 3136 : i32
    %mul3A_9 = arith.muli %arg1, %mul3A_8 : i32
    %mul3A_10 = arith.constant 3136 : i32
    %mul3A_11 = arith.muli %arg1, %mul3A_10 : i32
    "tpu.region"() ({
      %run_scoped3A = tpu.sem_alloc : memref<!tpu.dma_semaphore, #tpu.memory_space<semaphore_mem>>
      %dma_start3A = arith.constant 0 : i32
      %dma_start3A_12 = arith.constant 0 : i32
      %dma_start3A_13 = tpu.memref_slice %arg5[%arg0, %dma_start3A, %dma_start3A_12] : memref<2x50176x32xf32, #tpu.memory_space<hbm>> -> memref<1x50176x32xf32, #tpu.memory_space<hbm>>
      %dma_start3A_14 = tpu.memref_squeeze %dma_start3A_13 : memref<1x50176x32xf32, #tpu.memory_space<hbm>> -> memref<50176x32xf32, #tpu.memory_space<hbm>>
      %dma_start3A_15 = arith.constant 0 : i32
      %dma_start3A_16 = tpu.memref_slice %dma_start3A_14[%mul3A_11, %dma_start3A_15] : memref<50176x32xf32, #tpu.memory_space<hbm>> -> memref<3136x32xf32, #tpu.memory_space<hbm>>
      %dma_start3A_17 = arith.constant 0 : i32
      %dma_start3A_18 = tpu.memref_slice %arg8[%mul3A_9, %dma_start3A_17] : memref<50176x32xf32, #tpu.memory_space<vmem_shared>> -> memref<3136x32xf32, #tpu.memory_space<vmem_shared>>
      tpu.enqueue_dma source(%dma_start3A_18 : memref<3136x32xf32, #tpu.memory_space<vmem_shared>>) target(%dma_start3A_16 : memref<3136x32xf32, #tpu.memory_space<hbm>>) target_semaphore(%run_scoped3A : memref<!tpu.dma_semaphore, #tpu.memory_space<semaphore_mem>>)
      %dma_wait3A = arith.constant 0 : i32
      %dma_wait3A_19 = arith.constant 0 : i32
      %dma_wait3A_20 = tpu.memref_slice %arg5[%arg0, %dma_wait3A, %dma_wait3A_19] : memref<2x50176x32xf32, #tpu.memory_space<hbm>> -> memref<1x50176x32xf32, #tpu.memory_space<hbm>>
      %dma_wait3A_21 = tpu.memref_squeeze %dma_wait3A_20 : memref<1x50176x32xf32, #tpu.memory_space<hbm>> -> memref<50176x32xf32, #tpu.memory_space<hbm>>
      %dma_wait3A_22 = arith.constant 0 : i32
      %dma_wait3A_23 = tpu.memref_slice %dma_wait3A_21[%mul3A_11, %dma_wait3A_22] : memref<50176x32xf32, #tpu.memory_space<hbm>> -> memref<3136x32xf32, #tpu.memory_space<hbm>>
      %dma_wait3A_24 = arith.constant 0 : i32
      %dma_wait3A_25 = tpu.memref_slice %arg8[%mul3A_9, %dma_wait3A_24] : memref<50176x32xf32, #tpu.memory_space<vmem_shared>> -> memref<3136x32xf32, #tpu.memory_space<vmem_shared>>
      tpu.wait_dma2 semaphore(%run_scoped3A : memref<!tpu.dma_semaphore, #tpu.memory_space<semaphore_mem>>) src(%dma_wait3A_25 : memref<3136x32xf32, #tpu.memory_space<vmem_shared>>) dst(%dma_wait3A_23 : memref<3136x32xf32, #tpu.memory_space<hbm>>)
      tpu.yield
    }) : () -> ()
    return
  }
}

#map = affine_map<(d0, d1) -> (0, 0)>
#map1 = affine_map<(d0, d1) -> (0, 0, 0)>
#map2 = affine_map<(d0, d1) -> (0)>
module attributes {stable_mosaic.version = 14 : i64} {
  func.func @k(%arg0: i32, %arg1: i32, %arg2: memref<50000x32xf32, #tpu.memory_space<hbm>>, %arg3: memref<32x25x128xi32, #tpu.memory_space<hbm>>, %arg4: memref<32x25x128xi32, #tpu.memory_space<hbm>>, %arg5: memref<102400x32xf32, #tpu.memory_space<hbm>>, %arg6: memref<50176xi32, #tpu.memory_space<hbm>>, %arg7: memref<3136x32xf32, #tpu.memory_space<hbm>>, %arg8: memref<2x1280x32xf32, #tpu.memory_space<hbm>>, %arg9: memref<2x1280x32xf32, #tpu.memory_space<hbm>>, %arg10: memref<25x128xi32, #tpu.memory_space<vmem>>, %arg11: memref<25x128xi32, #tpu.memory_space<vmem>>, %arg12: memref<128xi32, #tpu.memory_space<vmem>>, %arg13: memref<128x32xf32, #tpu.memory_space<vmem>>, %arg14: memref<128x32xf32, #tpu.memory_space<vmem>>, %arg15: memref<3136xi32, #tpu.memory_space<vmem>>, %arg16: memref<50176xi32, #tpu.memory_space<vmem_shared>>, %arg17: memref<1280x32xf32, #tpu.memory_space<vmem_shared>>, %arg18: memref<1280x32xf32, #tpu.memory_space<vmem_shared>>, %arg19: memref<!tpu.dma_semaphore, #tpu.memory_space<semaphore_mem>>) attributes {dimension_semantics = [#tpu.dimension_semantics<core_parallel>, #tpu.dimension_semantics<subcore_parallel>], iteration_bounds = array<i64: 2, 16>, scalar_prefetch = 0 : i64, scratch_operands = 10 : i64, tpu.core_type = #tpu.core_type<sc_vector_subcore>, window_params = [{transform_indices = #map}, {transform_indices = #map1}, {transform_indices = #map1}, {transform_indices = #map}, {transform_indices = #map2}, {transform_indices = #map}, {transform_indices = #map1}, {transform_indices = #map1}]} {
    %mul3A = arith.constant 16 : i32
    %mul3A_0 = arith.muli %arg0, %mul3A : i32
    %add3A = arith.addi %mul3A_0, %arg1 : i32
    %mul3A_1 = arith.constant 80 : i32
    %mul3A_2 = arith.muli %arg1, %mul3A_1 : i32
    "tpu.region"() ({
      %run_scoped3A = tpu.sem_alloc : memref<!tpu.dma_semaphore, #tpu.memory_space<semaphore_mem>>
      %dma_start3A = arith.constant 0 : i32
      %dma_start3A_22 = tpu.memref_slice %arg17[%mul3A_2, %dma_start3A] : memref<1280x32xf32, #tpu.memory_space<vmem_shared>> -> memref<80x32xf32, #tpu.memory_space<vmem_shared>>
      %dma_start3A_23 = arith.constant 0 : i32
      %dma_start3A_24 = arith.constant 0 : i32
      %dma_start3A_25 = tpu.memref_slice %arg7[%dma_start3A_23, %dma_start3A_24] : memref<3136x32xf32, #tpu.memory_space<hbm>> -> memref<80x32xf32, #tpu.memory_space<hbm>>
      tpu.enqueue_dma source(%dma_start3A_25 : memref<80x32xf32, #tpu.memory_space<hbm>>) target(%dma_start3A_22 : memref<80x32xf32, #tpu.memory_space<vmem_shared>>) target_semaphore(%run_scoped3A : memref<!tpu.dma_semaphore, #tpu.memory_space<semaphore_mem>>)
      %dma_wait3A = arith.constant 0 : i32
      %dma_wait3A_26 = tpu.memref_slice %arg17[%mul3A_2, %dma_wait3A] : memref<1280x32xf32, #tpu.memory_space<vmem_shared>> -> memref<80x32xf32, #tpu.memory_space<vmem_shared>>
      %dma_wait3A_27 = arith.constant 0 : i32
      %dma_wait3A_28 = arith.constant 0 : i32
      %dma_wait3A_29 = tpu.memref_slice %arg7[%dma_wait3A_27, %dma_wait3A_28] : memref<3136x32xf32, #tpu.memory_space<hbm>> -> memref<80x32xf32, #tpu.memory_space<hbm>>
      tpu.wait_dma2 semaphore(%run_scoped3A : memref<!tpu.dma_semaphore, #tpu.memory_space<semaphore_mem>>) src(%dma_wait3A_29 : memref<80x32xf32, #tpu.memory_space<hbm>>) dst(%dma_wait3A_26 : memref<80x32xf32, #tpu.memory_space<vmem_shared>>)
      tpu.yield
    }) : () -> ()
    %mul3A_3 = arith.constant 80 : i32
    %mul3A_4 = arith.muli %arg1, %mul3A_3 : i32
    "tpu.region"() ({
      %run_scoped3A = tpu.sem_alloc : memref<!tpu.dma_semaphore, #tpu.memory_space<semaphore_mem>>
      %dma_start3A = arith.constant 0 : i32
      %dma_start3A_22 = tpu.memref_slice %arg18[%mul3A_4, %dma_start3A] : memref<1280x32xf32, #tpu.memory_space<vmem_shared>> -> memref<80x32xf32, #tpu.memory_space<vmem_shared>>
      %dma_start3A_23 = arith.constant 0 : i32
      %dma_start3A_24 = arith.constant 0 : i32
      %dma_start3A_25 = tpu.memref_slice %arg7[%dma_start3A_23, %dma_start3A_24] : memref<3136x32xf32, #tpu.memory_space<hbm>> -> memref<80x32xf32, #tpu.memory_space<hbm>>
      tpu.enqueue_dma source(%dma_start3A_25 : memref<80x32xf32, #tpu.memory_space<hbm>>) target(%dma_start3A_22 : memref<80x32xf32, #tpu.memory_space<vmem_shared>>) target_semaphore(%run_scoped3A : memref<!tpu.dma_semaphore, #tpu.memory_space<semaphore_mem>>)
      %dma_wait3A = arith.constant 0 : i32
      %dma_wait3A_26 = tpu.memref_slice %arg18[%mul3A_4, %dma_wait3A] : memref<1280x32xf32, #tpu.memory_space<vmem_shared>> -> memref<80x32xf32, #tpu.memory_space<vmem_shared>>
      %dma_wait3A_27 = arith.constant 0 : i32
      %dma_wait3A_28 = arith.constant 0 : i32
      %dma_wait3A_29 = tpu.memref_slice %arg7[%dma_wait3A_27, %dma_wait3A_28] : memref<3136x32xf32, #tpu.memory_space<hbm>> -> memref<80x32xf32, #tpu.memory_space<hbm>>
      tpu.wait_dma2 semaphore(%run_scoped3A : memref<!tpu.dma_semaphore, #tpu.memory_space<semaphore_mem>>) src(%dma_wait3A_29 : memref<80x32xf32, #tpu.memory_space<hbm>>) dst(%dma_wait3A_26 : memref<80x32xf32, #tpu.memory_space<vmem_shared>>)
      tpu.yield
    }) : () -> ()
    %mul3A_5 = arith.constant 3136 : i32
    %mul3A_6 = arith.muli %arg1, %mul3A_5 : i32
    "tpu.region"() ({
      %run_scoped3A = tpu.sem_alloc : memref<!tpu.dma_semaphore, #tpu.memory_space<semaphore_mem>>
      %dma_start3A = tpu.memref_slice %arg6[%mul3A_6] : memref<50176xi32, #tpu.memory_space<hbm>> -> memref<3136xi32, #tpu.memory_space<hbm>>
      %dma_start3A_22 = tpu.memref_slice %arg6[%mul3A_6] : memref<50176xi32, #tpu.memory_space<hbm>> -> memref<3136xi32, #tpu.memory_space<hbm>>
      tpu.enqueue_dma source(%dma_start3A_22 : memref<3136xi32, #tpu.memory_space<hbm>>) target(%arg15 : memref<3136xi32, #tpu.memory_space<vmem>>) target_semaphore(%run_scoped3A : memref<!tpu.dma_semaphore, #tpu.memory_space<semaphore_mem>>)
      %dma_wait3A = tpu.memref_slice %arg6[%mul3A_6] : memref<50176xi32, #tpu.memory_space<hbm>> -> memref<3136xi32, #tpu.memory_space<hbm>>
      %dma_wait3A_23 = tpu.memref_slice %arg6[%mul3A_6] : memref<50176xi32, #tpu.memory_space<hbm>> -> memref<3136xi32, #tpu.memory_space<hbm>>
      tpu.wait_dma2 semaphore(%run_scoped3A : memref<!tpu.dma_semaphore, #tpu.memory_space<semaphore_mem>>) src(%dma_wait3A_23 : memref<3136xi32, #tpu.memory_space<hbm>>) dst(%arg15 : memref<3136xi32, #tpu.memory_space<vmem>>)
      tpu.yield
    }) : () -> ()
    %mul3A_7 = arith.constant 3136 : i32
    %mul3A_8 = arith.muli %arg1, %mul3A_7 : i32
    "tpu.region"() ({
      %run_scoped3A = tpu.sem_alloc : memref<!tpu.dma_semaphore, #tpu.memory_space<semaphore_mem>>
      %dma_start3A = tpu.memref_slice %arg16[%mul3A_8] : memref<50176xi32, #tpu.memory_space<vmem_shared>> -> memref<3136xi32, #tpu.memory_space<vmem_shared>>
      %dma_start3A_22 = tpu.memref_slice %arg16[%mul3A_8] : memref<50176xi32, #tpu.memory_space<vmem_shared>> -> memref<3136xi32, #tpu.memory_space<vmem_shared>>
      tpu.enqueue_dma source(%arg15 : memref<3136xi32, #tpu.memory_space<vmem>>) target(%dma_start3A_22 : memref<3136xi32, #tpu.memory_space<vmem_shared>>) target_semaphore(%run_scoped3A : memref<!tpu.dma_semaphore, #tpu.memory_space<semaphore_mem>>)
      %dma_wait3A = tpu.memref_slice %arg16[%mul3A_8] : memref<50176xi32, #tpu.memory_space<vmem_shared>> -> memref<3136xi32, #tpu.memory_space<vmem_shared>>
      %dma_wait3A_23 = tpu.memref_slice %arg16[%mul3A_8] : memref<50176xi32, #tpu.memory_space<vmem_shared>> -> memref<3136xi32, #tpu.memory_space<vmem_shared>>
      tpu.wait_dma2 semaphore(%run_scoped3A : memref<!tpu.dma_semaphore, #tpu.memory_space<semaphore_mem>>) src(%arg15 : memref<3136xi32, #tpu.memory_space<vmem>>) dst(%dma_wait3A_23 : memref<3136xi32, #tpu.memory_space<vmem_shared>>)
      tpu.yield
    }) : () -> ()
    "tpu.region"() ({
      %run_scoped3A = tpu.sem_alloc : memref<!tpu.dma_semaphore, #tpu.memory_space<semaphore_mem>>
      %dma_start3A = arith.constant 0 : i32
      %dma_start3A_22 = arith.constant 0 : i32
      %dma_start3A_23 = tpu.memref_slice %arg3[%add3A, %dma_start3A, %dma_start3A_22] : memref<32x25x128xi32, #tpu.memory_space<hbm>> -> memref<1x25x128xi32, #tpu.memory_space<hbm>>
      %dma_start3A_24 = tpu.memref_squeeze %dma_start3A_23 : memref<1x25x128xi32, #tpu.memory_space<hbm>> -> memref<25x128xi32, #tpu.memory_space<hbm>>
      %dma_start3A_25 = arith.constant 0 : i32
      %dma_start3A_26 = arith.constant 0 : i32
      %dma_start3A_27 = tpu.memref_slice %arg3[%add3A, %dma_start3A_25, %dma_start3A_26] : memref<32x25x128xi32, #tpu.memory_space<hbm>> -> memref<1x25x128xi32, #tpu.memory_space<hbm>>
      %dma_start3A_28 = tpu.memref_squeeze %dma_start3A_27 : memref<1x25x128xi32, #tpu.memory_space<hbm>> -> memref<25x128xi32, #tpu.memory_space<hbm>>
      tpu.enqueue_dma source(%dma_start3A_28 : memref<25x128xi32, #tpu.memory_space<hbm>>) target(%arg10 : memref<25x128xi32, #tpu.memory_space<vmem>>) target_semaphore(%run_scoped3A : memref<!tpu.dma_semaphore, #tpu.memory_space<semaphore_mem>>)
      %dma_wait3A = arith.constant 0 : i32
      %dma_wait3A_29 = arith.constant 0 : i32
      %dma_wait3A_30 = tpu.memref_slice %arg3[%add3A, %dma_wait3A, %dma_wait3A_29] : memref<32x25x128xi32, #tpu.memory_space<hbm>> -> memref<1x25x128xi32, #tpu.memory_space<hbm>>
      %dma_wait3A_31 = tpu.memref_squeeze %dma_wait3A_30 : memref<1x25x128xi32, #tpu.memory_space<hbm>> -> memref<25x128xi32, #tpu.memory_space<hbm>>
      %dma_wait3A_32 = arith.constant 0 : i32
      %dma_wait3A_33 = arith.constant 0 : i32
      %dma_wait3A_34 = tpu.memref_slice %arg3[%add3A, %dma_wait3A_32, %dma_wait3A_33] : memref<32x25x128xi32, #tpu.memory_space<hbm>> -> memref<1x25x128xi32, #tpu.memory_space<hbm>>
      %dma_wait3A_35 = tpu.memref_squeeze %dma_wait3A_34 : memref<1x25x128xi32, #tpu.memory_space<hbm>> -> memref<25x128xi32, #tpu.memory_space<hbm>>
      tpu.wait_dma2 semaphore(%run_scoped3A : memref<!tpu.dma_semaphore, #tpu.memory_space<semaphore_mem>>) src(%dma_wait3A_35 : memref<25x128xi32, #tpu.memory_space<hbm>>) dst(%arg10 : memref<25x128xi32, #tpu.memory_space<vmem>>)
      tpu.yield
    }) : () -> ()
    "tpu.region"() ({
      %run_scoped3A = tpu.sem_alloc : memref<!tpu.dma_semaphore, #tpu.memory_space<semaphore_mem>>
      %dma_start3A = arith.constant 0 : i32
      %dma_start3A_22 = arith.constant 0 : i32
      %dma_start3A_23 = tpu.memref_slice %arg4[%add3A, %dma_start3A, %dma_start3A_22] : memref<32x25x128xi32, #tpu.memory_space<hbm>> -> memref<1x25x128xi32, #tpu.memory_space<hbm>>
      %dma_start3A_24 = tpu.memref_squeeze %dma_start3A_23 : memref<1x25x128xi32, #tpu.memory_space<hbm>> -> memref<25x128xi32, #tpu.memory_space<hbm>>
      %dma_start3A_25 = arith.constant 0 : i32
      %dma_start3A_26 = arith.constant 0 : i32
      %dma_start3A_27 = tpu.memref_slice %arg4[%add3A, %dma_start3A_25, %dma_start3A_26] : memref<32x25x128xi32, #tpu.memory_space<hbm>> -> memref<1x25x128xi32, #tpu.memory_space<hbm>>
      %dma_start3A_28 = tpu.memref_squeeze %dma_start3A_27 : memref<1x25x128xi32, #tpu.memory_space<hbm>> -> memref<25x128xi32, #tpu.memory_space<hbm>>
      tpu.enqueue_dma source(%dma_start3A_28 : memref<25x128xi32, #tpu.memory_space<hbm>>) target(%arg11 : memref<25x128xi32, #tpu.memory_space<vmem>>) target_semaphore(%run_scoped3A : memref<!tpu.dma_semaphore, #tpu.memory_space<semaphore_mem>>)
      %dma_wait3A = arith.constant 0 : i32
      %dma_wait3A_29 = arith.constant 0 : i32
      %dma_wait3A_30 = tpu.memref_slice %arg4[%add3A, %dma_wait3A, %dma_wait3A_29] : memref<32x25x128xi32, #tpu.memory_space<hbm>> -> memref<1x25x128xi32, #tpu.memory_space<hbm>>
      %dma_wait3A_31 = tpu.memref_squeeze %dma_wait3A_30 : memref<1x25x128xi32, #tpu.memory_space<hbm>> -> memref<25x128xi32, #tpu.memory_space<hbm>>
      %dma_wait3A_32 = arith.constant 0 : i32
      %dma_wait3A_33 = arith.constant 0 : i32
      %dma_wait3A_34 = tpu.memref_slice %arg4[%add3A, %dma_wait3A_32, %dma_wait3A_33] : memref<32x25x128xi32, #tpu.memory_space<hbm>> -> memref<1x25x128xi32, #tpu.memory_space<hbm>>
      %dma_wait3A_35 = tpu.memref_squeeze %dma_wait3A_34 : memref<1x25x128xi32, #tpu.memory_space<hbm>> -> memref<25x128xi32, #tpu.memory_space<hbm>>
      tpu.wait_dma2 semaphore(%run_scoped3A : memref<!tpu.dma_semaphore, #tpu.memory_space<semaphore_mem>>) src(%dma_wait3A_35 : memref<25x128xi32, #tpu.memory_space<hbm>>) dst(%arg11 : memref<25x128xi32, #tpu.memory_space<vmem>>)
      tpu.yield
    }) : () -> ()
    %barrier3A = arith.constant 0 : index
    tpu.barrier barrier_id(%barrier3A)
    %scan3A = arith.constant 0 : i32
    %scan3A_9 = arith.constant 25 : i32
    %scan3A_10 = arith.addi %scan3A, %scan3A_9 : i32
    %scan3A_11 = arith.constant 1 : i32
    scf.for %scan3A_22 = %scan3A to %scan3A_10 step %scan3A_11  : i32 {
      %dma_start3A = arith.constant 0 : i32
      %dma_start3A_23 = tpu.memref_slice %arg10[%scan3A_22, %dma_start3A] : memref<25x128xi32, #tpu.memory_space<vmem>> -> memref<1x128xi32, #tpu.memory_space<vmem>>
      %dma_start3A_24 = tpu.memref_squeeze %dma_start3A_23 : memref<1x128xi32, #tpu.memory_space<vmem>> -> memref<128xi32, #tpu.memory_space<vmem>>
      %dma_start3A_25 = arith.constant 0 : i32
      %dma_start3A_26 = arith.constant 0 : i32
      %dma_start3A_27 = tpu.memref_slice %arg2[%dma_start3A_25, %dma_start3A_26] : memref<50000x32xf32, #tpu.memory_space<hbm>> -> memref<50000x32xf32, #tpu.memory_space<hbm>>
      tpu.enqueue_indirect_dma source(%dma_start3A_27 : memref<50000x32xf32, #tpu.memory_space<hbm>>) target(%arg13 : memref<128x32xf32, #tpu.memory_space<vmem>>) offsets(%dma_start3A_24 : memref<128xi32, #tpu.memory_space<vmem>>) semaphore(%arg19 : memref<!tpu.dma_semaphore, #tpu.memory_space<semaphore_mem>>)
      %dma_wait3A = arith.constant 0 : i32
      %dma_wait3A_28 = tpu.memref_slice %arg10[%scan3A_22, %dma_wait3A] : memref<25x128xi32, #tpu.memory_space<vmem>> -> memref<1x128xi32, #tpu.memory_space<vmem>>
      %dma_wait3A_29 = tpu.memref_squeeze %dma_wait3A_28 : memref<1x128xi32, #tpu.memory_space<vmem>> -> memref<128xi32, #tpu.memory_space<vmem>>
      %dma_wait3A_30 = arith.constant 0 : i32
      %dma_wait3A_31 = arith.constant 0 : i32
      %dma_wait3A_32 = tpu.memref_slice %arg2[%dma_wait3A_30, %dma_wait3A_31] : memref<50000x32xf32, #tpu.memory_space<hbm>> -> memref<50000x32xf32, #tpu.memory_space<hbm>>
      tpu.wait_indirect_dma semaphore(%arg19 : memref<!tpu.dma_semaphore, #tpu.memory_space<semaphore_mem>>) src(%dma_wait3A_32 : memref<50000x32xf32, #tpu.memory_space<hbm>>) dst(%arg13 : memref<128x32xf32, #tpu.memory_space<vmem>>)
      %dma_start3A_33 = arith.constant 0 : i32
      %dma_start3A_34 = tpu.memref_slice %arg11[%scan3A_22, %dma_start3A_33] : memref<25x128xi32, #tpu.memory_space<vmem>> -> memref<1x128xi32, #tpu.memory_space<vmem>>
      %dma_start3A_35 = tpu.memref_squeeze %dma_start3A_34 : memref<1x128xi32, #tpu.memory_space<vmem>> -> memref<128xi32, #tpu.memory_space<vmem>>
      %dma_start3A_36 = arith.constant 0 : i32
      %dma_start3A_37 = tpu.memref_slice %arg16[%dma_start3A_36] : memref<50176xi32, #tpu.memory_space<vmem_shared>> -> memref<50176xi32, #tpu.memory_space<vmem_shared>>
      tpu.enqueue_indirect_dma source(%dma_start3A_37 : memref<50176xi32, #tpu.memory_space<vmem_shared>>) target(%arg12 : memref<128xi32, #tpu.memory_space<vmem>>) offsets(%dma_start3A_35 : memref<128xi32, #tpu.memory_space<vmem>>) semaphore(%arg19 : memref<!tpu.dma_semaphore, #tpu.memory_space<semaphore_mem>>)
      %dma_wait3A_38 = arith.constant 0 : i32
      %dma_wait3A_39 = tpu.memref_slice %arg11[%scan3A_22, %dma_wait3A_38] : memref<25x128xi32, #tpu.memory_space<vmem>> -> memref<1x128xi32, #tpu.memory_space<vmem>>
      %dma_wait3A_40 = tpu.memref_squeeze %dma_wait3A_39 : memref<1x128xi32, #tpu.memory_space<vmem>> -> memref<128xi32, #tpu.memory_space<vmem>>
      %dma_wait3A_41 = arith.constant 0 : i32
      %dma_wait3A_42 = tpu.memref_slice %arg16[%dma_wait3A_41] : memref<50176xi32, #tpu.memory_space<vmem_shared>> -> memref<50176xi32, #tpu.memory_space<vmem_shared>>
      tpu.wait_indirect_dma semaphore(%arg19 : memref<!tpu.dma_semaphore, #tpu.memory_space<semaphore_mem>>) src(%dma_wait3A_42 : memref<50176xi32, #tpu.memory_space<vmem_shared>>) dst(%arg12 : memref<128xi32, #tpu.memory_space<vmem>>)
      %mul3A_43 = arith.constant 25 : i32
      %mul3A_44 = arith.muli %add3A, %mul3A_43 : i32
      %mul3A_45 = arith.constant 128 : i32
      %mul3A_46 = arith.muli %mul3A_44, %mul3A_45 : i32
      %mul3A_47 = arith.constant 128 : i32
      %mul3A_48 = arith.muli %scan3A_22, %mul3A_47 : i32
      %add3A_49 = arith.addi %mul3A_46, %mul3A_48 : i32
      %dma_start3A_50 = arith.constant 0 : i32
      %dma_start3A_51 = tpu.memref_slice %arg5[%add3A_49, %dma_start3A_50] : memref<102400x32xf32, #tpu.memory_space<hbm>> -> memref<128x32xf32, #tpu.memory_space<hbm>>
      %dma_start3A_52 = arith.constant 0 : i32
      %dma_start3A_53 = tpu.memref_slice %arg5[%add3A_49, %dma_start3A_52] : memref<102400x32xf32, #tpu.memory_space<hbm>> -> memref<128x32xf32, #tpu.memory_space<hbm>>
      tpu.enqueue_dma source(%dma_start3A_53 : memref<128x32xf32, #tpu.memory_space<hbm>>) target(%arg14 : memref<128x32xf32, #tpu.memory_space<vmem>>) target_semaphore(%arg19 : memref<!tpu.dma_semaphore, #tpu.memory_space<semaphore_mem>>)
      %dma_wait3A_54 = arith.constant 0 : i32
      %dma_wait3A_55 = tpu.memref_slice %arg5[%add3A_49, %dma_wait3A_54] : memref<102400x32xf32, #tpu.memory_space<hbm>> -> memref<128x32xf32, #tpu.memory_space<hbm>>
      %dma_wait3A_56 = arith.constant 0 : i32
      %dma_wait3A_57 = tpu.memref_slice %arg5[%add3A_49, %dma_wait3A_56] : memref<102400x32xf32, #tpu.memory_space<hbm>> -> memref<128x32xf32, #tpu.memory_space<hbm>>
      tpu.wait_dma2 semaphore(%arg19 : memref<!tpu.dma_semaphore, #tpu.memory_space<semaphore_mem>>) src(%dma_wait3A_57 : memref<128x32xf32, #tpu.memory_space<hbm>>) dst(%arg14 : memref<128x32xf32, #tpu.memory_space<vmem>>)
      "tpu.region"() ({
        %run_scoped3A = tpu.sem_alloc : memref<!tpu.dma_semaphore, #tpu.memory_space<semaphore_mem>>
        %dma_start3A_58 = arith.constant 0 : i32
        %dma_start3A_59 = arith.constant 0 : i32
        %dma_start3A_60 = tpu.memref_slice %arg17[%dma_start3A_58, %dma_start3A_59] : memref<1280x32xf32, #tpu.memory_space<vmem_shared>> -> memref<1280x32xf32, #tpu.memory_space<vmem_shared>>
        tpu.enqueue_indirect_dma source(%arg13 : memref<128x32xf32, #tpu.memory_space<vmem>>) target(%dma_start3A_60 : memref<1280x32xf32, #tpu.memory_space<vmem_shared>>) offsets(%arg12 : memref<128xi32, #tpu.memory_space<vmem>>) semaphore(%run_scoped3A : memref<!tpu.dma_semaphore, #tpu.memory_space<semaphore_mem>>) {add = true}
        %dma_wait3A_61 = arith.constant 0 : i32
        %dma_wait3A_62 = arith.constant 0 : i32
        %dma_wait3A_63 = tpu.memref_slice %arg17[%dma_wait3A_61, %dma_wait3A_62] : memref<1280x32xf32, #tpu.memory_space<vmem_shared>> -> memref<1280x32xf32, #tpu.memory_space<vmem_shared>>
        tpu.wait_indirect_dma semaphore(%run_scoped3A : memref<!tpu.dma_semaphore, #tpu.memory_space<semaphore_mem>>) src(%arg13 : memref<128x32xf32, #tpu.memory_space<vmem>>) dst(%dma_wait3A_63 : memref<1280x32xf32, #tpu.memory_space<vmem_shared>>)
        tpu.yield
      }) : () -> ()
      "tpu.region"() ({
        %run_scoped3A = tpu.sem_alloc : memref<!tpu.dma_semaphore, #tpu.memory_space<semaphore_mem>>
        %dma_start3A_58 = arith.constant 0 : i32
        %dma_start3A_59 = arith.constant 0 : i32
        %dma_start3A_60 = tpu.memref_slice %arg18[%dma_start3A_58, %dma_start3A_59] : memref<1280x32xf32, #tpu.memory_space<vmem_shared>> -> memref<1280x32xf32, #tpu.memory_space<vmem_shared>>
        tpu.enqueue_indirect_dma source(%arg14 : memref<128x32xf32, #tpu.memory_space<vmem>>) target(%dma_start3A_60 : memref<1280x32xf32, #tpu.memory_space<vmem_shared>>) offsets(%arg12 : memref<128xi32, #tpu.memory_space<vmem>>) semaphore(%run_scoped3A : memref<!tpu.dma_semaphore, #tpu.memory_space<semaphore_mem>>) {add = true}
        %dma_wait3A_61 = arith.constant 0 : i32
        %dma_wait3A_62 = arith.constant 0 : i32
        %dma_wait3A_63 = tpu.memref_slice %arg18[%dma_wait3A_61, %dma_wait3A_62] : memref<1280x32xf32, #tpu.memory_space<vmem_shared>> -> memref<1280x32xf32, #tpu.memory_space<vmem_shared>>
        tpu.wait_indirect_dma semaphore(%run_scoped3A : memref<!tpu.dma_semaphore, #tpu.memory_space<semaphore_mem>>) src(%arg14 : memref<128x32xf32, #tpu.memory_space<vmem>>) dst(%dma_wait3A_63 : memref<1280x32xf32, #tpu.memory_space<vmem_shared>>)
        tpu.yield
      }) : () -> ()
    }
    %scan3A_12 = arith.constant 25 : i32
    %barrier3A_13 = arith.constant 0 : index
    tpu.barrier barrier_id(%barrier3A_13)
    %mul3A_14 = arith.constant 80 : i32
    %mul3A_15 = arith.muli %arg1, %mul3A_14 : i32
    %mul3A_16 = arith.constant 80 : i32
    %mul3A_17 = arith.muli %arg1, %mul3A_16 : i32
    "tpu.region"() ({
      %run_scoped3A = tpu.sem_alloc : memref<!tpu.dma_semaphore, #tpu.memory_space<semaphore_mem>>
      %dma_start3A = arith.constant 0 : i32
      %dma_start3A_22 = arith.constant 0 : i32
      %dma_start3A_23 = tpu.memref_slice %arg8[%arg0, %dma_start3A, %dma_start3A_22] : memref<2x1280x32xf32, #tpu.memory_space<hbm>> -> memref<1x1280x32xf32, #tpu.memory_space<hbm>>
      %dma_start3A_24 = tpu.memref_squeeze %dma_start3A_23 : memref<1x1280x32xf32, #tpu.memory_space<hbm>> -> memref<1280x32xf32, #tpu.memory_space<hbm>>
      %dma_start3A_25 = arith.constant 0 : i32
      %dma_start3A_26 = tpu.memref_slice %dma_start3A_24[%mul3A_17, %dma_start3A_25] : memref<1280x32xf32, #tpu.memory_space<hbm>> -> memref<80x32xf32, #tpu.memory_space<hbm>>
      %dma_start3A_27 = arith.constant 0 : i32
      %dma_start3A_28 = tpu.memref_slice %arg17[%mul3A_15, %dma_start3A_27] : memref<1280x32xf32, #tpu.memory_space<vmem_shared>> -> memref<80x32xf32, #tpu.memory_space<vmem_shared>>
      tpu.enqueue_dma source(%dma_start3A_28 : memref<80x32xf32, #tpu.memory_space<vmem_shared>>) target(%dma_start3A_26 : memref<80x32xf32, #tpu.memory_space<hbm>>) target_semaphore(%run_scoped3A : memref<!tpu.dma_semaphore, #tpu.memory_space<semaphore_mem>>)
      %dma_wait3A = arith.constant 0 : i32
      %dma_wait3A_29 = arith.constant 0 : i32
      %dma_wait3A_30 = tpu.memref_slice %arg8[%arg0, %dma_wait3A, %dma_wait3A_29] : memref<2x1280x32xf32, #tpu.memory_space<hbm>> -> memref<1x1280x32xf32, #tpu.memory_space<hbm>>
      %dma_wait3A_31 = tpu.memref_squeeze %dma_wait3A_30 : memref<1x1280x32xf32, #tpu.memory_space<hbm>> -> memref<1280x32xf32, #tpu.memory_space<hbm>>
      %dma_wait3A_32 = arith.constant 0 : i32
      %dma_wait3A_33 = tpu.memref_slice %dma_wait3A_31[%mul3A_17, %dma_wait3A_32] : memref<1280x32xf32, #tpu.memory_space<hbm>> -> memref<80x32xf32, #tpu.memory_space<hbm>>
      %dma_wait3A_34 = arith.constant 0 : i32
      %dma_wait3A_35 = tpu.memref_slice %arg17[%mul3A_15, %dma_wait3A_34] : memref<1280x32xf32, #tpu.memory_space<vmem_shared>> -> memref<80x32xf32, #tpu.memory_space<vmem_shared>>
      tpu.wait_dma2 semaphore(%run_scoped3A : memref<!tpu.dma_semaphore, #tpu.memory_space<semaphore_mem>>) src(%dma_wait3A_35 : memref<80x32xf32, #tpu.memory_space<vmem_shared>>) dst(%dma_wait3A_33 : memref<80x32xf32, #tpu.memory_space<hbm>>)
      tpu.yield
    }) : () -> ()
    %mul3A_18 = arith.constant 80 : i32
    %mul3A_19 = arith.muli %arg1, %mul3A_18 : i32
    %mul3A_20 = arith.constant 80 : i32
    %mul3A_21 = arith.muli %arg1, %mul3A_20 : i32
    "tpu.region"() ({
      %run_scoped3A = tpu.sem_alloc : memref<!tpu.dma_semaphore, #tpu.memory_space<semaphore_mem>>
      %dma_start3A = arith.constant 0 : i32
      %dma_start3A_22 = arith.constant 0 : i32
      %dma_start3A_23 = tpu.memref_slice %arg9[%arg0, %dma_start3A, %dma_start3A_22] : memref<2x1280x32xf32, #tpu.memory_space<hbm>> -> memref<1x1280x32xf32, #tpu.memory_space<hbm>>
      %dma_start3A_24 = tpu.memref_squeeze %dma_start3A_23 : memref<1x1280x32xf32, #tpu.memory_space<hbm>> -> memref<1280x32xf32, #tpu.memory_space<hbm>>
      %dma_start3A_25 = arith.constant 0 : i32
      %dma_start3A_26 = tpu.memref_slice %dma_start3A_24[%mul3A_21, %dma_start3A_25] : memref<1280x32xf32, #tpu.memory_space<hbm>> -> memref<80x32xf32, #tpu.memory_space<hbm>>
      %dma_start3A_27 = arith.constant 0 : i32
      %dma_start3A_28 = tpu.memref_slice %arg18[%mul3A_19, %dma_start3A_27] : memref<1280x32xf32, #tpu.memory_space<vmem_shared>> -> memref<80x32xf32, #tpu.memory_space<vmem_shared>>
      tpu.enqueue_dma source(%dma_start3A_28 : memref<80x32xf32, #tpu.memory_space<vmem_shared>>) target(%dma_start3A_26 : memref<80x32xf32, #tpu.memory_space<hbm>>) target_semaphore(%run_scoped3A : memref<!tpu.dma_semaphore, #tpu.memory_space<semaphore_mem>>)
      %dma_wait3A = arith.constant 0 : i32
      %dma_wait3A_29 = arith.constant 0 : i32
      %dma_wait3A_30 = tpu.memref_slice %arg9[%arg0, %dma_wait3A, %dma_wait3A_29] : memref<2x1280x32xf32, #tpu.memory_space<hbm>> -> memref<1x1280x32xf32, #tpu.memory_space<hbm>>
      %dma_wait3A_31 = tpu.memref_squeeze %dma_wait3A_30 : memref<1x1280x32xf32, #tpu.memory_space<hbm>> -> memref<1280x32xf32, #tpu.memory_space<hbm>>
      %dma_wait3A_32 = arith.constant 0 : i32
      %dma_wait3A_33 = tpu.memref_slice %dma_wait3A_31[%mul3A_21, %dma_wait3A_32] : memref<1280x32xf32, #tpu.memory_space<hbm>> -> memref<80x32xf32, #tpu.memory_space<hbm>>
      %dma_wait3A_34 = arith.constant 0 : i32
      %dma_wait3A_35 = tpu.memref_slice %arg18[%mul3A_19, %dma_wait3A_34] : memref<1280x32xf32, #tpu.memory_space<vmem_shared>> -> memref<80x32xf32, #tpu.memory_space<vmem_shared>>
      tpu.wait_dma2 semaphore(%run_scoped3A : memref<!tpu.dma_semaphore, #tpu.memory_space<semaphore_mem>>) src(%dma_wait3A_35 : memref<80x32xf32, #tpu.memory_space<vmem_shared>>) dst(%dma_wait3A_33 : memref<80x32xf32, #tpu.memory_space<hbm>>)
      tpu.yield
    }) : () -> ()
    return
  }
}

module attributes {stable_mosaic.version = 14 : i64} {
  func.func @_h0_body(%arg0: i32, %arg1: memref<2000x134xf32, #tpu.memory_space<vmem>>, %arg2: memref<134x32xf32, #tpu.memory_space<vmem>>, %arg3: memref<1x32xf32, #tpu.memory_space<vmem>>, %arg4: memref<2000x32xf32, #tpu.memory_space<vmem>>) attributes {dimension_semantics = [#tpu.dimension_semantics<arbitrary>], iteration_bounds = array<i64: 25>, scalar_prefetch = 0 : i64, scratch_operands = 0 : i64, tpu.core_type = #tpu.core_type<tc>, window_params = [{transform_indices = @transform_0, window_bounds = array<i64: 2000, 134>}, {pipeline_mode = #tpu.pipeline_mode<synchronous>, transform_indices = @transform_1, window_bounds = array<i64: 134, 32>}, {pipeline_mode = #tpu.pipeline_mode<synchronous>, transform_indices = @transform_2, window_bounds = array<i64: 1, 32>}, {transform_indices = @transform_3, window_bounds = array<i64: 2000, 32>}]} {
    %get3A = arith.constant 0 : index
    %get3A_0 = arith.constant 0 : index
    %get3A_1 = vector.load %arg1[%get3A, %get3A_0] : memref<2000x134xf32, #tpu.memory_space<vmem>>, vector<2000x134xf32>
    %get3A_2 = arith.constant 0 : index
    %get3A_3 = arith.constant 0 : index
    %get3A_4 = vector.load %arg2[%get3A_2, %get3A_3] : memref<134x32xf32, #tpu.memory_space<vmem>>, vector<134x32xf32>
    %dot_general3A = arith.constant dense<0.000000e+00> : vector<2000x32xf32>
    %dot_general3A_5 = tpu.matmul %get3A_1, %get3A_4, %dot_general3A {dimension_numbers = #tpu.dot_dimension_numbers<[1], [0], [0], [1], [0, 0, 1, 1], [], []>, transpose_lhs_hint = false} : vector<2000x134xf32>, vector<134x32xf32>, vector<2000x32xf32> -> vector<2000x32xf32>
    %get3A_6 = arith.constant 0 : index
    %get3A_7 = arith.constant 0 : index
    %get3A_8 = vector.load %arg3[%get3A_6, %get3A_7] : memref<1x32xf32, #tpu.memory_space<vmem>>, vector<1x32xf32>
    %add3A = vector.broadcast %get3A_8 : vector<1x32xf32> to vector<2000x32xf32>
    %add3A_9 = arith.addf %dot_general3A_5, %add3A : vector<2000x32xf32>
    %max3A = arith.constant 0.000000e+00 : f32
    %max3A_10 = vector.broadcast %max3A : f32 to vector<2000x32xf32>
    %max3A_11 = arith.maximumf %add3A_9, %max3A_10 : vector<2000x32xf32>
    %swap3A = arith.constant 0 : index
    %swap3A_12 = arith.constant 0 : index
    %swap3A_13 = vector.load %arg4[%swap3A, %swap3A_12] : memref<2000x32xf32, #tpu.memory_space<vmem>>, vector<2000x32xf32>
    tpu.vector_store %arg4[%swap3A, %swap3A_12], %max3A_11 {strides = array<i32>} : memref<2000x32xf32, #tpu.memory_space<vmem>>, vector<2000x32xf32>,
    return
  }
  func.func @transform_0(%arg0: i32) -> (i32, i32) {
    %c0_i32 = arith.constant 0 : i32
    %c0_i32_0 = arith.constant 0 : i32
    return %arg0, %c0_i32 : i32, i32
  }
  func.func @transform_1(%arg0: i32) -> (i32, i32) {
    %c0_i32 = arith.constant 0 : i32
    %c0_i32_0 = arith.constant 0 : i32
    %c0_i32_1 = arith.constant 0 : i32
    return %c0_i32, %c0_i32_0 : i32, i32
  }
  func.func @transform_2(%arg0: i32) -> (i32, i32) {
    %c0_i32 = arith.constant 0 : i32
    %c0_i32_0 = arith.constant 0 : i32
    %c0_i32_1 = arith.constant 0 : i32
    return %c0_i32, %c0_i32_0 : i32, i32
  }
  func.func @transform_3(%arg0: i32) -> (i32, i32) {
    %c0_i32 = arith.constant 0 : i32
    %c0_i32_0 = arith.constant 0 : i32
    return %arg0, %c0_i32 : i32, i32
  }
}

module attributes {stable_mosaic.version = 14 : i64} {
  func.func @_edge_body(%arg0: i32, %arg1: memref<512x6xf32, #tpu.memory_space<vmem>>, %arg2: memref<512x32xf32, #tpu.memory_space<vmem>>, %arg3: memref<6x128xf32, #tpu.memory_space<vmem>>, %arg4: memref<1x128xf32, #tpu.memory_space<vmem>>, %arg5: memref<128x1024xbf16, #tpu.memory_space<vmem>>, %arg6: memref<32x1024xbf16, #tpu.memory_space<vmem>>, %arg7: memref<128x32xf32, #tpu.memory_space<vmem>>, %arg8: memref<32x32xf32, #tpu.memory_space<vmem>>, %arg9: memref<512x32xf32, #tpu.memory_space<vmem>>) attributes {dimension_semantics = [#tpu.dimension_semantics<arbitrary>], iteration_bounds = array<i64: 196>, scalar_prefetch = 0 : i64, scratch_operands = 0 : i64, tpu.core_type = #tpu.core_type<tc>, window_params = [{transform_indices = @transform_0, window_bounds = array<i64: 512, 6>}, {transform_indices = @transform_1, window_bounds = array<i64: 512, 32>}, {pipeline_mode = #tpu.pipeline_mode<synchronous>, transform_indices = @transform_2, window_bounds = array<i64: 6, 128>}, {pipeline_mode = #tpu.pipeline_mode<synchronous>, transform_indices = @transform_3, window_bounds = array<i64: 1, 128>}, {pipeline_mode = #tpu.pipeline_mode<synchronous>, transform_indices = @transform_4, window_bounds = array<i64: 128, 1024>}, {pipeline_mode = #tpu.pipeline_mode<synchronous>, transform_indices = @transform_5, window_bounds = array<i64: 32, 1024>}, {pipeline_mode = #tpu.pipeline_mode<synchronous>, transform_indices = @transform_6, window_bounds = array<i64: 128, 32>}, {pipeline_mode = #tpu.pipeline_mode<synchronous>, transform_indices = @transform_7, window_bounds = array<i64: 32, 32>}, {transform_indices = @transform_8, window_bounds = array<i64: 512, 32>}]} {
    %get3A = arith.constant 0 : index
    %get3A_0 = arith.constant 0 : index
    %get3A_1 = vector.load %arg1[%get3A, %get3A_0] : memref<512x6xf32, #tpu.memory_space<vmem>>, vector<512x6xf32>
    %get3A_2 = arith.constant 0 : index
    %get3A_3 = arith.constant 0 : index
    %get3A_4 = vector.load %arg3[%get3A_2, %get3A_3] : memref<6x128xf32, #tpu.memory_space<vmem>>, vector<6x128xf32>
    %dot_general3A = arith.constant dense<0.000000e+00> : vector<512x128xf32>
    %dot_general3A_5 = tpu.matmul %get3A_1, %get3A_4, %dot_general3A {dimension_numbers = #tpu.dot_dimension_numbers<[1], [0], [0], [1], [0, 0, 1, 1], [], []>, transpose_lhs_hint = false} : vector<512x6xf32>, vector<6x128xf32>, vector<512x128xf32> -> vector<512x128xf32>
    %get3A_6 = arith.constant 0 : index
    %get3A_7 = arith.constant 0 : index
    %get3A_8 = vector.load %arg4[%get3A_6, %get3A_7] : memref<1x128xf32, #tpu.memory_space<vmem>>, vector<1x128xf32>
    %add3A = vector.broadcast %get3A_8 : vector<1x128xf32> to vector<512x128xf32>
    %add3A_9 = arith.addf %dot_general3A_5, %add3A : vector<512x128xf32>
    %max3A = arith.constant 0.000000e+00 : f32
    %max3A_10 = vector.broadcast %max3A : f32 to vector<512x128xf32>
    %max3A_11 = arith.maximumf %add3A_9, %max3A_10 : vector<512x128xf32>
    %convert_element_type3A = arith.truncf %max3A_11 : vector<512x128xf32> to vector<512x128xbf16>
    %get3A_12 = arith.constant 0 : index
    %get3A_13 = arith.constant 0 : index
    %get3A_14 = vector.load %arg5[%get3A_12, %get3A_13] : memref<128x1024xbf16, #tpu.memory_space<vmem>>, vector<128x1024xbf16>
    %dot_general3A_15 = arith.constant dense<0.000000e+00> : vector<512x1024xf32>
    %dot_general3A_16 = tpu.matmul %convert_element_type3A, %get3A_14, %dot_general3A_15 {dimension_numbers = #tpu.dot_dimension_numbers<[1], [0], [0], [1], [0, 0, 1, 1], [], []>, transpose_lhs_hint = false} : vector<512x128xbf16>, vector<128x1024xbf16>, vector<512x1024xf32> -> vector<512x1024xf32>
    %get3A_17 = arith.constant 0 : index
    %get3A_18 = arith.constant 0 : index
    %get3A_19 = vector.load %arg2[%get3A_17, %get3A_18] : memref<512x32xf32, #tpu.memory_space<vmem>>, vector<512x32xf32>
    %convert_element_type3A_20 = arith.truncf %get3A_19 : vector<512x32xf32> to vector<512x32xbf16>
    %get3A_21 = arith.constant 0 : index
    %get3A_22 = arith.constant 0 : index
    %get3A_23 = vector.load %arg6[%get3A_21, %get3A_22] : memref<32x1024xbf16, #tpu.memory_space<vmem>>, vector<32x1024xbf16>
    %dot_general3A_24 = arith.constant dense<0.000000e+00> : vector<512x1024xf32>
    %dot_general3A_25 = tpu.matmul %convert_element_type3A_20, %get3A_23, %dot_general3A_24 {dimension_numbers = #tpu.dot_dimension_numbers<[1], [0], [0], [1], [0, 0, 1, 1], [], []>, transpose_lhs_hint = false} : vector<512x32xbf16>, vector<32x1024xbf16>, vector<512x1024xf32> -> vector<512x1024xf32>
    %mul3A = arith.mulf %dot_general3A_25, %dot_general3A_16 : vector<512x1024xf32>
    %slice3A = vector.extract_strided_slice %mul3A {offsets = [0, 0], sizes = [512, 128], strides = [1, 1]} : vector<512x1024xf32> to vector<512x128xf32>
    %slice3A_26 = vector.extract_strided_slice %mul3A {offsets = [0, 128], sizes = [512, 128], strides = [1, 1]} : vector<512x1024xf32> to vector<512x128xf32>
    %add3A_27 = arith.addf %slice3A, %slice3A_26 : vector<512x128xf32>
    %slice3A_28 = vector.extract_strided_slice %mul3A {offsets = [0, 256], sizes = [512, 128], strides = [1, 1]} : vector<512x1024xf32> to vector<512x128xf32>
    %add3A_29 = arith.addf %add3A_27, %slice3A_28 : vector<512x128xf32>
    %slice3A_30 = vector.extract_strided_slice %mul3A {offsets = [0, 384], sizes = [512, 128], strides = [1, 1]} : vector<512x1024xf32> to vector<512x128xf32>
    %add3A_31 = arith.addf %add3A_29, %slice3A_30 : vector<512x128xf32>
    %slice3A_32 = vector.extract_strided_slice %mul3A {offsets = [0, 512], sizes = [512, 128], strides = [1, 1]} : vector<512x1024xf32> to vector<512x128xf32>
    %add3A_33 = arith.addf %add3A_31, %slice3A_32 : vector<512x128xf32>
    %slice3A_34 = vector.extract_strided_slice %mul3A {offsets = [0, 640], sizes = [512, 128], strides = [1, 1]} : vector<512x1024xf32> to vector<512x128xf32>
    %add3A_35 = arith.addf %add3A_33, %slice3A_34 : vector<512x128xf32>
    %slice3A_36 = vector.extract_strided_slice %mul3A {offsets = [0, 768], sizes = [512, 128], strides = [1, 1]} : vector<512x1024xf32> to vector<512x128xf32>
    %add3A_37 = arith.addf %add3A_35, %slice3A_36 : vector<512x128xf32>
    %slice3A_38 = vector.extract_strided_slice %mul3A {offsets = [0, 896], sizes = [512, 128], strides = [1, 1]} : vector<512x1024xf32> to vector<512x128xf32>
    %add3A_39 = arith.addf %add3A_37, %slice3A_38 : vector<512x128xf32>
    %get3A_40 = arith.constant 0 : index
    %get3A_41 = arith.constant 0 : index
    %get3A_42 = vector.load %arg7[%get3A_40, %get3A_41] : memref<128x32xf32, #tpu.memory_space<vmem>>, vector<128x32xf32>
    %dot_general3A_43 = arith.constant dense<0.000000e+00> : vector<512x32xf32>
    %dot_general3A_44 = tpu.matmul %add3A_39, %get3A_42, %dot_general3A_43 {dimension_numbers = #tpu.dot_dimension_numbers<[1], [0], [0], [1], [0, 0, 1, 1], [], []>, transpose_lhs_hint = false} : vector<512x128xf32>, vector<128x32xf32>, vector<512x32xf32> -> vector<512x32xf32>
    %get3A_45 = arith.constant 0 : index
    %get3A_46 = arith.constant 0 : index
    %get3A_47 = vector.load %arg8[%get3A_45, %get3A_46] : memref<32x32xf32, #tpu.memory_space<vmem>>, vector<32x32xf32>
    %dot_general3A_48 = arith.constant dense<0.000000e+00> : vector<512x32xf32>
    %dot_general3A_49 = tpu.matmul %get3A_19, %get3A_47, %dot_general3A_48 {dimension_numbers = #tpu.dot_dimension_numbers<[1], [0], [0], [1], [0, 0, 1, 1], [], []>, transpose_lhs_hint = false} : vector<512x32xf32>, vector<32x32xf32>, vector<512x32xf32> -> vector<512x32xf32>
    %add3A_50 = arith.addf %dot_general3A_44, %dot_general3A_49 : vector<512x32xf32>
    %swap3A = arith.constant 0 : index
    %swap3A_51 = arith.constant 0 : index
    %swap3A_52 = vector.load %arg9[%swap3A, %swap3A_51] : memref<512x32xf32, #tpu.memory_space<vmem>>, vector<512x32xf32>
    tpu.vector_store %arg9[%swap3A, %swap3A_51], %add3A_50 {strides = array<i32>} : memref<512x32xf32, #tpu.memory_space<vmem>>, vector<512x32xf32>,
    return
  }
  func.func @transform_0(%arg0: i32) -> (i32, i32) {
    %c0_i32 = arith.constant 0 : i32
    %c0_i32_0 = arith.constant 0 : i32
    return %arg0, %c0_i32 : i32, i32
  }
  func.func @transform_1(%arg0: i32) -> (i32, i32) {
    %c0_i32 = arith.constant 0 : i32
    %c0_i32_0 = arith.constant 0 : i32
    return %arg0, %c0_i32 : i32, i32
  }
  func.func @transform_2(%arg0: i32) -> (i32, i32) {
    %c0_i32 = arith.constant 0 : i32
    %c0_i32_0 = arith.constant 0 : i32
    %c0_i32_1 = arith.constant 0 : i32
    return %c0_i32, %c0_i32_0 : i32, i32
  }
  func.func @transform_3(%arg0: i32) -> (i32, i32) {
    %c0_i32 = arith.constant 0 : i32
    %c0_i32_0 = arith.constant 0 : i32
    %c0_i32_1 = arith.constant 0 : i32
    return %c0_i32, %c0_i32_0 : i32, i32
  }
  func.func @transform_4(%arg0: i32) -> (i32, i32) {
    %c0_i32 = arith.constant 0 : i32
    %c0_i32_0 = arith.constant 0 : i32
    %c0_i32_1 = arith.constant 0 : i32
    return %c0_i32, %c0_i32_0 : i32, i32
  }
  func.func @transform_5(%arg0: i32) -> (i32, i32) {
    %c0_i32 = arith.constant 0 : i32
    %c0_i32_0 = arith.constant 0 : i32
    %c0_i32_1 = arith.constant 0 : i32
    return %c0_i32, %c0_i32_0 : i32, i32
  }
  func.func @transform_6(%arg0: i32) -> (i32, i32) {
    %c0_i32 = arith.constant 0 : i32
    %c0_i32_0 = arith.constant 0 : i32
    %c0_i32_1 = arith.constant 0 : i32
    return %c0_i32, %c0_i32_0 : i32, i32
  }
  func.func @transform_7(%arg0: i32) -> (i32, i32) {
    %c0_i32 = arith.constant 0 : i32
    %c0_i32_0 = arith.constant 0 : i32
    %c0_i32_1 = arith.constant 0 : i32
    return %c0_i32, %c0_i32_0 : i32, i32
  }
  func.func @transform_8(%arg0: i32) -> (i32, i32) {
    %c0_i32 = arith.constant 0 : i32
    %c0_i32_0 = arith.constant 0 : i32
    return %arg0, %c0_i32 : i32, i32
  }
}

module attributes {stable_mosaic.version = 14 : i64} {
  func.func @_gru_body(%arg0: i32, %arg1: memref<2000x32xf32, #tpu.memory_space<vmem>>, %arg2: memref<2000x32xf32, #tpu.memory_space<vmem>>, %arg3: memref<2000x32xf32, #tpu.memory_space<vmem>>, %arg4: memref<32x32xf32, #tpu.memory_space<vmem>>, %arg5: memref<32x32xf32, #tpu.memory_space<vmem>>, %arg6: memref<32x32xf32, #tpu.memory_space<vmem>>, %arg7: memref<32x32xf32, #tpu.memory_space<vmem>>, %arg8: memref<32x32xf32, #tpu.memory_space<vmem>>, %arg9: memref<32x32xf32, #tpu.memory_space<vmem>>, %arg10: memref<1x96xf32, #tpu.memory_space<vmem>>, %arg11: memref<1x96xf32, #tpu.memory_space<vmem>>, %arg12: memref<2000x32xf32, #tpu.memory_space<vmem>>) attributes {dimension_semantics = [#tpu.dimension_semantics<arbitrary>], iteration_bounds = array<i64: 25>, scalar_prefetch = 0 : i64, scratch_operands = 0 : i64, tpu.core_type = #tpu.core_type<tc>, window_params = [{transform_indices = @transform_0, window_bounds = array<i64: 2000, 32>}, {transform_indices = @transform_1, window_bounds = array<i64: 2000, 32>}, {transform_indices = @transform_2, window_bounds = array<i64: 2000, 32>}, {pipeline_mode = #tpu.pipeline_mode<synchronous>, transform_indices = @transform_3, window_bounds = array<i64: 32, 32>}, {pipeline_mode = #tpu.pipeline_mode<synchronous>, transform_indices = @transform_4, window_bounds = array<i64: 32, 32>}, {pipeline_mode = #tpu.pipeline_mode<synchronous>, transform_indices = @transform_5, window_bounds = array<i64: 32, 32>}, {pipeline_mode = #tpu.pipeline_mode<synchronous>, transform_indices = @transform_6, window_bounds = array<i64: 32, 32>}, {pipeline_mode = #tpu.pipeline_mode<synchronous>, transform_indices = @transform_7, window_bounds = array<i64: 32, 32>}, {pipeline_mode = #tpu.pipeline_mode<synchronous>, transform_indices = @transform_8, window_bounds = array<i64: 32, 32>}, {pipeline_mode = #tpu.pipeline_mode<synchronous>, transform_indices = @transform_9, window_bounds = array<i64: 1, 96>}, {pipeline_mode = #tpu.pipeline_mode<synchronous>, transform_indices = @transform_10, window_bounds = array<i64: 1, 96>}, {transform_indices = @transform_11, window_bounds = array<i64: 2000, 32>}]} {
    %get3A = arith.constant 0 : index
    %get3A_0 = arith.constant 0 : index
    %get3A_1 = vector.load %arg3[%get3A, %get3A_0] : memref<2000x32xf32, #tpu.memory_space<vmem>>, vector<2000x32xf32>
    %get3A_2 = arith.constant 0 : index
    %get3A_3 = arith.constant 0 : index
    %get3A_4 = vector.load %arg1[%get3A_2, %get3A_3] : memref<2000x32xf32, #tpu.memory_space<vmem>>, vector<2000x32xf32>
    %get3A_5 = arith.constant 0 : index
    %get3A_6 = arith.constant 0 : index
    %get3A_7 = vector.load %arg2[%get3A_5, %get3A_6] : memref<2000x32xf32, #tpu.memory_space<vmem>>, vector<2000x32xf32>
    %add3A = arith.addf %get3A_4, %get3A_7 : vector<2000x32xf32>
    %max3A = arith.constant 0.000000e+00 : f32
    %max3A_8 = vector.broadcast %max3A : f32 to vector<2000x32xf32>
    %max3A_9 = arith.maximumf %add3A, %max3A_8 : vector<2000x32xf32>
    %add3A_10 = arith.addf %max3A_9, %get3A_1 : vector<2000x32xf32>
    %get3A_11 = arith.constant 0 : index
    %get3A_12 = arith.constant 0 : index
    %get3A_13 = vector.load %arg4[%get3A_11, %get3A_12] : memref<32x32xf32, #tpu.memory_space<vmem>>, vector<32x32xf32>
    %dot_general3A = arith.constant dense<0.000000e+00> : vector<2000x32xf32>
    %dot_general3A_14 = tpu.matmul %add3A_10, %get3A_13, %dot_general3A {dimension_numbers = #tpu.dot_dimension_numbers<[1], [0], [0], [1], [0, 0, 1, 1], [], []>, transpose_lhs_hint = false} : vector<2000x32xf32>, vector<32x32xf32>, vector<2000x32xf32> -> vector<2000x32xf32>
    %get3A_15 = arith.constant 0 : index
    %get3A_16 = arith.constant 0 : index
    %get3A_17 = vector.load %arg10[%get3A_15, %get3A_16] : memref<1x96xf32, #tpu.memory_space<vmem>>, vector<1x32xf32>
    %add3A_18 = vector.broadcast %get3A_17 : vector<1x32xf32> to vector<2000x32xf32>
    %add3A_19 = arith.addf %dot_general3A_14, %add3A_18 : vector<2000x32xf32>
    %get3A_20 = arith.constant 0 : index
    %get3A_21 = arith.constant 0 : index
    %get3A_22 = vector.load %arg7[%get3A_20, %get3A_21] : memref<32x32xf32, #tpu.memory_space<vmem>>, vector<32x32xf32>
    %dot_general3A_23 = arith.constant dense<0.000000e+00> : vector<2000x32xf32>
    %dot_general3A_24 = tpu.matmul %get3A_1, %get3A_22, %dot_general3A_23 {dimension_numbers = #tpu.dot_dimension_numbers<[1], [0], [0], [1], [0, 0, 1, 1], [], []>, transpose_lhs_hint = false} : vector<2000x32xf32>, vector<32x32xf32>, vector<2000x32xf32> -> vector<2000x32xf32>
    %add3A_25 = arith.addf %add3A_19, %dot_general3A_24 : vector<2000x32xf32>
    %get3A_26 = arith.constant 0 : index
    %get3A_27 = arith.constant 0 : index
    %get3A_28 = vector.load %arg11[%get3A_26, %get3A_27] : memref<1x96xf32, #tpu.memory_space<vmem>>, vector<1x32xf32>
    %add3A_29 = vector.broadcast %get3A_28 : vector<1x32xf32> to vector<2000x32xf32>
    %add3A_30 = arith.addf %add3A_25, %add3A_29 : vector<2000x32xf32>
    %logistic3A = arith.negf %add3A_30 : vector<2000x32xf32>
    %logistic3A_31 = math.exp %logistic3A : vector<2000x32xf32>
    %logistic3A_32 = arith.constant 1.000000e+00 : f32
    %logistic3A_33 = vector.broadcast %logistic3A_32 : f32 to vector<2000x32xf32>
    %logistic3A_34 = arith.addf %logistic3A_33, %logistic3A_31 : vector<2000x32xf32>
    %logistic3A_35 = arith.divf %logistic3A_33, %logistic3A_34 : vector<2000x32xf32>
    %get3A_36 = arith.constant 0 : index
    %get3A_37 = arith.constant 0 : index
    %get3A_38 = vector.load %arg5[%get3A_36, %get3A_37] : memref<32x32xf32, #tpu.memory_space<vmem>>, vector<32x32xf32>
    %dot_general3A_39 = arith.constant dense<0.000000e+00> : vector<2000x32xf32>
    %dot_general3A_40 = tpu.matmul %add3A_10, %get3A_38, %dot_general3A_39 {dimension_numbers = #tpu.dot_dimension_numbers<[1], [0], [0], [1], [0, 0, 1, 1], [], []>, transpose_lhs_hint = false} : vector<2000x32xf32>, vector<32x32xf32>, vector<2000x32xf32> -> vector<2000x32xf32>
    %get3A_41 = arith.constant 0 : index
    %get3A_42 = arith.constant 32 : index
    %get3A_43 = vector.load %arg10[%get3A_41, %get3A_42] : memref<1x96xf32, #tpu.memory_space<vmem>>, vector<1x32xf32>
    %add3A_44 = vector.broadcast %get3A_43 : vector<1x32xf32> to vector<2000x32xf32>
    %add3A_45 = arith.addf %dot_general3A_40, %add3A_44 : vector<2000x32xf32>
    %get3A_46 = arith.constant 0 : index
    %get3A_47 = arith.constant 0 : index
    %get3A_48 = vector.load %arg8[%get3A_46, %get3A_47] : memref<32x32xf32, #tpu.memory_space<vmem>>, vector<32x32xf32>
    %dot_general3A_49 = arith.constant dense<0.000000e+00> : vector<2000x32xf32>
    %dot_general3A_50 = tpu.matmul %get3A_1, %get3A_48, %dot_general3A_49 {dimension_numbers = #tpu.dot_dimension_numbers<[1], [0], [0], [1], [0, 0, 1, 1], [], []>, transpose_lhs_hint = false} : vector<2000x32xf32>, vector<32x32xf32>, vector<2000x32xf32> -> vector<2000x32xf32>
    %add3A_51 = arith.addf %add3A_45, %dot_general3A_50 : vector<2000x32xf32>
    %get3A_52 = arith.constant 0 : index
    %get3A_53 = arith.constant 32 : index
    %get3A_54 = vector.load %arg11[%get3A_52, %get3A_53] : memref<1x96xf32, #tpu.memory_space<vmem>>, vector<1x32xf32>
    %add3A_55 = vector.broadcast %get3A_54 : vector<1x32xf32> to vector<2000x32xf32>
    %add3A_56 = arith.addf %add3A_51, %add3A_55 : vector<2000x32xf32>
    %logistic3A_57 = arith.negf %add3A_56 : vector<2000x32xf32>
    %logistic3A_58 = math.exp %logistic3A_57 : vector<2000x32xf32>
    %logistic3A_59 = arith.constant 1.000000e+00 : f32
    %logistic3A_60 = vector.broadcast %logistic3A_59 : f32 to vector<2000x32xf32>
    %logistic3A_61 = arith.addf %logistic3A_60, %logistic3A_58 : vector<2000x32xf32>
    %logistic3A_62 = arith.divf %logistic3A_60, %logistic3A_61 : vector<2000x32xf32>
    %get3A_63 = arith.constant 0 : index
    %get3A_64 = arith.constant 0 : index
    %get3A_65 = vector.load %arg6[%get3A_63, %get3A_64] : memref<32x32xf32, #tpu.memory_space<vmem>>, vector<32x32xf32>
    %dot_general3A_66 = arith.constant dense<0.000000e+00> : vector<2000x32xf32>
    %dot_general3A_67 = tpu.matmul %add3A_10, %get3A_65, %dot_general3A_66 {dimension_numbers = #tpu.dot_dimension_numbers<[1], [0], [0], [1], [0, 0, 1, 1], [], []>, transpose_lhs_hint = false} : vector<2000x32xf32>, vector<32x32xf32>, vector<2000x32xf32> -> vector<2000x32xf32>
    %get3A_68 = arith.constant 0 : index
    %get3A_69 = arith.constant 64 : index
    %get3A_70 = vector.load %arg10[%get3A_68, %get3A_69] : memref<1x96xf32, #tpu.memory_space<vmem>>, vector<1x32xf32>
    %add3A_71 = vector.broadcast %get3A_70 : vector<1x32xf32> to vector<2000x32xf32>
    %add3A_72 = arith.addf %dot_general3A_67, %add3A_71 : vector<2000x32xf32>
    %get3A_73 = arith.constant 0 : index
    %get3A_74 = arith.constant 0 : index
    %get3A_75 = vector.load %arg9[%get3A_73, %get3A_74] : memref<32x32xf32, #tpu.memory_space<vmem>>, vector<32x32xf32>
    %dot_general3A_76 = arith.constant dense<0.000000e+00> : vector<2000x32xf32>
    %dot_general3A_77 = tpu.matmul %get3A_1, %get3A_75, %dot_general3A_76 {dimension_numbers = #tpu.dot_dimension_numbers<[1], [0], [0], [1], [0, 0, 1, 1], [], []>, transpose_lhs_hint = false} : vector<2000x32xf32>, vector<32x32xf32>, vector<2000x32xf32> -> vector<2000x32xf32>
    %get3A_78 = arith.constant 0 : index
    %get3A_79 = arith.constant 64 : index
    %get3A_80 = vector.load %arg11[%get3A_78, %get3A_79] : memref<1x96xf32, #tpu.memory_space<vmem>>, vector<1x32xf32>
    %add3A_81 = vector.broadcast %get3A_80 : vector<1x32xf32> to vector<2000x32xf32>
    %add3A_82 = arith.addf %dot_general3A_77, %add3A_81 : vector<2000x32xf32>
    %mul3A = arith.mulf %logistic3A_35, %add3A_82 : vector<2000x32xf32>
    %add3A_83 = arith.addf %add3A_72, %mul3A : vector<2000x32xf32>
    %tanh3A = math.tanh %add3A_83 : vector<2000x32xf32>
    %sub3A = arith.constant 1.000000e+00 : f32
    %sub3A_84 = vector.broadcast %sub3A : f32 to vector<2000x32xf32>
    %sub3A_85 = arith.subf %sub3A_84, %logistic3A_62 : vector<2000x32xf32>
    %mul3A_86 = arith.mulf %sub3A_85, %tanh3A : vector<2000x32xf32>
    %mul3A_87 = arith.mulf %logistic3A_62, %get3A_1 : vector<2000x32xf32>
    %add3A_88 = arith.addf %mul3A_86, %mul3A_87 : vector<2000x32xf32>
    %swap3A = arith.constant 0 : index
    %swap3A_89 = arith.constant 0 : index
    %swap3A_90 = vector.load %arg12[%swap3A, %swap3A_89] : memref<2000x32xf32, #tpu.memory_space<vmem>>, vector<2000x32xf32>
    tpu.vector_store %arg12[%swap3A, %swap3A_89], %add3A_88 {strides = array<i32>} : memref<2000x32xf32, #tpu.memory_space<vmem>>, vector<2000x32xf32>,
    return
  }
  func.func @transform_0(%arg0: i32) -> (i32, i32) {
    %c0_i32 = arith.constant 0 : i32
    %c0_i32_0 = arith.constant 0 : i32
    return %arg0, %c0_i32 : i32, i32
  }
  func.func @transform_1(%arg0: i32) -> (i32, i32) {
    %c0_i32 = arith.constant 0 : i32
    %c0_i32_0 = arith.constant 0 : i32
    return %arg0, %c0_i32 : i32, i32
  }
  func.func @transform_2(%arg0: i32) -> (i32, i32) {
    %c0_i32 = arith.constant 0 : i32
    %c0_i32_0 = arith.constant 0 : i32
    return %arg0, %c0_i32 : i32, i32
  }
  func.func @transform_3(%arg0: i32) -> (i32, i32) {
    %c0_i32 = arith.constant 0 : i32
    %c0_i32_0 = arith.constant 0 : i32
    %c0_i32_1 = arith.constant 0 : i32
    return %c0_i32, %c0_i32_0 : i32, i32
  }
  func.func @transform_4(%arg0: i32) -> (i32, i32) {
    %c0_i32 = arith.constant 0 : i32
    %c0_i32_0 = arith.constant 0 : i32
    %c0_i32_1 = arith.constant 0 : i32
    return %c0_i32, %c0_i32_0 : i32, i32
  }
  func.func @transform_5(%arg0: i32) -> (i32, i32) {
    %c0_i32 = arith.constant 0 : i32
    %c0_i32_0 = arith.constant 0 : i32
    %c0_i32_1 = arith.constant 0 : i32
    return %c0_i32, %c0_i32_0 : i32, i32
  }
  func.func @transform_6(%arg0: i32) -> (i32, i32) {
    %c0_i32 = arith.constant 0 : i32
    %c0_i32_0 = arith.constant 0 : i32
    %c0_i32_1 = arith.constant 0 : i32
    return %c0_i32, %c0_i32_0 : i32, i32
  }
  func.func @transform_7(%arg0: i32) -> (i32, i32) {
    %c0_i32 = arith.constant 0 : i32
    %c0_i32_0 = arith.constant 0 : i32
    %c0_i32_1 = arith.constant 0 : i32
    return %c0_i32, %c0_i32_0 : i32, i32
  }
  func.func @transform_8(%arg0: i32) -> (i32, i32) {
    %c0_i32 = arith.constant 0 : i32
    %c0_i32_0 = arith.constant 0 : i32
    %c0_i32_1 = arith.constant 0 : i32
    return %c0_i32, %c0_i32_0 : i32, i32
  }
  func.func @transform_9(%arg0: i32) -> (i32, i32) {
    %c0_i32 = arith.constant 0 : i32
    %c0_i32_0 = arith.constant 0 : i32
    %c0_i32_1 = arith.constant 0 : i32
    return %c0_i32, %c0_i32_0 : i32, i32
  }
  func.func @transform_10(%arg0: i32) -> (i32, i32) {
    %c0_i32 = arith.constant 0 : i32
    %c0_i32_0 = arith.constant 0 : i32
    %c0_i32_1 = arith.constant 0 : i32
    return %c0_i32, %c0_i32_0 : i32, i32
  }
  func.func @transform_11(%arg0: i32) -> (i32, i32) {
    %c0_i32 = arith.constant 0 : i32
    %c0_i32_0 = arith.constant 0 : i32
    return %arg0, %c0_i32 : i32, i32
  }
}

module attributes {stable_mosaic.version = 14 : i64} {
  func.func @_edge_ee_body(%arg0: i32, %arg1: memref<512x6xf32, #tpu.memory_space<vmem>>, %arg2: memref<512x32xf32, #tpu.memory_space<vmem>>, %arg3: memref<6x128xf32, #tpu.memory_space<vmem>>, %arg4: memref<1x128xf32, #tpu.memory_space<vmem>>, %arg5: memref<128x1024xbf16, #tpu.memory_space<vmem>>, %arg6: memref<32x1024xbf16, #tpu.memory_space<vmem>>, %arg7: memref<128x32xf32, #tpu.memory_space<vmem>>, %arg8: memref<32x32xf32, #tpu.memory_space<vmem>>, %arg9: memref<6x32xf32, #tpu.memory_space<vmem>>, %arg10: memref<1x32xf32, #tpu.memory_space<vmem>>, %arg11: memref<512x32xf32, #tpu.memory_space<vmem>>, %arg12: memref<512x32xf32, #tpu.memory_space<vmem>>) attributes {dimension_semantics = [#tpu.dimension_semantics<arbitrary>], iteration_bounds = array<i64: 196>, scalar_prefetch = 0 : i64, scratch_operands = 0 : i64, tpu.core_type = #tpu.core_type<tc>, window_params = [{transform_indices = @transform_0, window_bounds = array<i64: 512, 6>}, {transform_indices = @transform_1, window_bounds = array<i64: 512, 32>}, {pipeline_mode = #tpu.pipeline_mode<synchronous>, transform_indices = @transform_2, window_bounds = array<i64: 6, 128>}, {pipeline_mode = #tpu.pipeline_mode<synchronous>, transform_indices = @transform_3, window_bounds = array<i64: 1, 128>}, {pipeline_mode = #tpu.pipeline_mode<synchronous>, transform_indices = @transform_4, window_bounds = array<i64: 128, 1024>}, {pipeline_mode = #tpu.pipeline_mode<synchronous>, transform_indices = @transform_5, window_bounds = array<i64: 32, 1024>}, {pipeline_mode = #tpu.pipeline_mode<synchronous>, transform_indices = @transform_6, window_bounds = array<i64: 128, 32>}, {pipeline_mode = #tpu.pipeline_mode<synchronous>, transform_indices = @transform_7, window_bounds = array<i64: 32, 32>}, {pipeline_mode = #tpu.pipeline_mode<synchronous>, transform_indices = @transform_8, window_bounds = array<i64: 6, 32>}, {pipeline_mode = #tpu.pipeline_mode<synchronous>, transform_indices = @transform_9, window_bounds = array<i64: 1, 32>}, {transform_indices = @transform_10, window_bounds = array<i64: 512, 32>}, {transform_indices = @transform_11, window_bounds = array<i64: 512, 32>}]} {
    %get3A = arith.constant 0 : index
    %get3A_0 = arith.constant 0 : index
    %get3A_1 = vector.load %arg1[%get3A, %get3A_0] : memref<512x6xf32, #tpu.memory_space<vmem>>, vector<512x6xf32>
    %get3A_2 = arith.constant 0 : index
    %get3A_3 = arith.constant 0 : index
    %get3A_4 = vector.load %arg3[%get3A_2, %get3A_3] : memref<6x128xf32, #tpu.memory_space<vmem>>, vector<6x128xf32>
    %dot_general3A = arith.constant dense<0.000000e+00> : vector<512x128xf32>
    %dot_general3A_5 = tpu.matmul %get3A_1, %get3A_4, %dot_general3A {dimension_numbers = #tpu.dot_dimension_numbers<[1], [0], [0], [1], [0, 0, 1, 1], [], []>, transpose_lhs_hint = false} : vector<512x6xf32>, vector<6x128xf32>, vector<512x128xf32> -> vector<512x128xf32>
    %get3A_6 = arith.constant 0 : index
    %get3A_7 = arith.constant 0 : index
    %get3A_8 = vector.load %arg4[%get3A_6, %get3A_7] : memref<1x128xf32, #tpu.memory_space<vmem>>, vector<1x128xf32>
    %add3A = vector.broadcast %get3A_8 : vector<1x128xf32> to vector<512x128xf32>
    %add3A_9 = arith.addf %dot_general3A_5, %add3A : vector<512x128xf32>
    %max3A = arith.constant 0.000000e+00 : f32
    %max3A_10 = vector.broadcast %max3A : f32 to vector<512x128xf32>
    %max3A_11 = arith.maximumf %add3A_9, %max3A_10 : vector<512x128xf32>
    %convert_element_type3A = arith.truncf %max3A_11 : vector<512x128xf32> to vector<512x128xbf16>
    %get3A_12 = arith.constant 0 : index
    %get3A_13 = arith.constant 0 : index
    %get3A_14 = vector.load %arg5[%get3A_12, %get3A_13] : memref<128x1024xbf16, #tpu.memory_space<vmem>>, vector<128x1024xbf16>
    %dot_general3A_15 = arith.constant dense<0.000000e+00> : vector<512x1024xf32>
    %dot_general3A_16 = tpu.matmul %convert_element_type3A, %get3A_14, %dot_general3A_15 {dimension_numbers = #tpu.dot_dimension_numbers<[1], [0], [0], [1], [0, 0, 1, 1], [], []>, transpose_lhs_hint = false} : vector<512x128xbf16>, vector<128x1024xbf16>, vector<512x1024xf32> -> vector<512x1024xf32>
    %get3A_17 = arith.constant 0 : index
    %get3A_18 = arith.constant 0 : index
    %get3A_19 = vector.load %arg2[%get3A_17, %get3A_18] : memref<512x32xf32, #tpu.memory_space<vmem>>, vector<512x32xf32>
    %convert_element_type3A_20 = arith.truncf %get3A_19 : vector<512x32xf32> to vector<512x32xbf16>
    %get3A_21 = arith.constant 0 : index
    %get3A_22 = arith.constant 0 : index
    %get3A_23 = vector.load %arg6[%get3A_21, %get3A_22] : memref<32x1024xbf16, #tpu.memory_space<vmem>>, vector<32x1024xbf16>
    %dot_general3A_24 = arith.constant dense<0.000000e+00> : vector<512x1024xf32>
    %dot_general3A_25 = tpu.matmul %convert_element_type3A_20, %get3A_23, %dot_general3A_24 {dimension_numbers = #tpu.dot_dimension_numbers<[1], [0], [0], [1], [0, 0, 1, 1], [], []>, transpose_lhs_hint = false} : vector<512x32xbf16>, vector<32x1024xbf16>, vector<512x1024xf32> -> vector<512x1024xf32>
    %mul3A = arith.mulf %dot_general3A_25, %dot_general3A_16 : vector<512x1024xf32>
    %slice3A = vector.extract_strided_slice %mul3A {offsets = [0, 0], sizes = [512, 128], strides = [1, 1]} : vector<512x1024xf32> to vector<512x128xf32>
    %slice3A_26 = vector.extract_strided_slice %mul3A {offsets = [0, 128], sizes = [512, 128], strides = [1, 1]} : vector<512x1024xf32> to vector<512x128xf32>
    %add3A_27 = arith.addf %slice3A, %slice3A_26 : vector<512x128xf32>
    %slice3A_28 = vector.extract_strided_slice %mul3A {offsets = [0, 256], sizes = [512, 128], strides = [1, 1]} : vector<512x1024xf32> to vector<512x128xf32>
    %add3A_29 = arith.addf %add3A_27, %slice3A_28 : vector<512x128xf32>
    %slice3A_30 = vector.extract_strided_slice %mul3A {offsets = [0, 384], sizes = [512, 128], strides = [1, 1]} : vector<512x1024xf32> to vector<512x128xf32>
    %add3A_31 = arith.addf %add3A_29, %slice3A_30 : vector<512x128xf32>
    %slice3A_32 = vector.extract_strided_slice %mul3A {offsets = [0, 512], sizes = [512, 128], strides = [1, 1]} : vector<512x1024xf32> to vector<512x128xf32>
    %add3A_33 = arith.addf %add3A_31, %slice3A_32 : vector<512x128xf32>
    %slice3A_34 = vector.extract_strided_slice %mul3A {offsets = [0, 640], sizes = [512, 128], strides = [1, 1]} : vector<512x1024xf32> to vector<512x128xf32>
    %add3A_35 = arith.addf %add3A_33, %slice3A_34 : vector<512x128xf32>
    %slice3A_36 = vector.extract_strided_slice %mul3A {offsets = [0, 768], sizes = [512, 128], strides = [1, 1]} : vector<512x1024xf32> to vector<512x128xf32>
    %add3A_37 = arith.addf %add3A_35, %slice3A_36 : vector<512x128xf32>
    %slice3A_38 = vector.extract_strided_slice %mul3A {offsets = [0, 896], sizes = [512, 128], strides = [1, 1]} : vector<512x1024xf32> to vector<512x128xf32>
    %add3A_39 = arith.addf %add3A_37, %slice3A_38 : vector<512x128xf32>
    %get3A_40 = arith.constant 0 : index
    %get3A_41 = arith.constant 0 : index
    %get3A_42 = vector.load %arg7[%get3A_40, %get3A_41] : memref<128x32xf32, #tpu.memory_space<vmem>>, vector<128x32xf32>
    %dot_general3A_43 = arith.constant dense<0.000000e+00> : vector<512x32xf32>
    %dot_general3A_44 = tpu.matmul %add3A_39, %get3A_42, %dot_general3A_43 {dimension_numbers = #tpu.dot_dimension_numbers<[1], [0], [0], [1], [0, 0, 1, 1], [], []>, transpose_lhs_hint = false} : vector<512x128xf32>, vector<128x32xf32>, vector<512x32xf32> -> vector<512x32xf32>
    %get3A_45 = arith.constant 0 : index
    %get3A_46 = arith.constant 0 : index
    %get3A_47 = vector.load %arg8[%get3A_45, %get3A_46] : memref<32x32xf32, #tpu.memory_space<vmem>>, vector<32x32xf32>
    %dot_general3A_48 = arith.constant dense<0.000000e+00> : vector<512x32xf32>
    %dot_general3A_49 = tpu.matmul %get3A_19, %get3A_47, %dot_general3A_48 {dimension_numbers = #tpu.dot_dimension_numbers<[1], [0], [0], [1], [0, 0, 1, 1], [], []>, transpose_lhs_hint = false} : vector<512x32xf32>, vector<32x32xf32>, vector<512x32xf32> -> vector<512x32xf32>
    %add3A_50 = arith.addf %dot_general3A_44, %dot_general3A_49 : vector<512x32xf32>
    %swap3A = arith.constant 0 : index
    %swap3A_51 = arith.constant 0 : index
    %swap3A_52 = vector.load %arg11[%swap3A, %swap3A_51] : memref<512x32xf32, #tpu.memory_space<vmem>>, vector<512x32xf32>
    tpu.vector_store %arg11[%swap3A, %swap3A_51], %add3A_50 {strides = array<i32>} : memref<512x32xf32, #tpu.memory_space<vmem>>, vector<512x32xf32>,
    %get3A_53 = arith.constant 0 : index
    %get3A_54 = arith.constant 0 : index
    %get3A_55 = vector.load %arg1[%get3A_53, %get3A_54] : memref<512x6xf32, #tpu.memory_space<vmem>>, vector<512x6xf32>
    %get3A_56 = arith.constant 0 : index
    %get3A_57 = arith.constant 0 : index
    %get3A_58 = vector.load %arg9[%get3A_56, %get3A_57] : memref<6x32xf32, #tpu.memory_space<vmem>>, vector<6x32xf32>
    %dot_general3A_59 = arith.constant dense<0.000000e+00> : vector<512x32xf32>
    %dot_general3A_60 = tpu.matmul %get3A_55, %get3A_58, %dot_general3A_59 {dimension_numbers = #tpu.dot_dimension_numbers<[1], [0], [0], [1], [0, 0, 1, 1], [], []>, transpose_lhs_hint = false} : vector<512x6xf32>, vector<6x32xf32>, vector<512x32xf32> -> vector<512x32xf32>
    %get3A_61 = arith.constant 0 : index
    %get3A_62 = arith.constant 0 : index
    %get3A_63 = vector.load %arg10[%get3A_61, %get3A_62] : memref<1x32xf32, #tpu.memory_space<vmem>>, vector<1x32xf32>
    %add3A_64 = vector.broadcast %get3A_63 : vector<1x32xf32> to vector<512x32xf32>
    %add3A_65 = arith.addf %dot_general3A_60, %add3A_64 : vector<512x32xf32>
    %max3A_66 = arith.constant 0.000000e+00 : f32
    %max3A_67 = vector.broadcast %max3A_66 : f32 to vector<512x32xf32>
    %max3A_68 = arith.maximumf %add3A_65, %max3A_67 : vector<512x32xf32>
    %swap3A_69 = arith.constant 0 : index
    %swap3A_70 = arith.constant 0 : index
    %swap3A_71 = vector.load %arg12[%swap3A_69, %swap3A_70] : memref<512x32xf32, #tpu.memory_space<vmem>>, vector<512x32xf32>
    tpu.vector_store %arg12[%swap3A_69, %swap3A_70], %max3A_68 {strides = array<i32>} : memref<512x32xf32, #tpu.memory_space<vmem>>, vector<512x32xf32>,
    return
  }
  func.func @transform_0(%arg0: i32) -> (i32, i32) {
    %c0_i32 = arith.constant 0 : i32
    %c0_i32_0 = arith.constant 0 : i32
    return %arg0, %c0_i32 : i32, i32
  }
  func.func @transform_1(%arg0: i32) -> (i32, i32) {
    %c0_i32 = arith.constant 0 : i32
    %c0_i32_0 = arith.constant 0 : i32
    return %arg0, %c0_i32 : i32, i32
  }
  func.func @transform_2(%arg0: i32) -> (i32, i32) {
    %c0_i32 = arith.constant 0 : i32
    %c0_i32_0 = arith.constant 0 : i32
    %c0_i32_1 = arith.constant 0 : i32
    return %c0_i32, %c0_i32_0 : i32, i32
  }
  func.func @transform_3(%arg0: i32) -> (i32, i32) {
    %c0_i32 = arith.constant 0 : i32
    %c0_i32_0 = arith.constant 0 : i32
    %c0_i32_1 = arith.constant 0 : i32
    return %c0_i32, %c0_i32_0 : i32, i32
  }
  func.func @transform_4(%arg0: i32) -> (i32, i32) {
    %c0_i32 = arith.constant 0 : i32
    %c0_i32_0 = arith.constant 0 : i32
    %c0_i32_1 = arith.constant 0 : i32
    return %c0_i32, %c0_i32_0 : i32, i32
  }
  func.func @transform_5(%arg0: i32) -> (i32, i32) {
    %c0_i32 = arith.constant 0 : i32
    %c0_i32_0 = arith.constant 0 : i32
    %c0_i32_1 = arith.constant 0 : i32
    return %c0_i32, %c0_i32_0 : i32, i32
  }
  func.func @transform_6(%arg0: i32) -> (i32, i32) {
    %c0_i32 = arith.constant 0 : i32
    %c0_i32_0 = arith.constant 0 : i32
    %c0_i32_1 = arith.constant 0 : i32
    return %c0_i32, %c0_i32_0 : i32, i32
  }
  func.func @transform_7(%arg0: i32) -> (i32, i32) {
    %c0_i32 = arith.constant 0 : i32
    %c0_i32_0 = arith.constant 0 : i32
    %c0_i32_1 = arith.constant 0 : i32
    return %c0_i32, %c0_i32_0 : i32, i32
  }
  func.func @transform_8(%arg0: i32) -> (i32, i32) {
    %c0_i32 = arith.constant 0 : i32
    %c0_i32_0 = arith.constant 0 : i32
    %c0_i32_1 = arith.constant 0 : i32
    return %c0_i32, %c0_i32_0 : i32, i32
  }
  func.func @transform_9(%arg0: i32) -> (i32, i32) {
    %c0_i32 = arith.constant 0 : i32
    %c0_i32_0 = arith.constant 0 : i32
    %c0_i32_1 = arith.constant 0 : i32
    return %c0_i32, %c0_i32_0 : i32, i32
  }
  func.func @transform_10(%arg0: i32) -> (i32, i32) {
    %c0_i32 = arith.constant 0 : i32
    %c0_i32_0 = arith.constant 0 : i32
    return %arg0, %c0_i32 : i32, i32
  }
  func.func @transform_11(%arg0: i32) -> (i32, i32) {
    %c0_i32 = arith.constant 0 : i32
    %c0_i32_0 = arith.constant 0 : i32
    return %arg0, %c0_i32 : i32, i32
  }
}

module attributes {stable_mosaic.version = 14 : i64} {
  func.func @_final_body(%arg0: memref<2x1280x32xf32, #tpu.memory_space<vmem>>, %arg1: memref<2x1280x32xf32, #tpu.memory_space<vmem>>, %arg2: memref<1024x1024xf32, #tpu.memory_space<vmem>>, %arg3: memref<1024x128xf32, #tpu.memory_space<vmem>>, %arg4: memref<128xf32, #tpu.memory_space<vmem>>, %arg5: memref<1x128xf32, #tpu.memory_space<vmem>>, %arg6: memref<1x128xf32, #tpu.memory_space<vmem>>, %arg7: memref<32x300xf32, #tpu.memory_space<vmem>>, %arg8: memref<32x300xf32, #tpu.memory_space<vmem>>, %arg9: memref<128x300xf32, #tpu.memory_space<vmem>>, %arg10: memref<1x300xf32, #tpu.memory_space<vmem>>, %arg11: memref<300x256xf32, #tpu.memory_space<vmem>>, %arg12: memref<1x256xf32, #tpu.memory_space<vmem>>, %arg13: memref<256x138xf32, #tpu.memory_space<vmem>>, %arg14: memref<1x138xf32, #tpu.memory_space<vmem>>, %arg15: memref<1024x138xf32, #tpu.memory_space<vmem>>) attributes {dimension_semantics = [], scalar_prefetch = 0 : i64, scratch_operands = 0 : i64, tpu.core_type = #tpu.core_type<tc>} {
    %get3A = arith.constant 0 : index
    %get3A_0 = arith.constant 0 : index
    %get3A_1 = arith.constant 0 : index
    %get3A_2 = vector.load %arg0[%get3A, %get3A_0, %get3A_1] : memref<2x1280x32xf32, #tpu.memory_space<vmem>>, vector<1x1024x32xf32>
    %get3A_3 = vector.shape_cast %get3A_2 : vector<1x1024x32xf32> to vector<1024x32xf32>
    %get3A_4 = arith.constant 1 : index
    %get3A_5 = arith.constant 0 : index
    %get3A_6 = arith.constant 0 : index
    %get3A_7 = vector.load %arg0[%get3A_4, %get3A_5, %get3A_6] : memref<2x1280x32xf32, #tpu.memory_space<vmem>>, vector<1x1024x32xf32>
    %get3A_8 = vector.shape_cast %get3A_7 : vector<1x1024x32xf32> to vector<1024x32xf32>
    %add3A = arith.addf %get3A_3, %get3A_8 : vector<1024x32xf32>
    %get3A_9 = arith.constant 0 : index
    %get3A_10 = arith.constant 0 : index
    %get3A_11 = arith.constant 0 : index
    %get3A_12 = vector.load %arg1[%get3A_9, %get3A_10, %get3A_11] : memref<2x1280x32xf32, #tpu.memory_space<vmem>>, vector<1x1024x32xf32>
    %get3A_13 = vector.shape_cast %get3A_12 : vector<1x1024x32xf32> to vector<1024x32xf32>
    %get3A_14 = arith.constant 1 : index
    %get3A_15 = arith.constant 0 : index
    %get3A_16 = arith.constant 0 : index
    %get3A_17 = vector.load %arg1[%get3A_14, %get3A_15, %get3A_16] : memref<2x1280x32xf32, #tpu.memory_space<vmem>>, vector<1x1024x32xf32>
    %get3A_18 = vector.shape_cast %get3A_17 : vector<1x1024x32xf32> to vector<1024x32xf32>
    %add3A_19 = arith.addf %get3A_13, %get3A_18 : vector<1024x32xf32>
    %reduce_max3A = arith.constant dense<0xFF800000> : vector<1024xf32>
    %reduce_max3A_20 = vector.multi_reduction <maximumf>, %add3A, %reduce_max3A [1] : vector<1024x32xf32> to vector<1024xf32>
    %broadcast_in_dim3A = vector.shape_cast %reduce_max3A_20 : vector<1024xf32> to vector<1024x1xf32>
    %reduce_max3A_21 = arith.constant dense<0xFF800000> : vector<1024xf32>
    %reduce_max3A_22 = vector.multi_reduction <maximumf>, %add3A_19, %reduce_max3A_21 [1] : vector<1024x32xf32> to vector<1024xf32>
    %broadcast_in_dim3A_23 = vector.shape_cast %reduce_max3A_22 : vector<1024xf32> to vector<1024x1xf32>
    %max3A = arith.maximumf %broadcast_in_dim3A, %broadcast_in_dim3A_23 : vector<1024x1xf32>
    %sub3A = vector.broadcast %max3A : vector<1024x1xf32> to vector<1024x32xf32>
    %sub3A_24 = arith.subf %add3A, %sub3A : vector<1024x32xf32>
    %exp3A = math.exp %sub3A_24 : vector<1024x32xf32>
    %sub3A_25 = vector.broadcast %max3A : vector<1024x1xf32> to vector<1024x32xf32>
    %sub3A_26 = arith.subf %add3A_19, %sub3A_25 : vector<1024x32xf32>
    %exp3A_27 = math.exp %sub3A_26 : vector<1024x32xf32>
    %reduce_sum3A = arith.constant dense<0.000000e+00> : vector<1024xf32>
    %reduce_sum3A_28 = vector.multi_reduction <add>, %exp3A, %reduce_sum3A [1] : vector<1024x32xf32> to vector<1024xf32>
    %broadcast_in_dim3A_29 = vector.shape_cast %reduce_sum3A_28 : vector<1024xf32> to vector<1024x1xf32>
    %reduce_sum3A_30 = arith.constant dense<0.000000e+00> : vector<1024xf32>
    %reduce_sum3A_31 = vector.multi_reduction <add>, %exp3A_27, %reduce_sum3A_30 [1] : vector<1024x32xf32> to vector<1024xf32>
    %broadcast_in_dim3A_32 = vector.shape_cast %reduce_sum3A_31 : vector<1024xf32> to vector<1024x1xf32>
    %add3A_33 = arith.addf %broadcast_in_dim3A_29, %broadcast_in_dim3A_32 : vector<1024x1xf32>
    %div3A = vector.broadcast %add3A_33 : vector<1024x1xf32> to vector<1024x32xf32>
    %div3A_34 = arith.divf %exp3A, %div3A : vector<1024x32xf32>
    %div3A_35 = vector.broadcast %add3A_33 : vector<1024x1xf32> to vector<1024x32xf32>
    %div3A_36 = arith.divf %exp3A_27, %div3A_35 : vector<1024x32xf32>
    %get3A_37 = arith.constant 0 : index
    %get3A_38 = arith.constant 0 : index
    %get3A_39 = vector.load %arg2[%get3A_37, %get3A_38] : memref<1024x1024xf32, #tpu.memory_space<vmem>>, vector<1024x1024xf32>
    %get3A_40 = arith.constant 0 : index
    %get3A_41 = arith.constant 0 : index
    %get3A_42 = vector.load %arg3[%get3A_40, %get3A_41] : memref<1024x128xf32, #tpu.memory_space<vmem>>, vector<1024x128xf32>
    %dot_general3A = arith.constant dense<0.000000e+00> : vector<1024x128xf32>
    %dot_general3A_43 = tpu.matmul %get3A_39, %get3A_42, %dot_general3A {dimension_numbers = #tpu.dot_dimension_numbers<[1], [0], [0], [1], [0, 0, 1, 1], [], []>, transpose_lhs_hint = false} : vector<1024x1024xf32>, vector<1024x128xf32>, vector<1024x128xf32> -> vector<1024x128xf32>
    %get3A_44 = arith.constant 0 : index
    %get3A_45 = vector.load %arg4[%get3A_44] : memref<128xf32, #tpu.memory_space<vmem>>, vector<128xf32>
    %broadcast_in_dim3A_46 = vector.shape_cast %get3A_45 : vector<128xf32> to vector<1x128xf32>
    %add3A_47 = vector.broadcast %broadcast_in_dim3A_46 : vector<1x128xf32> to vector<1024x128xf32>
    %add3A_48 = arith.addf %dot_general3A_43, %add3A_47 : vector<1024x128xf32>
    %reduce_sum3A_49 = arith.constant dense<0.000000e+00> : vector<128xf32>
    %reduce_sum3A_50 = vector.multi_reduction <add>, %add3A_48, %reduce_sum3A_49 [0] : vector<1024x128xf32> to vector<128xf32>
    %broadcast_in_dim3A_51 = vector.shape_cast %reduce_sum3A_50 : vector<128xf32> to vector<1x128xf32>
    %div3A_52 = arith.constant 1.024000e+03 : f32
    %div3A_53 = vector.broadcast %div3A_52 : f32 to vector<1x128xf32>
    %div3A_54 = arith.divf %broadcast_in_dim3A_51, %div3A_53 : vector<1x128xf32>
    %mul3A = arith.mulf %add3A_48, %add3A_48 : vector<1024x128xf32>
    %reduce_sum3A_55 = arith.constant dense<0.000000e+00> : vector<128xf32>
    %reduce_sum3A_56 = vector.multi_reduction <add>, %mul3A, %reduce_sum3A_55 [0] : vector<1024x128xf32> to vector<128xf32>
    %broadcast_in_dim3A_57 = vector.shape_cast %reduce_sum3A_56 : vector<128xf32> to vector<1x128xf32>
    %div3A_58 = arith.constant 1.024000e+03 : f32
    %div3A_59 = vector.broadcast %div3A_58 : f32 to vector<1x128xf32>
    %div3A_60 = arith.divf %broadcast_in_dim3A_57, %div3A_59 : vector<1x128xf32>
    %mul3A_61 = arith.mulf %div3A_54, %div3A_54 : vector<1x128xf32>
    %sub3A_62 = arith.subf %div3A_60, %mul3A_61 : vector<1x128xf32>
    %sub3A_63 = vector.broadcast %div3A_54 : vector<1x128xf32> to vector<1024x128xf32>
    %sub3A_64 = arith.subf %add3A_48, %sub3A_63 : vector<1024x128xf32>
    %add3A_65 = arith.constant 9.99999974E-6 : f32
    %add3A_66 = vector.broadcast %add3A_65 : f32 to vector<1x128xf32>
    %add3A_67 = arith.addf %sub3A_62, %add3A_66 : vector<1x128xf32>
    %rsqrt3A = math.rsqrt %add3A_67 : vector<1x128xf32>
    %mul3A_68 = vector.broadcast %rsqrt3A : vector<1x128xf32> to vector<1024x128xf32>
    %mul3A_69 = arith.mulf %sub3A_64, %mul3A_68 : vector<1024x128xf32>
    %get3A_70 = arith.constant 0 : index
    %get3A_71 = arith.constant 0 : index
    %get3A_72 = vector.load %arg5[%get3A_70, %get3A_71] : memref<1x128xf32, #tpu.memory_space<vmem>>, vector<1x128xf32>
    %mul3A_73 = vector.broadcast %get3A_72 : vector<1x128xf32> to vector<1024x128xf32>
    %mul3A_74 = arith.mulf %mul3A_69, %mul3A_73 : vector<1024x128xf32>
    %get3A_75 = arith.constant 0 : index
    %get3A_76 = arith.constant 0 : index
    %get3A_77 = vector.load %arg6[%get3A_75, %get3A_76] : memref<1x128xf32, #tpu.memory_space<vmem>>, vector<1x128xf32>
    %add3A_78 = vector.broadcast %get3A_77 : vector<1x128xf32> to vector<1024x128xf32>
    %add3A_79 = arith.addf %mul3A_74, %add3A_78 : vector<1024x128xf32>
    %max3A_80 = arith.constant 0.000000e+00 : f32
    %max3A_81 = vector.broadcast %max3A_80 : f32 to vector<1024x128xf32>
    %max3A_82 = arith.maximumf %add3A_79, %max3A_81 : vector<1024x128xf32>
    %get3A_83 = arith.constant 0 : index
    %get3A_84 = arith.constant 0 : index
    %get3A_85 = vector.load %arg7[%get3A_83, %get3A_84] : memref<32x300xf32, #tpu.memory_space<vmem>>, vector<32x300xf32>
    %dot_general3A_86 = arith.constant dense<0.000000e+00> : vector<1024x300xf32>
    %dot_general3A_87 = tpu.matmul %div3A_34, %get3A_85, %dot_general3A_86 {dimension_numbers = #tpu.dot_dimension_numbers<[1], [0], [0], [1], [0, 0, 1, 1], [], []>, transpose_lhs_hint = false} : vector<1024x32xf32>, vector<32x300xf32>, vector<1024x300xf32> -> vector<1024x300xf32>
    %get3A_88 = arith.constant 0 : index
    %get3A_89 = arith.constant 0 : index
    %get3A_90 = vector.load %arg8[%get3A_88, %get3A_89] : memref<32x300xf32, #tpu.memory_space<vmem>>, vector<32x300xf32>
    %dot_general3A_91 = arith.constant dense<0.000000e+00> : vector<1024x300xf32>
    %dot_general3A_92 = tpu.matmul %div3A_36, %get3A_90, %dot_general3A_91 {dimension_numbers = #tpu.dot_dimension_numbers<[1], [0], [0], [1], [0, 0, 1, 1], [], []>, transpose_lhs_hint = false} : vector<1024x32xf32>, vector<32x300xf32>, vector<1024x300xf32> -> vector<1024x300xf32>
    %add3A_93 = arith.addf %dot_general3A_87, %dot_general3A_92 : vector<1024x300xf32>
    %get3A_94 = arith.constant 0 : index
    %get3A_95 = arith.constant 0 : index
    %get3A_96 = vector.load %arg9[%get3A_94, %get3A_95] : memref<128x300xf32, #tpu.memory_space<vmem>>, vector<128x300xf32>
    %dot_general3A_97 = arith.constant dense<0.000000e+00> : vector<1024x300xf32>
    %dot_general3A_98 = tpu.matmul %max3A_82, %get3A_96, %dot_general3A_97 {dimension_numbers = #tpu.dot_dimension_numbers<[1], [0], [0], [1], [0, 0, 1, 1], [], []>, transpose_lhs_hint = false} : vector<1024x128xf32>, vector<128x300xf32>, vector<1024x300xf32> -> vector<1024x300xf32>
    %add3A_99 = arith.addf %add3A_93, %dot_general3A_98 : vector<1024x300xf32>
    %get3A_100 = arith.constant 0 : index
    %get3A_101 = arith.constant 0 : index
    %get3A_102 = vector.load %arg10[%get3A_100, %get3A_101] : memref<1x300xf32, #tpu.memory_space<vmem>>, vector<1x300xf32>
    %add3A_103 = vector.broadcast %get3A_102 : vector<1x300xf32> to vector<1024x300xf32>
    %add3A_104 = arith.addf %add3A_99, %add3A_103 : vector<1024x300xf32>
    %max3A_105 = arith.constant 0.000000e+00 : f32
    %max3A_106 = vector.broadcast %max3A_105 : f32 to vector<1024x300xf32>
    %max3A_107 = arith.maximumf %add3A_104, %max3A_106 : vector<1024x300xf32>
    %get3A_108 = arith.constant 0 : index
    %get3A_109 = arith.constant 0 : index
    %get3A_110 = vector.load %arg11[%get3A_108, %get3A_109] : memref<300x256xf32, #tpu.memory_space<vmem>>, vector<300x256xf32>
    %dot_general3A_111 = arith.constant dense<0.000000e+00> : vector<1024x256xf32>
    %dot_general3A_112 = tpu.matmul %max3A_107, %get3A_110, %dot_general3A_111 {dimension_numbers = #tpu.dot_dimension_numbers<[1], [0], [0], [1], [0, 0, 1, 1], [], []>, transpose_lhs_hint = false} : vector<1024x300xf32>, vector<300x256xf32>, vector<1024x256xf32> -> vector<1024x256xf32>
    %get3A_113 = arith.constant 0 : index
    %get3A_114 = arith.constant 0 : index
    %get3A_115 = vector.load %arg12[%get3A_113, %get3A_114] : memref<1x256xf32, #tpu.memory_space<vmem>>, vector<1x256xf32>
    %add3A_116 = vector.broadcast %get3A_115 : vector<1x256xf32> to vector<1024x256xf32>
    %add3A_117 = arith.addf %dot_general3A_112, %add3A_116 : vector<1024x256xf32>
    %get3A_118 = arith.constant 0 : index
    %get3A_119 = arith.constant 0 : index
    %get3A_120 = vector.load %arg13[%get3A_118, %get3A_119] : memref<256x138xf32, #tpu.memory_space<vmem>>, vector<256x138xf32>
    %dot_general3A_121 = arith.constant dense<0.000000e+00> : vector<1024x138xf32>
    %dot_general3A_122 = tpu.matmul %add3A_117, %get3A_120, %dot_general3A_121 {dimension_numbers = #tpu.dot_dimension_numbers<[1], [0], [0], [1], [0, 0, 1, 1], [], []>, transpose_lhs_hint = false} : vector<1024x256xf32>, vector<256x138xf32>, vector<1024x138xf32> -> vector<1024x138xf32>
    %get3A_123 = arith.constant 0 : index
    %get3A_124 = arith.constant 0 : index
    %get3A_125 = vector.load %arg14[%get3A_123, %get3A_124] : memref<1x138xf32, #tpu.memory_space<vmem>>, vector<1x138xf32>
    %add3A_126 = vector.broadcast %get3A_125 : vector<1x138xf32> to vector<1024x138xf32>
    %add3A_127 = arith.addf %dot_general3A_122, %add3A_126 : vector<1024x138xf32>
    %swap3A = arith.constant 0 : index
    %swap3A_128 = arith.constant 0 : index
    %swap3A_129 = vector.load %arg15[%swap3A, %swap3A_128] : memref<1024x138xf32, #tpu.memory_space<vmem>>, vector<1024x138xf32>
    tpu.vector_store %arg15[%swap3A, %swap3A_128], %add3A_127 {strides = array<i32>} : memref<1024x138xf32, #tpu.memory_space<vmem>>, vector<1024x138xf32>,
    return
  }
}

</mosaic_0001>

<sc_bundles>
// kernel: kernel.17.cloned.1.call-start
scs
__scs_entry_jumppad:
0x0: {  	(pc) =	sbr.rel $0x88, $3  }
0x1: {  	(tag) =	ssettag $0x0;
	lr =	simm.s32 $0x1  }
0x2: {  	[smem:$0x3F86] =	sst lr;
	_ =	strace $0xD0000000  }
0x3: {  	_ = 	snop  }
0x4: {  	_ = 	snop  }
0x5: {  	_ = 	snop  }
0x6: {  	_ = 	snop  }
0x7: {  	_ = 	snop  }
__scs_overlays_trampoline_lowered:
0x8: {  	[smem:$0x3F95] =	sst s0  }
0x9: {  	[smem:$0x3F96] =	sst s1  }
0xa: {  	[smem:$0x3F97] =	sst s2  }
0xb: {  	[smem:$0x3F98] =	sst s3  }
0xc: {  	[smem:$0x3F99] =	sst s4  }
0xd: {  	[smem:$0x3F9A] =	sst s5  }
0xe: {  	[smem:$0x3F9B] =	sst s6  }
0xf: {  	[smem:$0x3F9C] =	sst s7  }
0x10: {  	[smem:$0x3F9D] =	sst s8  }
0x11: {  	[smem:$0x3F9E] =	sst s9;
	s0 =	simm.s32 @!p0 $0x0  }
0x12: {  	s1 =	sld [smem:$0x3F84];
	s0 =	simm.s32 @p0 $0x1  }
0x13: {  	[smem:$0x3F9F] =	sst s0;
	s0 =	simm.s32 @!p1 $0x0  }
0x14: {  	s2 =	sld [smem:$0x3F83];
	s0 =	simm.s32 @p1 $0x1  }
0x15: {  	[smem:$0x3FA0] =	sst s0;
	s0 =	simm.s32 @!p2 $0x0  }
0x16: {  	s3 =	sld [smem:$0x3FDB];
	s0 =	simm.s32 @p2 $0x1  }
0x17: {  	s4 =	simm.s32 $0x1BF5;
	[smem:$0x3FA2] =	sst s0  }
0x18: {  	s0 =	sld [smem:$0x3F85];
	_ =	swait.ge [sflag:s4], $0x0  }
0x19: {  	s7 =	sld [smem:$0x3F86]  }
0x1a: {  	s8 =	sadd.s32 $0xFFFFE003, lr  }
0x1b: {  	s9 =	sadd.s32 $0xFFFFFEF7, lr;
	s5 =	simm.s32 $0xFFFFFFFF;
	p2 =	slt.u32 s8, $0xFFFFF086  }
0x1c: {  	p1 =	slt.u32 s9, $0xF7A;
	s5 =	simm.s32 @!p2 $0x0  }
0x1d: {  	s5 =	simm.s32 @p1 $0x1;
	p0 =	seq.s32 s7, s2  }
0x1e: {  	s7 =	smul.u32 @!p0 $0xF7A, s2;
	p2 =	seq.s32 @!p0 s5, $0x0  }
0x1f: {  	s9 =	smul.u32 $0xF7A, s1;
	s8 =	simm.s32 @!p0 $0x1BF5;
	p2 =	por !p2, p0  }
0x20: {  	[sflag:s8] =	ssyncset.s32 @!p0 $0xFFFFF086;
	s6 =	sadd.s32 @!p0 s3, s7;
	s7 =	simm.s32 @!p0 $0x108  }
0x21: {  	s3 =	sadd.s32 s3, s9;
	s6 =	sadd.s32 @!p0 $0x88, s6;
	s7 =	simm.s32 @p2 $0x1082  }
0x22: {  	[simem:s7], [sflag:s8] =	dma.local @!p0 [hbm:s6], $0xF7A  }
0x23: {  	s9 =	sor.u32 $0xD0000000, s2;
	s6 =	simm.s32 $0x108;
	_ =	swait.ge @!p0 [sflag:s8], $0x0  }
0x24: {  	s3 =	sadd.s32 $0x88, s3;
	s6 =	simm.s32 @!p1 $0x1082;
	[sflag:s4] =	ssyncset.s32 $0xFFFFF086  }
0x25: {  	[simem:s6], [sflag:s4] =	dma.local [hbm:s3], $0xF7A  }
0x26: {  	[smem:$0x3F86] =	sst s1;
	(tag) =	ssettag s2;
	_ =	strace s9  }
0x27: {  	s1 =	sld [smem:$0x3F96]  }
0x28: {  	s2 =	sld [smem:$0x3F97]  }
0x29: {  	s4 =	sld [smem:$0x3F99]  }
0x2a: {  	p0 =	seq.s32 s5, $0x0;
	s5 =	sld [smem:$0x3F9A]  }
0x2b: {  	s6 =	sld [smem:$0x3F9B]  }
0x2c: {  	s7 =	sld [smem:$0x3F9C]  }
0x2d: {  	s3 =	simm.s32 $0x108;
	s8 =	sld [smem:$0x3F9D]  }
0x2e: {  	s3 =	simm.s32 @!p0 $0x1082;
	s9 =	sld [smem:$0x3F9E]  }
0x2f: {  	lr =	sadd.s32 s0, s3;
	s0 =	sld [smem:$0x3F95]  }
0x30: {  	s3 =	sld [smem:$0x3F98]  }
0x31: {  	[smem:$0x3FA1] =	sst s10  }
0x32: {  	s10 =	sld [smem:$0x3F9F];
	_ =	sdelay $0x3  }
0x33: {  	p0 =	seq.s32 s10, $0x1;
	s10 =	sld [smem:$0x3FA1];
	_ =	sdelay $0x3  }
0x34: {  	[smem:$0x3FA1] =	sst s10  }
0x35: {  	s10 =	sld [smem:$0x3FA0];
	_ =	sdelay $0x3  }
0x36: {  	p1 =	seq.s32 s10, $0x1;
	s10 =	sld [smem:$0x3FA1];
	_ =	sdelay $0x3  }
0x37: {  	[smem:$0x3FA1] =	sst s10  }
0x38: {  	s10 =	sld [smem:$0x3FA2]  }
0x39: {  	_ = 	snop;
	(pc) =	sbr.ind lr, $3  }
0x3a: {  	_ = 	snop  }
0x3b: {  	_ = 	snop  }
0x3c: {  	p2 =	seq.s32 s10, $0x1;
	s10 =	sld [smem:$0x3FA1]  }
0x3d: {  	_ =	shalt  }
0x3e: {  	_ =	shalt  }
0x3f: {  	_ =	shalt  }
0x40: {  	_ =	shalt  }
0x41: {  	_ =	shalt  }
0x42: {  	_ =	shalt  }
0x43: {  	_ =	shalt  }
0x44: {  	_ =	shalt  }
0x45: {  	_ =	shalt  }
0x46: {  	_ =	shalt  }
0x47: {  	_ =	shalt  }
0x48: {  	_ =	shalt  }
0x49: {  	_ =	shalt  }
0x4a: {  	_ =	shalt  }
0x4b: {  	_ =	shalt  }
0x4c: {  	_ =	shalt  }
0x4d: {  	_ =	shalt  }
0x4e: {  	_ =	shalt  }
0x4f: {  	_ =	shalt  }
0x50: {  	_ =	shalt  }
0x51: {  	_ =	shalt  }
0x52: {  	_ =	shalt  }
0x53: {  	_ =	shalt  }
0x54: {  	_ =	shalt  }
0x55: {  	_ =	shalt  }
0x56: {  	_ =	shalt  }
0x57: {  	_ =	shalt  }
0x58: {  	_ =	shalt  }
0x59: {  	_ =	shalt  }
0x5a: {  	_ =	shalt  }
0x5b: {  	_ =	shalt  }
0x5c: {  	_ =	shalt  }
0x5d: {  	_ =	shalt  }
0x5e: {  	_ =	shalt  }
0x5f: {  	_ =	shalt  }
0x60: {  	_ =	shalt  }
0x61: {  	_ =	shalt  }
0x62: {  	_ =	shalt  }
0x63: {  	_ =	shalt  }
0x64: {  	_ =	shalt  }
0x65: {  	_ =	shalt  }
0x66: {  	_ =	shalt  }
0x67: {  	_ =	shalt  }
0x68: {  	_ =	shalt  }
0x69: {  	_ =	shalt  }
0x6a: {  	_ =	shalt  }
0x6b: {  	_ =	shalt  }
0x6c: {  	_ =	shalt  }
0x6d: {  	_ =	shalt  }
0x6e: {  	_ =	shalt  }
0x6f: {  	_ =	shalt  }
0x70: {  	_ =	shalt  }
0x71: {  	_ =	shalt  }
0x72: {  	_ =	shalt  }
0x73: {  	_ =	shalt  }
0x74: {  	_ =	shalt  }
0x75: {  	_ =	shalt  }
0x76: {  	_ =	shalt  }
0x77: {  	_ =	shalt  }
0x78: {  	_ =	shalt  }
0x79: {  	_ =	shalt  }
0x7a: {  	_ =	shalt  }
0x7b: {  	_ =	shalt  }
0x7c: {  	_ =	shalt  }
0x7d: {  	_ =	shalt  }
0x7e: {  	_ =	shalt  }
0x7f: {  	_ =	shalt  }
0x80: {  	_ =	shalt  }
0x81: {  	_ =	shalt  }
0x82: {  	_ =	shalt  }
0x83: {  	_ =	shalt  }
0x84: {  	_ =	shalt  }
0x85: {  	_ =	shalt  }
0x86: {  	_ =	shalt  }
0x87: {  	_ =	shalt  }
.Lfunc_end0:
.L_simem_size_0:
called_computation_lowered:
.L_overlay_start_0:
0x88: {  	s2 =	sld [smem:$0x3FD9]  }
0x89: {  	s3 =	sld [smem:$0x3FFE];
	_ =	sdelay $0x1  }
0x8a: {  	s1 =	srdreg.scid  }
0x8b: {  	s0 =	sand.u32 $0x1, s1  }
0x8c: {  	s17 =	sshll.u32 s0, $0xA;
	s2 =	sadd.s32 s3, s2  }
0x8d: {  	s2 =	sadd.s32 s2, s17  }
0x8e: {  	[smem:$0x3FAD] =	sst s2  }
0x8f: {  	_ = 	snop  }
0x90: {  	s2 =	sld [smem:$0x3FD0];
	(tm) =	ssettm $0x1  }
0x91: {  	s18 =	sld [smem:$0x3FFB];
	_ =	sdelay $0x3  }
0x92: {  	_ =	strace s18  }
0x93: {  	s3 =	sld [smem:$0x3FFC];
	_ =	sdelay $0x3  }
0x94: {  	_ =	strace s3  }
0x95: {  	s3 =	sld [smem:$0x3FFD];
	_ =	sdelay $0x3  }
0x96: {  	_ =	strace s3  }
0x97: {  	_ =	strace $0x8FFFFFFF  }
0x98: {  	s19 =	sld [smem:$0x3FDB];
	_ =	sdelay $0x1  }
0x99: {  	s4 =	simm.s32 $_scs_section_size  }
0x9a: {  	s5 =	simm.s32 $_size__tile_overlayer_lowered;
	s6 =	simm.s32 $_tile_overlayer_lowered  }
0x9b: {  	s22 =	simm.s32 $0x1BFF;
	s21 =	sshll.u32 s6, $0x1;
	s3 =	sadd.s32 s4, s19  }
0x9c: {  	s7 =	simm.s32 $0x0;
	s20 =	sshll.u32 s5, $0x1;
	s5 =	sadd.s32 s21, s3  }
0x9d: {  	[timem:s7], [sflag:s22] =	dma.local [hbm:s5], s20  }
0x9e: {  	_ =	swait.ge [sflag:s22], s20  }
0x9f: {  	s4 =	ssub.s32 $0x0, s20;
	[sflag:s22] =	ssyncset.done $0x0  }
0xa0: {  	[sflag:s22] =	ssyncadd.s32 s4;
	_ =	sdelay $0x1  }
0xa1: {  	s23 =	simm.s32 $0x1B8B  }
0xa2: {  	_ =	swait.ge [sflag:s23], $0x1  }
0xa3: {  	[sflag:s23] =	ssyncset.done $0x0  }
0xa4: {  	s25 =	simm.s32 $0x1B8E;
	s24 =	sld [smem:$0x3FFE];
	[sflag:s23] =	ssyncadd.s32 $0xFFFFFFFF  }
0xa5: {  	s26 =	simm.s32 $execute0_lowered;
	[smem:$0x3FD2] =	sst s25  }
0xa6: {  	s5 =	sshll.u32 s26, $0x1;
	_ =	strace $0x80000046;
	[dreg:$0x1] =	wrdreg $0xFFFFFFFF  }
0xa7: {  	s28 =	simm.s32 $_size_execute0_lowered;
	s3 =	sadd.s32 s3, s5;
	[dreg:$0x0] =	wrdreg $0x0  }
0xa8: {  	s5 =	sshll.u32 s28, $0x1;
	[dreg:$0x2] =	wrdreg s3  }
0xa9: {  	[dreg:$0x3] =	wrdreg s5  }
0xaa: {  	[dreg:$0x4] =	wrdreg $0xC0  }
0xab: {  	_ =	task [dreg:s7], $0x5FFFF  }
0xac: {  	[dreg:$0x1] =	wrdreg $0xFFFFFFFF  }
0xad: {  	[dreg:$0x0] =	wrdreg $0x60  }
0xae: {  	[dreg:$0x2] =	wrdreg s24  }
0xaf: {  	[dreg:$0x3] =	wrdreg s2  }
0xb0: {  	[dreg:$0x4] =	wrdreg $0x9  }
0xb1: {  	_ =	task.clear_ibuf [dreg:s7], $0x5FFFF;
	_ =	strace $0x90000046  }
0xb2: {  	s29 =	simm.s32 $0x9;
	_ =	strace $0x80000048  }
0xb3: {  	_ =	swait.ge [sflag:s29], $0x1  }
0xb4: {  	[sflag:s29] =	ssyncadd.s32 $0xFFFFFFFF  }
0xb5: {  	_ =	strace $0x90000048  }
0xb6: {  	_ =	sfence  }
0xb7: {  	s30 =	sld [smem:$0x0];
	_ =	sdelay $0x2  }
0xb8: {  	s31 =	sshll.u32 s1, $0xD;
	s1 =	sshrl.u32 s1, $0x2  }
0xb9: {  	s3 =	sand.u32 $0x4000, s31;
	s1 =	sadd.s32 s1, s30  }
0xba: {  	s0 =	sor.u32 s3, s0;
	s1 =	sshll.u32 s1, $0x11  }
0xbb: {  	s0 =	sor.u32 s1, s0  }
0xbc: {  	s0 =	sadd.s32 $0x8F2B, s0  }
0xbd: {  	[sflag:s0] =	ssyncadd.remote.s32 $0x1  }
0xbe: {  	_ =	sfence.sel $0xFFFF  }
0xbf: {  	[dreg:$0x0] =	wrdreg $0xFFFFFFFF;
	(pc) =	sbr.abs _section_cstart, $3  }
0xc0: {  	[dreg:$0x1] =	wrdreg $0xFFFFFFFF  }
0xc1: {  	_ =	task.clear_ibuf [dreg:s7], $0x2FFFF;
	_ =	strace $0x9FFFFFFF  }
0xc2: {  	(tm) =	ssettm $0x7FFFFFFF  }
0xc3: {  	_ =	shalt  }
tec
execute0_lowered:
.L_overlay_start_1:
0x0: {  	(tag) =	ssettag $0x1  }
0x1: {  	s4 =	rddreg [dreg:$0x0]  }
0x2: {  	s5 =	rddreg [dreg:$0x1]  }
0x3: {  	s1 =	srdreg.scid;
	s0 =	rddreg [dreg:$0x2];
	s2 =	simm.s32 $0x0  }
0x4: {  	s11 =	simm.s32 $0x0;
	s3 =	sand.u32 $0x1, s1;
	s1 =	stileid.u32  }
0x5: {  	[smem:$0x7FF] =	sst s2;
	s6 =	sshll.u32 s3, $0x4;
	s7 =	smul.u32 $0x32000, s3  }
0x6: {  	_ =	strace $0x80000047;
	s8 =	ssub.s32 $0x2, s3;
	s3 =	sadd.s32 $0xA400, s4  }
0x7: {  	s10 =	smul.u32 $0x3200, s1;
	s6 =	sor.u32 s1, s6;
	s9 =	sshrl.u32 s8, $0x1  }
0x8: {  	s6 =	smul.u32 $0xC80, s6;
	s7 =	sadd.s32 s7, s4;
	s8 =	ssub.s32 s8, s9  }
0x9: {  	s9 =	simm.s32 $0xC80;
	s31 =	sadd.s32 s10, s7;
	s7 =	simm.s32 $0x2  }
0xa: {  	s10 =	simm.s32 $0x1;
	s30 =	sshrl.u32 s6, $0x3;
	s6 =	sadd.s32 $0x3E400, s31  }
0xb: {  	s4 =	sadd.s32 s5, s30;
	s5 =	smax.u32 s8, $0x1;
	s8 =	simm.s32 $0x80  }
.LBB2_1:
0xc: {  	[tilespmem:s2], [sflag:$0x2] =	stream.linear.gather [hbm4b:s4+s2], $0xC80, $0x38;
	[tilespmem:$0x1C80] =	vst v63  }
0xd: {  	_ =	swait.ge [sflag:s7], $0xC80  }
0xe: {  	[sflag:s7] =	ssyncset.done $0x0  }
0xf: {  	s12 =	simm.s32 $0x0;
	[sflag:s7] =	ssyncadd.s32 $0xFFFFF380  }
0x10: {  	[tilespmem:s9], [sflag:$0x1] =	stream.indirect.gather [hbm4b:s3+s8], $0x20, s12, s8, $0xb8;
	[tilespmem:$0x1C80] =	vst v63  }
0x11: {  	_ =	swait.ge [sflag:s10], $0x1000  }
0x12: {  	[sflag:s10] =	ssyncset.done $0x0  }
0x13: {  	s31 =	sadd.s32 $0x0, s6;
	[sflag:s10] =	ssyncadd.s32 $0xFFFFF000  }
0x14: {  	[hbm4b:s31+s2] =	stream.linear.scatter [tilespmem:s9], [sflag:$0x2], $0x1000, $0x38;
	[tilespmem:$0x1C80] =	vst v63  }
0x15: {  	_ =	swait.ge [sflag:s7], $0x1000  }
0x16: {  	s13 =	simm.s32 $0x400;
	s12 =	simm.s32 $0x200;
	[sflag:s7] =	ssyncset.done $0x0  }
.LBB2_2:
0x17: {  	s14 =	sshra.s32 s12, $0x2  }
0x18: {  	[sflag:s7] =	ssyncadd.s32 $0xFFFFF000;
	s15 =	smov.u32 s13;
	s16 =	sadd.s32 $0x200, s13  }
0x19: {  	[tilespmem:s9], [sflag:$0x1] =	stream.indirect.gather [hbm4b:s3+s8], $0x20, s14, s8, $0xb8;
	[tilespmem:$0x1C80] =	vst v63  }
0x1a: {  	p0 =	sne.s32 s13, $0x3000;
	_ =	swait.ge [sflag:s10], $0x1000  }
.Ltmp0:
0x1b: {  	[sflag:s10] =	ssyncset.done $0x0;
	(pc) =	sbr.rel @p0 .LBB2_2-.Ltmp0, $4  }
0x1c: {  	s13 =	sadd.s32 s12, s6;
	s12 =	smov.u32 s15;
	[sflag:s10] =	ssyncadd.s32 $0xFFFFF000  }
0x1d: {  	[hbm4b:s13+s2] =	stream.linear.scatter [tilespmem:s9], [sflag:$0x2], $0x1000, $0x38;
	[tilespmem:$0x1C80] =	vst v63  }
0x1e: {  	_ =	swait.ge [sflag:s7], $0x1000  }
0x1f: {  	s13 =	smov.u32 s16;
	[sflag:s7] =	ssyncset.done $0x0  }
0x20: {  	s13 =	sshra.s32 s12, $0x2;
	[sflag:s7] =	ssyncadd.s32 $0xFFFFF000  }
0x21: {  	[tilespmem:s9], [sflag:$0x1] =	stream.indirect.gather [hbm4b:s3+s8], $0x20, s13, s8, $0xb8;
	[tilespmem:$0x1C80] =	vst v63  }
0x22: {  	s11 =	sadd.s32 $0x1, s11;
	_ =	swait.ge [sflag:s10], $0x1000  }
0x23: {  	p0 =	sne.s32 s11, s5;
	[sflag:s10] =	ssyncset.done $0x0  }
.Ltmp1:
0x24: {  	s31 =	sadd.s32 s12, s6;
	[sflag:s10] =	ssyncadd.s32 $0xFFFFF000;
	(pc) =	sbr.rel @p0 .LBB2_1-.Ltmp1, $4  }
0x25: {  	[hbm4b:s31+s2] =	stream.linear.scatter [tilespmem:s9], [sflag:$0x2], $0x1000, $0x38;
	[tilespmem:$0x1C80] =	vst v63  }
0x26: {  	_ =	swait.ge [sflag:s7], $0x1000  }
0x27: {  	[sflag:s7] =	ssyncset.done $0x0  }
0x28: {  	[sflag:s7] =	ssyncadd.s32 $0xFFFFF000  }
0x29: {  	_ =	sfence.sel $0x180000  }
0x2a: {  	[bflag:$0x0] =	sbarrier.arrive $0xFFFF  }
0x2b: {  	p0 =	sne.s32 s1, $0x0;
	_ =	strace $0x90000047  }
0x2c: {  	s0 =	sadd.s32 @!p0 $0x100000, s0;
	[bflag:$0x2] =	sbarrier.arrive $0xFFFF  }
0x2d: {  	[sflag:s0] =	ssyncadd.tile.s32 @!p0 $0x1;
	_ =	shalt  }
.Lfunc_end2:
_tile_overlayer_lowered:
.L_overlay_start_2:
0x2e: {  	(tag) =	ssettag $0x2  }
0x2f: {  	s0 =	rddreg [dreg:$0x0];
	s2 =	stileid.u32  }
0x30: {  	s1 =	rddreg [dreg:$0x1];
	p0 =	sne.s32 s2, $0x0  }
0x31: {  	s3 =	rddreg [dreg:$0x2];
	[bflag:$0x3] =	sbarrier.arrive $0xFFFF;
	s2 =	simm.s32 @!p0 $0x1C02  }
0x32: {  	[timem:s3], [sflag:s2] =	dma.local @!p0 [hbm:s0], s1  }
0x33: {  	s0 =	simm.s32 @!p0 $0x2  }
0x34: {  	_ =	swait.ge @!p0 [sflag:s0], s1  }
0x35: {  	s1 =	ssub.s32 @!p0 $0x0, s1;
	[sflag:s0] =	ssyncset.done @!p0 $0x0  }
0x36: {  	[sflag:s0] =	ssyncadd.s32 @!p0 s1  }
0x37: {  	[bflag:$0x3] =	sbarrier.arrive $0xFFFF  }
0x38: {  	_ =	shalt  }

// kernel: kernel.20.cloned.1.call-start
scs
__scs_entry_jumppad:
0x0: {  	(pc) =	sbr.rel $0x88, $3  }
0x1: {  	(tag) =	ssettag $0x0;
	lr =	simm.s32 $0x1  }
0x2: {  	[smem:$0x3F86] =	sst lr;
	_ =	strace $0xD0000000  }
0x3: {  	_ = 	snop  }
0x4: {  	_ = 	snop  }
0x5: {  	_ = 	snop  }
0x6: {  	_ = 	snop  }
0x7: {  	_ = 	snop  }
__scs_overlays_trampoline_lowered:
0x8: {  	[smem:$0x3F95] =	sst s0  }
0x9: {  	[smem:$0x3F96] =	sst s1  }
0xa: {  	[smem:$0x3F97] =	sst s2  }
0xb: {  	[smem:$0x3F98] =	sst s3  }
0xc: {  	[smem:$0x3F99] =	sst s4  }
0xd: {  	[smem:$0x3F9A] =	sst s5  }
0xe: {  	[smem:$0x3F9B] =	sst s6  }
0xf: {  	[smem:$0x3F9C] =	sst s7  }
0x10: {  	[smem:$0x3F9D] =	sst s8  }
0x11: {  	[smem:$0x3F9E] =	sst s9;
	s0 =	simm.s32 @!p0 $0x0  }
0x12: {  	s1 =	sld [smem:$0x3F84];
	s0 =	simm.s32 @p0 $0x1  }
0x13: {  	[smem:$0x3F9F] =	sst s0;
	s0 =	simm.s32 @!p1 $0x0  }
0x14: {  	s2 =	sld [smem:$0x3F83];
	s0 =	simm.s32 @p1 $0x1  }
0x15: {  	[smem:$0x3FA0] =	sst s0;
	s0 =	simm.s32 @!p2 $0x0  }
0x16: {  	s3 =	sld [smem:$0x3FDB];
	s0 =	simm.s32 @p2 $0x1  }
0x17: {  	s4 =	simm.s32 $0x1BF5;
	[smem:$0x3FA2] =	sst s0  }
0x18: {  	s0 =	sld [smem:$0x3F85];
	_ =	swait.ge [sflag:s4], $0x0  }
0x19: {  	s7 =	sld [smem:$0x3F86]  }
0x1a: {  	s8 =	sadd.s32 $0xFFFFE003, lr  }
0x1b: {  	s9 =	sadd.s32 $0xFFFFFEF7, lr;
	s5 =	simm.s32 $0xFFFFFFFF;
	p2 =	slt.u32 s8, $0xFFFFF086  }
0x1c: {  	p1 =	slt.u32 s9, $0xF7A;
	s5 =	simm.s32 @!p2 $0x0  }
0x1d: {  	s5 =	simm.s32 @p1 $0x1;
	p0 =	seq.s32 s7, s2  }
0x1e: {  	s7 =	smul.u32 @!p0 $0xF7A, s2;
	p2 =	seq.s32 @!p0 s5, $0x0  }
0x1f: {  	s9 =	smul.u32 $0xF7A, s1;
	s8 =	simm.s32 @!p0 $0x1BF5;
	p2 =	por !p2, p0  }
0x20: {  	[sflag:s8] =	ssyncset.s32 @!p0 $0xFFFFF086;
	s6 =	sadd.s32 @!p0 s3, s7;
	s7 =	simm.s32 @!p0 $0x108  }
0x21: {  	s3 =	sadd.s32 s3, s9;
	s6 =	sadd.s32 @!p0 $0x88, s6;
	s7 =	simm.s32 @p2 $0x1082  }
0x22: {  	[simem:s7], [sflag:s8] =	dma.local @!p0 [hbm:s6], $0xF7A  }
0x23: {  	s9 =	sor.u32 $0xD0000000, s2;
	s6 =	simm.s32 $0x108;
	_ =	swait.ge @!p0 [sflag:s8], $0x0  }
0x24: {  	s3 =	sadd.s32 $0x88, s3;
	s6 =	simm.s32 @!p1 $0x1082;
	[sflag:s4] =	ssyncset.s32 $0xFFFFF086  }
0x25: {  	[simem:s6], [sflag:s4] =	dma.local [hbm:s3], $0xF7A  }
0x26: {  	[smem:$0x3F86] =	sst s1;
	(tag) =	ssettag s2;
	_ =	strace s9  }
0x27: {  	s1 =	sld [smem:$0x3F96]  }
0x28: {  	s2 =	sld [smem:$0x3F97]  }
0x29: {  	s4 =	sld [smem:$0x3F99]  }
0x2a: {  	p0 =	seq.s32 s5, $0x0;
	s5 =	sld [smem:$0x3F9A]  }
0x2b: {  	s6 =	sld [smem:$0x3F9B]  }
0x2c: {  	s7 =	sld [smem:$0x3F9C]  }
0x2d: {  	s3 =	simm.s32 $0x108;
	s8 =	sld [smem:$0x3F9D]  }
0x2e: {  	s3 =	simm.s32 @!p0 $0x1082;
	s9 =	sld [smem:$0x3F9E]  }
0x2f: {  	lr =	sadd.s32 s0, s3;
	s0 =	sld [smem:$0x3F95]  }
0x30: {  	s3 =	sld [smem:$0x3F98]  }
0x31: {  	[smem:$0x3FA1] =	sst s10  }
0x32: {  	s10 =	sld [smem:$0x3F9F];
	_ =	sdelay $0x3  }
0x33: {  	p0 =	seq.s32 s10, $0x1;
	s10 =	sld [smem:$0x3FA1];
	_ =	sdelay $0x3  }
0x34: {  	[smem:$0x3FA1] =	sst s10  }
0x35: {  	s10 =	sld [smem:$0x3FA0];
	_ =	sdelay $0x3  }
0x36: {  	p1 =	seq.s32 s10, $0x1;
	s10 =	sld [smem:$0x3FA1];
	_ =	sdelay $0x3  }
0x37: {  	[smem:$0x3FA1] =	sst s10  }
0x38: {  	s10 =	sld [smem:$0x3FA2]  }
0x39: {  	_ = 	snop;
	(pc) =	sbr.ind lr, $3  }
0x3a: {  	_ = 	snop  }
0x3b: {  	_ = 	snop  }
0x3c: {  	p2 =	seq.s32 s10, $0x1;
	s10 =	sld [smem:$0x3FA1]  }
0x3d: {  	_ =	shalt  }
0x3e: {  	_ =	shalt  }
0x3f: {  	_ =	shalt  }
0x40: {  	_ =	shalt  }
0x41: {  	_ =	shalt  }
0x42: {  	_ =	shalt  }
0x43: {  	_ =	shalt  }
0x44: {  	_ =	shalt  }
0x45: {  	_ =	shalt  }
0x46: {  	_ =	shalt  }
0x47: {  	_ =	shalt  }
0x48: {  	_ =	shalt  }
0x49: {  	_ =	shalt  }
0x4a: {  	_ =	shalt  }
0x4b: {  	_ =	shalt  }
0x4c: {  	_ =	shalt  }
0x4d: {  	_ =	shalt  }
0x4e: {  	_ =	shalt  }
0x4f: {  	_ =	shalt  }
0x50: {  	_ =	shalt  }
0x51: {  	_ =	shalt  }
0x52: {  	_ =	shalt  }
0x53: {  	_ =	shalt  }
0x54: {  	_ =	shalt  }
0x55: {  	_ =	shalt  }
0x56: {  	_ =	shalt  }
0x57: {  	_ =	shalt  }
0x58: {  	_ =	shalt  }
0x59: {  	_ =	shalt  }
0x5a: {  	_ =	shalt  }
0x5b: {  	_ =	shalt  }
0x5c: {  	_ =	shalt  }
0x5d: {  	_ =	shalt  }
0x5e: {  	_ =	shalt  }
0x5f: {  	_ =	shalt  }
0x60: {  	_ =	shalt  }
0x61: {  	_ =	shalt  }
0x62: {  	_ =	shalt  }
0x63: {  	_ =	shalt  }
0x64: {  	_ =	shalt  }
0x65: {  	_ =	shalt  }
0x66: {  	_ =	shalt  }
0x67: {  	_ =	shalt  }
0x68: {  	_ =	shalt  }
0x69: {  	_ =	shalt  }
0x6a: {  	_ =	shalt  }
0x6b: {  	_ =	shalt  }
0x6c: {  	_ =	shalt  }
0x6d: {  	_ =	shalt  }
0x6e: {  	_ =	shalt  }
0x6f: {  	_ =	shalt  }
0x70: {  	_ =	shalt  }
0x71: {  	_ =	shalt  }
0x72: {  	_ =	shalt  }
0x73: {  	_ =	shalt  }
0x74: {  	_ =	shalt  }
0x75: {  	_ =	shalt  }
0x76: {  	_ =	shalt  }
0x77: {  	_ =	shalt  }
0x78: {  	_ =	shalt  }
0x79: {  	_ =	shalt  }
0x7a: {  	_ =	shalt  }
0x7b: {  	_ =	shalt  }
0x7c: {  	_ =	shalt  }
0x7d: {  	_ =	shalt  }
0x7e: {  	_ =	shalt  }
0x7f: {  	_ =	shalt  }
0x80: {  	_ =	shalt  }
0x81: {  	_ =	shalt  }
0x82: {  	_ =	shalt  }
0x83: {  	_ =	shalt  }
0x84: {  	_ =	shalt  }
0x85: {  	_ =	shalt  }
0x86: {  	_ =	shalt  }
0x87: {  	_ =	shalt  }
.Lfunc_end0:
.L_simem_size_0:
called_computation.1_lowered:
.L_overlay_start_0:
0x88: {  	s2 =	sld [smem:$0x3FD9]  }
0x89: {  	s3 =	sld [smem:$0x3FFE];
	_ =	sdelay $0x1  }
0x8a: {  	s1 =	srdreg.scid  }
0x8b: {  	s0 =	sand.u32 $0x1, s1  }
0x8c: {  	s16 =	sshll.u32 s0, $0xA;
	s2 =	sadd.s32 s3, s2  }
0x8d: {  	s2 =	sadd.s32 s2, s16  }
0x8e: {  	[smem:$0x3FAD] =	sst s2  }
0x8f: {  	_ = 	snop  }
0x90: {  	(tm) =	ssettm $0x1  }
0x91: {  	s17 =	sld [smem:$0x3FFB];
	_ =	sdelay $0x3  }
0x92: {  	_ =	strace s17  }
0x93: {  	s2 =	sld [smem:$0x3FFC];
	_ =	sdelay $0x3  }
0x94: {  	_ =	strace s2  }
0x95: {  	s2 =	sld [smem:$0x3FFD];
	_ =	sdelay $0x3  }
0x96: {  	_ =	strace s2  }
0x97: {  	_ =	strace $0x8FFFFFFF  }
0x98: {  	s18 =	sld [smem:$0x3FDB];
	_ =	sdelay $0x1  }
0x99: {  	s19 =	simm.s32 $_scs_section_size  }
0x9a: {  	s4 =	simm.s32 $_size__tile_overlayer_lowered;
	s5 =	simm.s32 $_tile_overlayer_lowered  }
0x9b: {  	s22 =	simm.s32 $0x1BFF;
	s21 =	sshll.u32 s5, $0x1;
	s2 =	sadd.s32 s19, s18  }
0x9c: {  	s6 =	simm.s32 $0x0;
	s20 =	sshll.u32 s4, $0x1;
	s4 =	sadd.s32 s21, s2  }
0x9d: {  	[timem:s6], [sflag:s22] =	dma.local [hbm:s4], s20  }
0x9e: {  	_ =	swait.ge [sflag:s22], s20  }
0x9f: {  	s3 =	ssub.s32 $0x0, s20;
	[sflag:s22] =	ssyncset.done $0x0  }
0xa0: {  	[sflag:s22] =	ssyncadd.s32 s3;
	_ =	sdelay $0x1  }
0xa1: {  	s23 =	simm.s32 $0x1B8B  }
0xa2: {  	_ =	swait.ge [sflag:s23], $0x1  }
0xa3: {  	[sflag:s23] =	ssyncset.done $0x0  }
0xa4: {  	s25 =	simm.s32 $0x1B8E;
	s24 =	sld [smem:$0x3FFE];
	[sflag:s23] =	ssyncadd.s32 $0xFFFFFFFF  }
0xa5: {  	s26 =	simm.s32 $execute0_lowered;
	[smem:$0x3FD2] =	sst s25  }
0xa6: {  	s4 =	sshll.u32 s26, $0x1;
	_ =	strace $0x80000049;
	[dreg:$0x1] =	wrdreg $0xFFFFFFFF  }
0xa7: {  	s28 =	simm.s32 $_size_execute0_lowered;
	s2 =	sadd.s32 s2, s4;
	[dreg:$0x0] =	wrdreg $0x0  }
0xa8: {  	s4 =	sshll.u32 s28, $0x1;
	[dreg:$0x2] =	wrdreg s2  }
0xa9: {  	[dreg:$0x3] =	wrdreg s4  }
0xaa: {  	[dreg:$0x4] =	wrdreg $0xC0  }
0xab: {  	_ =	task [dreg:s6], $0x5FFFF  }
0xac: {  	[dreg:$0x1] =	wrdreg $0xFFFFFFFF  }
0xad: {  	[dreg:$0x0] =	wrdreg $0x60  }
0xae: {  	[dreg:$0x2] =	wrdreg s24  }
0xaf: {  	[dreg:$0x3] =	wrdreg $0x1C800  }
0xb0: {  	[dreg:$0x4] =	wrdreg $0x9  }
0xb1: {  	_ =	task.clear_ibuf [dreg:s6], $0x5FFFF;
	_ =	strace $0x90000049  }
0xb2: {  	s29 =	simm.s32 $0x9;
	_ =	strace $0x8000004B  }
0xb3: {  	_ =	swait.ge [sflag:s29], $0x1  }
0xb4: {  	[sflag:s29] =	ssyncadd.s32 $0xFFFFFFFF  }
0xb5: {  	_ =	strace $0x9000004B  }
0xb6: {  	_ =	sfence  }
0xb7: {  	s30 =	sld [smem:$0x0];
	_ =	sdelay $0x2  }
0xb8: {  	s31 =	sshll.u32 s1, $0xD;
	s1 =	sshrl.u32 s1, $0x2  }
0xb9: {  	s3 =	sand.u32 $0x4000, s31;
	s1 =	sadd.s32 s1, s30  }
0xba: {  	s0 =	sor.u32 s3, s0;
	s1 =	sshll.u32 s1, $0x11  }
0xbb: {  	s0 =	sor.u32 s1, s0  }
0xbc: {  	s0 =	sadd.s32 $0x8F2B, s0  }
0xbd: {  	[sflag:s0] =	ssyncadd.remote.s32 $0x1  }
0xbe: {  	_ =	sfence.sel $0xFFFF  }
0xbf: {  	[dreg:$0x0] =	wrdreg $0xFFFFFFFF;
	(pc) =	sbr.abs _section_cstart, $3  }
0xc0: {  	[dreg:$0x1] =	wrdreg $0xFFFFFFFF  }
0xc1: {  	_ =	task.clear_ibuf [dreg:s6], $0x2FFFF;
	_ =	strace $0x9FFFFFFF  }
0xc2: {  	(tm) =	ssettm $0x7FFFFFFF  }
0xc3: {  	_ =	shalt  }
tec
execute0_lowered:
.L_overlay_start_1:
0x0: {  	(tag) =	ssettag $0x1  }
0x1: {  	s5 =	rddreg [dreg:$0x0];
	s0 =	srdreg.scid  }
0x2: {  	s2 =	rddreg [dreg:$0x1];
	s1 =	stileid.u32;
	s3 =	simm.s32 $0x0  }
0x3: {  	s6 =	sand.u32 $0x1, s0;
	s0 =	rddreg [dreg:$0x2];
	s10 =	smul.u32 $0x18800, s1  }
0x4: {  	[smem:$0x7FF] =	sst s3;
	s12 =	smul.u32 $0x3200, s1  }
0x5: {  	s30 =	sshll.u32 s1, $0x6;
	s4 =	sshll.u32 s6, $0x4;
	s7 =	smul.u32 $0x32000, s6  }
0x6: {  	_ =	strace $0x8000004A;
	s8 =	smul.u32 $0x31000, s6;
	s6 =	ssub.s32 $0x2, s6  }
0x7: {  	s4 =	sor.u32 s1, s4;
	s29 =	sshrl.u32 s6, $0x1;
	s13 =	sadd.s32 s10, s2  }
0x8: {  	s15 =	sshrl.u32 s10, $0x3;
	s10 =	simm.s32 $0x2;
	s4 =	smul.u32 $0xC80, s4  }
0x9: {  	s7 =	sadd.s32 s7, s5;
	s8 =	sadd.s32 s8, s5;
	s11 =	ssub.s32 s6, s29  }
0xa: {  	s14 =	sadd.s32 $0xA5600, s8;
	s31 =	sadd.s32 s12, s7;
	s7 =	smax.u32 s11, $0x1  }
0xb: {  	s11 =	simm.s32 $0xC80;
	s12 =	simm.s32 $0x1;
	s4 =	sshrl.u32 s4, $0x3  }
0xc: {  	s8 =	sadd.s32 $0x3E400, s31;
	s14 =	sadd.s32 s15, s14;
	s15 =	simm.s32 $0x0  }
0xd: {  	s9 =	sadd.s32 s4, s5;
	s4 =	sadd.s32 $0xA400, s5;
	s5 =	sor.u32 $0x1C02, s30  }
0xe: {  	s6 =	sadd.s32 $0x3B200, s9;
	s9 =	sshrl.u32 s13, $0x3;
	s13 =	simm.s32 $0x80  }
.LBB2_1:
0xf: {  	[spmem:s9], [sflag:s5] =	dma.local [hbm:s4], $0x3100  }
0x10: {  	_ =	swait.ge [sflag:s10], $0x3100  }
0x11: {  	[sflag:s10] =	ssyncset.done $0x0  }
0x12: {  	[sflag:s10] =	ssyncadd.s32 $0xFFFFCF00  }
0x13: {  	[tilespmem:s3], [sflag:$0x2] =	stream.linear.gather [hbm4b:s6+s3], $0xC80, $0x38;
	[tilespmem:$0x1A480] =	vst v63  }
0x14: {  	_ =	swait.ge [sflag:s10], $0xC80  }
0x15: {  	[sflag:s10] =	ssyncset.done $0x0  }
0x16: {  	[sflag:s10] =	ssyncadd.s32 $0xFFFFF380  }
0x17: {  	s16 =	sadd.s32 $0x0, s8;
	[bflag:$0x0] =	sbarrier.arrive $0xFFFF  }
0x18: {  	[tilespmem:s11], [sflag:$0x1] =	stream.linear.gather [hbm4b:s16+s3], $0x1000, $0x38;
	[tilespmem:$0x1A480] =	vst v63  }
0x19: {  	_ =	swait.ge [sflag:s12], $0x1000  }
0x1a: {  	[sflag:s12] =	ssyncset.done $0x0  }
0x1b: {  	s31 =	simm.s32 $0x0;
	[sflag:s12] =	ssyncadd.s32 $0xFFFFF000  }
0x1c: {  	[spmem:s2] =	stream.indirect.scatter.add.f32 [tilespmem:s11], [sflag:$0x2], $0x20, s31, s13, $0xb8;
	[tilespmem:$0x1A480] =	vst v63  }
0x1d: {  	_ =	swait.ge [sflag:s10], $0x1000  }
0x1e: {  	s17 =	simm.s32 $0x400;
	s16 =	simm.s32 $0x200;
	[sflag:s10] =	ssyncset.done $0x0  }
.LBB2_2:
0x1f: {  	s18 =	sadd.s32 s16, s8  }
0x20: {  	[sflag:s10] =	ssyncadd.s32 $0xFFFFF000;
	s19 =	smov.u32 s17;
	s20 =	sadd.s32 $0x200, s17  }
0x21: {  	[tilespmem:s11], [sflag:$0x1] =	stream.linear.gather [hbm4b:s18+s3], $0x1000, $0x38;
	[tilespmem:$0x1A480] =	vst v63  }
0x22: {  	p0 =	sne.s32 s17, $0x3000;
	_ =	swait.ge [sflag:s12], $0x1000  }
.Ltmp0:
0x23: {  	[sflag:s12] =	ssyncset.done $0x0;
	(pc) =	sbr.rel @p0 .LBB2_2-.Ltmp0, $4  }
0x24: {  	s17 =	sshra.s32 s16, $0x2;
	s16 =	smov.u32 s19;
	[sflag:s12] =	ssyncadd.s32 $0xFFFFF000  }
0x25: {  	[spmem:s2] =	stream.indirect.scatter.add.f32 [tilespmem:s11], [sflag:$0x2], $0x20, s17, s13, $0xb8;
	[tilespmem:$0x1A480] =	vst v63  }
0x26: {  	_ =	swait.ge [sflag:s10], $0x1000  }
0x27: {  	s17 =	smov.u32 s20;
	[sflag:s10] =	ssyncset.done $0x0  }
0x28: {  	s17 =	sadd.s32 s16, s8;
	[sflag:s10] =	ssyncadd.s32 $0xFFFFF000  }
0x29: {  	[tilespmem:s11], [sflag:$0x1] =	stream.linear.gather [hbm4b:s17+s3], $0x1000, $0x38;
	[tilespmem:$0x1A480] =	vst v63  }
0x2a: {  	_ =	swait.ge [sflag:s12], $0x1000  }
0x2b: {  	[sflag:s12] =	ssyncset.done $0x0  }
0x2c: {  	s31 =	sshra.s32 s16, $0x2;
	[sflag:s12] =	ssyncadd.s32 $0xFFFFF000  }
0x2d: {  	[spmem:s2] =	stream.indirect.scatter.add.f32 [tilespmem:s11], [sflag:$0x2], $0x20, s31, s13, $0xb8;
	[tilespmem:$0x1A480] =	vst v63  }
0x2e: {  	_ =	swait.ge [sflag:s10], $0x1000  }
0x2f: {  	s15 =	sadd.s32 $0x1, s15;
	[sflag:s10] =	ssyncset.done $0x0  }
0x30: {  	p0 =	sne.s32 s15, s7;
	[sflag:s10] =	ssyncadd.s32 $0xFFFFF000  }
.Ltmp1:
0x31: {  	[bflag:$0x0] =	sbarrier.arrive $0xFFFF;
	(pc) =	sbr.rel @p0 .LBB2_1-.Ltmp1, $4  }
0x32: {  	[hbm:s14], [sflag:s5] =	dma.local [spmem:s9], $0x3100  }
0x33: {  	_ =	swait.ge [sflag:s10], $0x3100  }
0x34: {  	[sflag:s10] =	ssyncset.done $0x0  }
0x35: {  	[sflag:s10] =	ssyncadd.s32 $0xFFFFCF00  }
0x36: {  	_ =	sfence.sel $0x180000  }
0x37: {  	[bflag:$0x0] =	sbarrier.arrive $0xFFFF  }
0x38: {  	p0 =	sne.s32 s1, $0x0;
	_ =	strace $0x9000004A  }
0x39: {  	s0 =	sadd.s32 @!p0 $0x100000, s0;
	[bflag:$0x2] =	sbarrier.arrive $0xFFFF  }
0x3a: {  	[sflag:s0] =	ssyncadd.tile.s32 @!p0 $0x1;
	_ =	shalt  }
.Lfunc_end2:
_tile_overlayer_lowered:
.L_overlay_start_2:
0x3b: {  	(tag) =	ssettag $0x2  }
0x3c: {  	s0 =	rddreg [dreg:$0x0];
	s2 =	stileid.u32  }
0x3d: {  	s1 =	rddreg [dreg:$0x1];
	p0 =	sne.s32 s2, $0x0  }
0x3e: {  	s3 =	rddreg [dreg:$0x2];
	[bflag:$0x3] =	sbarrier.arrive $0xFFFF;
	s2 =	simm.s32 @!p0 $0x1C02  }
0x3f: {  	[timem:s3], [sflag:s2] =	dma.local @!p0 [hbm:s0], s1  }
0x40: {  	s0 =	simm.s32 @!p0 $0x2  }
0x41: {  	_ =	swait.ge @!p0 [sflag:s0], s1  }
0x42: {  	s1 =	ssub.s32 @!p0 $0x0, s1;
	[sflag:s0] =	ssyncset.done @!p0 $0x0  }
0x43: {  	[sflag:s0] =	ssyncadd.s32 @!p0 s1  }
0x44: {  	[bflag:$0x3] =	sbarrier.arrive $0xFFFF  }
0x45: {  	_ =	shalt  }

// kernel: kernel.23.cloned.1.call-start
scs
__scs_entry_jumppad:
0x0: {  	(pc) =	sbr.rel $0x88, $3  }
0x1: {  	(tag) =	ssettag $0x0;
	lr =	simm.s32 $0x1  }
0x2: {  	[smem:$0x3F86] =	sst lr;
	_ =	strace $0xD0000000  }
0x3: {  	_ = 	snop  }
0x4: {  	_ = 	snop  }
0x5: {  	_ = 	snop  }
0x6: {  	_ = 	snop  }
0x7: {  	_ = 	snop  }
__scs_overlays_trampoline_lowered:
0x8: {  	[smem:$0x3F95] =	sst s0  }
0x9: {  	[smem:$0x3F96] =	sst s1  }
0xa: {  	[smem:$0x3F97] =	sst s2  }
0xb: {  	[smem:$0x3F98] =	sst s3  }
0xc: {  	[smem:$0x3F99] =	sst s4  }
0xd: {  	[smem:$0x3F9A] =	sst s5  }
0xe: {  	[smem:$0x3F9B] =	sst s6  }
0xf: {  	[smem:$0x3F9C] =	sst s7  }
0x10: {  	[smem:$0x3F9D] =	sst s8  }
0x11: {  	[smem:$0x3F9E] =	sst s9;
	s0 =	simm.s32 @!p0 $0x0  }
0x12: {  	s1 =	sld [smem:$0x3F84];
	s0 =	simm.s32 @p0 $0x1  }
0x13: {  	[smem:$0x3F9F] =	sst s0;
	s0 =	simm.s32 @!p1 $0x0  }
0x14: {  	s2 =	sld [smem:$0x3F83];
	s0 =	simm.s32 @p1 $0x1  }
0x15: {  	[smem:$0x3FA0] =	sst s0;
	s0 =	simm.s32 @!p2 $0x0  }
0x16: {  	s3 =	sld [smem:$0x3FDB];
	s0 =	simm.s32 @p2 $0x1  }
0x17: {  	s4 =	simm.s32 $0x1BF5;
	[smem:$0x3FA2] =	sst s0  }
0x18: {  	s0 =	sld [smem:$0x3F85];
	_ =	swait.ge [sflag:s4], $0x0  }
0x19: {  	s7 =	sld [smem:$0x3F86]  }
0x1a: {  	s8 =	sadd.s32 $0xFFFFE003, lr  }
0x1b: {  	s9 =	sadd.s32 $0xFFFFFEF7, lr;
	s5 =	simm.s32 $0xFFFFFFFF;
	p2 =	slt.u32 s8, $0xFFFFF086  }
0x1c: {  	p1 =	slt.u32 s9, $0xF7A;
	s5 =	simm.s32 @!p2 $0x0  }
0x1d: {  	s5 =	simm.s32 @p1 $0x1;
	p0 =	seq.s32 s7, s2  }
0x1e: {  	s7 =	smul.u32 @!p0 $0xF7A, s2;
	p2 =	seq.s32 @!p0 s5, $0x0  }
0x1f: {  	s9 =	smul.u32 $0xF7A, s1;
	s8 =	simm.s32 @!p0 $0x1BF5;
	p2 =	por !p2, p0  }
0x20: {  	[sflag:s8] =	ssyncset.s32 @!p0 $0xFFFFF086;
	s6 =	sadd.s32 @!p0 s3, s7;
	s7 =	simm.s32 @!p0 $0x108  }
0x21: {  	s3 =	sadd.s32 s3, s9;
	s6 =	sadd.s32 @!p0 $0x88, s6;
	s7 =	simm.s32 @p2 $0x1082  }
0x22: {  	[simem:s7], [sflag:s8] =	dma.local @!p0 [hbm:s6], $0xF7A  }
0x23: {  	s9 =	sor.u32 $0xD0000000, s2;
	s6 =	simm.s32 $0x108;
	_ =	swait.ge @!p0 [sflag:s8], $0x0  }
0x24: {  	s3 =	sadd.s32 $0x88, s3;
	s6 =	simm.s32 @!p1 $0x1082;
	[sflag:s4] =	ssyncset.s32 $0xFFFFF086  }
0x25: {  	[simem:s6], [sflag:s4] =	dma.local [hbm:s3], $0xF7A  }
0x26: {  	[smem:$0x3F86] =	sst s1;
	(tag) =	ssettag s2;
	_ =	strace s9  }
0x27: {  	s1 =	sld [smem:$0x3F96]  }
0x28: {  	s2 =	sld [smem:$0x3F97]  }
0x29: {  	s4 =	sld [smem:$0x3F99]  }
0x2a: {  	p0 =	seq.s32 s5, $0x0;
	s5 =	sld [smem:$0x3F9A]  }
0x2b: {  	s6 =	sld [smem:$0x3F9B]  }
0x2c: {  	s7 =	sld [smem:$0x3F9C]  }
0x2d: {  	s3 =	simm.s32 $0x108;
	s8 =	sld [smem:$0x3F9D]  }
0x2e: {  	s3 =	simm.s32 @!p0 $0x1082;
	s9 =	sld [smem:$0x3F9E]  }
0x2f: {  	lr =	sadd.s32 s0, s3;
	s0 =	sld [smem:$0x3F95]  }
0x30: {  	s3 =	sld [smem:$0x3F98]  }
0x31: {  	[smem:$0x3FA1] =	sst s10  }
0x32: {  	s10 =	sld [smem:$0x3F9F];
	_ =	sdelay $0x3  }
0x33: {  	p0 =	seq.s32 s10, $0x1;
	s10 =	sld [smem:$0x3FA1];
	_ =	sdelay $0x3  }
0x34: {  	[smem:$0x3FA1] =	sst s10  }
0x35: {  	s10 =	sld [smem:$0x3FA0];
	_ =	sdelay $0x3  }
0x36: {  	p1 =	seq.s32 s10, $0x1;
	s10 =	sld [smem:$0x3FA1];
	_ =	sdelay $0x3  }
0x37: {  	[smem:$0x3FA1] =	sst s10  }
0x38: {  	s10 =	sld [smem:$0x3FA2]  }
0x39: {  	_ = 	snop;
	(pc) =	sbr.ind lr, $3  }
0x3a: {  	_ = 	snop  }
0x3b: {  	_ = 	snop  }
0x3c: {  	p2 =	seq.s32 s10, $0x1;
	s10 =	sld [smem:$0x3FA1]  }
0x3d: {  	_ =	shalt  }
0x3e: {  	_ =	shalt  }
0x3f: {  	_ =	shalt  }
0x40: {  	_ =	shalt  }
0x41: {  	_ =	shalt  }
0x42: {  	_ =	shalt  }
0x43: {  	_ =	shalt  }
0x44: {  	_ =	shalt  }
0x45: {  	_ =	shalt  }
0x46: {  	_ =	shalt  }
0x47: {  	_ =	shalt  }
0x48: {  	_ =	shalt  }
0x49: {  	_ =	shalt  }
0x4a: {  	_ =	shalt  }
0x4b: {  	_ =	shalt  }
0x4c: {  	_ =	shalt  }
0x4d: {  	_ =	shalt  }
0x4e: {  	_ =	shalt  }
0x4f: {  	_ =	shalt  }
0x50: {  	_ =	shalt  }
0x51: {  	_ =	shalt  }
0x52: {  	_ =	shalt  }
0x53: {  	_ =	shalt  }
0x54: {  	_ =	shalt  }
0x55: {  	_ =	shalt  }
0x56: {  	_ =	shalt  }
0x57: {  	_ =	shalt  }
0x58: {  	_ =	shalt  }
0x59: {  	_ =	shalt  }
0x5a: {  	_ =	shalt  }
0x5b: {  	_ =	shalt  }
0x5c: {  	_ =	shalt  }
0x5d: {  	_ =	shalt  }
0x5e: {  	_ =	shalt  }
0x5f: {  	_ =	shalt  }
0x60: {  	_ =	shalt  }
0x61: {  	_ =	shalt  }
0x62: {  	_ =	shalt  }
0x63: {  	_ =	shalt  }
0x64: {  	_ =	shalt  }
0x65: {  	_ =	shalt  }
0x66: {  	_ =	shalt  }
0x67: {  	_ =	shalt  }
0x68: {  	_ =	shalt  }
0x69: {  	_ =	shalt  }
0x6a: {  	_ =	shalt  }
0x6b: {  	_ =	shalt  }
0x6c: {  	_ =	shalt  }
0x6d: {  	_ =	shalt  }
0x6e: {  	_ =	shalt  }
0x6f: {  	_ =	shalt  }
0x70: {  	_ =	shalt  }
0x71: {  	_ =	shalt  }
0x72: {  	_ =	shalt  }
0x73: {  	_ =	shalt  }
0x74: {  	_ =	shalt  }
0x75: {  	_ =	shalt  }
0x76: {  	_ =	shalt  }
0x77: {  	_ =	shalt  }
0x78: {  	_ =	shalt  }
0x79: {  	_ =	shalt  }
0x7a: {  	_ =	shalt  }
0x7b: {  	_ =	shalt  }
0x7c: {  	_ =	shalt  }
0x7d: {  	_ =	shalt  }
0x7e: {  	_ =	shalt  }
0x7f: {  	_ =	shalt  }
0x80: {  	_ =	shalt  }
0x81: {  	_ =	shalt  }
0x82: {  	_ =	shalt  }
0x83: {  	_ =	shalt  }
0x84: {  	_ =	shalt  }
0x85: {  	_ =	shalt  }
0x86: {  	_ =	shalt  }
0x87: {  	_ =	shalt  }
.Lfunc_end0:
.L_simem_size_0:
called_computation.2_lowered:
.L_overlay_start_0:
0x88: {  	s2 =	sld [smem:$0x3FD9]  }
0x89: {  	s3 =	sld [smem:$0x3FFE];
	_ =	sdelay $0x1  }
0x8a: {  	s1 =	srdreg.scid  }
0x8b: {  	s0 =	sand.u32 $0x1, s1  }
0x8c: {  	s17 =	sshll.u32 s0, $0xA;
	s2 =	sadd.s32 s3, s2  }
0x8d: {  	s2 =	sadd.s32 s2, s17  }
0x8e: {  	[smem:$0x3FAD] =	sst s2  }
0x8f: {  	_ = 	snop  }
0x90: {  	s2 =	sld [smem:$0x3FD0];
	(tm) =	ssettm $0x1  }
0x91: {  	s18 =	sld [smem:$0x3FFB];
	_ =	sdelay $0x3  }
0x92: {  	_ =	strace s18  }
0x93: {  	s3 =	sld [smem:$0x3FFC];
	_ =	sdelay $0x3  }
0x94: {  	_ =	strace s3  }
0x95: {  	s3 =	sld [smem:$0x3FFD];
	_ =	sdelay $0x3  }
0x96: {  	_ =	strace s3  }
0x97: {  	_ =	strace $0x8FFFFFFF  }
0x98: {  	s19 =	sld [smem:$0x3FDB];
	_ =	sdelay $0x1  }
0x99: {  	s4 =	simm.s32 $_scs_section_size  }
0x9a: {  	s5 =	simm.s32 $_size__tile_overlayer_lowered;
	s6 =	simm.s32 $_tile_overlayer_lowered  }
0x9b: {  	s22 =	simm.s32 $0x1BFF;
	s21 =	sshll.u32 s6, $0x1;
	s3 =	sadd.s32 s4, s19  }
0x9c: {  	s7 =	simm.s32 $0x0;
	s20 =	sshll.u32 s5, $0x1;
	s5 =	sadd.s32 s21, s3  }
0x9d: {  	[timem:s7], [sflag:s22] =	dma.local [hbm:s5], s20  }
0x9e: {  	_ =	swait.ge [sflag:s22], s20  }
0x9f: {  	s4 =	ssub.s32 $0x0, s20;
	[sflag:s22] =	ssyncset.done $0x0  }
0xa0: {  	[sflag:s22] =	ssyncadd.s32 s4;
	_ =	sdelay $0x1  }
0xa1: {  	s23 =	simm.s32 $0x1B8B  }
0xa2: {  	_ =	swait.ge [sflag:s23], $0x1  }
0xa3: {  	[sflag:s23] =	ssyncset.done $0x0  }
0xa4: {  	s25 =	simm.s32 $0x1B8E;
	s24 =	sld [smem:$0x3FFE];
	[sflag:s23] =	ssyncadd.s32 $0xFFFFFFFF  }
0xa5: {  	s26 =	simm.s32 $execute0_lowered;
	[smem:$0x3FD2] =	sst s25  }
0xa6: {  	s5 =	sshll.u32 s26, $0x1;
	_ =	strace $0x8000004C;
	[dreg:$0x1] =	wrdreg $0xFFFFFFFF  }
0xa7: {  	s28 =	simm.s32 $_size_execute0_lowered;
	s3 =	sadd.s32 s3, s5;
	[dreg:$0x0] =	wrdreg $0x0  }
0xa8: {  	s5 =	sshll.u32 s28, $0x1;
	[dreg:$0x2] =	wrdreg s3  }
0xa9: {  	[dreg:$0x3] =	wrdreg s5  }
0xaa: {  	[dreg:$0x4] =	wrdreg $0xC0  }
0xab: {  	_ =	task [dreg:s7], $0x5FFFF  }
0xac: {  	[dreg:$0x1] =	wrdreg $0xFFFFFFFF  }
0xad: {  	[dreg:$0x0] =	wrdreg $0x60  }
0xae: {  	[dreg:$0x2] =	wrdreg s24  }
0xaf: {  	[dreg:$0x3] =	wrdreg s2  }
0xb0: {  	[dreg:$0x4] =	wrdreg $0x9  }
0xb1: {  	_ =	task.clear_ibuf [dreg:s7], $0x5FFFF;
	_ =	strace $0x9000004C  }
0xb2: {  	s29 =	simm.s32 $0x9;
	_ =	strace $0x8000004E  }
0xb3: {  	_ =	swait.ge [sflag:s29], $0x1  }
0xb4: {  	[sflag:s29] =	ssyncadd.s32 $0xFFFFFFFF  }
0xb5: {  	_ =	strace $0x9000004E  }
0xb6: {  	_ =	sfence  }
0xb7: {  	s30 =	sld [smem:$0x0];
	_ =	sdelay $0x2  }
0xb8: {  	s31 =	sshll.u32 s1, $0xD;
	s1 =	sshrl.u32 s1, $0x2  }
0xb9: {  	s3 =	sand.u32 $0x4000, s31;
	s1 =	sadd.s32 s1, s30  }
0xba: {  	s0 =	sor.u32 s3, s0;
	s1 =	sshll.u32 s1, $0x11  }
0xbb: {  	s0 =	sor.u32 s1, s0  }
0xbc: {  	s0 =	sadd.s32 $0x8F2B, s0  }
0xbd: {  	[sflag:s0] =	ssyncadd.remote.s32 $0x1  }
0xbe: {  	_ =	sfence.sel $0xFFFF  }
0xbf: {  	[dreg:$0x0] =	wrdreg $0xFFFFFFFF;
	(pc) =	sbr.abs _section_cstart, $3  }
0xc0: {  	[dreg:$0x1] =	wrdreg $0xFFFFFFFF  }
0xc1: {  	_ =	task.clear_ibuf [dreg:s7], $0x2FFFF;
	_ =	strace $0x9FFFFFFF  }
0xc2: {  	(tm) =	ssettm $0x7FFFFFFF  }
0xc3: {  	_ =	shalt  }
tec
execute0_lowered:
.L_overlay_start_1:
0x0: {  	(tag) =	ssettag $0x1  }
0x1: {  	s4 =	rddreg [dreg:$0x0]  }
0x2: {  	s5 =	rddreg [dreg:$0x1]  }
0x3: {  	s1 =	srdreg.scid;
	s0 =	rddreg [dreg:$0x2];
	s2 =	simm.s32 $0x0  }
0x4: {  	s11 =	simm.s32 $0x0;
	s3 =	sand.u32 $0x1, s1;
	s1 =	stileid.u32  }
0x5: {  	[smem:$0x7FF] =	sst s2;
	s6 =	sshll.u32 s3, $0x4;
	s7 =	smul.u32 $0x32000, s3  }
0x6: {  	_ =	strace $0x8000004D;
	s8 =	ssub.s32 $0x2, s3;
	s3 =	sadd.s32 $0x3E400, s4  }
0x7: {  	s10 =	smul.u32 $0x3200, s1;
	s6 =	sor.u32 s1, s6;
	s9 =	sshrl.u32 s8, $0x1  }
0x8: {  	s6 =	smul.u32 $0xC80, s6;
	s7 =	sadd.s32 s7, s4;
	s8 =	ssub.s32 s8, s9  }
0x9: {  	s9 =	simm.s32 $0xC80;
	s31 =	sadd.s32 s10, s7;
	s7 =	simm.s32 $0x2  }
0xa: {  	s10 =	simm.s32 $0x1;
	s30 =	sshrl.u32 s6, $0x3;
	s6 =	sadd.s32 $0xA5600, s31  }
0xb: {  	s4 =	sadd.s32 s5, s30;
	s5 =	smax.u32 s8, $0x1;
	s8 =	simm.s32 $0x80  }
.LBB2_1:
0xc: {  	[tilespmem:s2], [sflag:$0x2] =	stream.linear.gather [hbm4b:s4+s2], $0xC80, $0x38;
	[tilespmem:$0x1C80] =	vst v63  }
0xd: {  	_ =	swait.ge [sflag:s7], $0xC80  }
0xe: {  	[sflag:s7] =	ssyncset.done $0x0  }
0xf: {  	s12 =	simm.s32 $0x0;
	[sflag:s7] =	ssyncadd.s32 $0xFFFFF380  }
0x10: {  	[tilespmem:s9], [sflag:$0x1] =	stream.indirect.gather [hbm4b:s3+s8], $0x20, s12, s8, $0xb8;
	[tilespmem:$0x1C80] =	vst v63  }
0x11: {  	_ =	swait.ge [sflag:s10], $0x1000  }
0x12: {  	[sflag:s10] =	ssyncset.done $0x0  }
0x13: {  	s31 =	sadd.s32 $0x0, s6;
	[sflag:s10] =	ssyncadd.s32 $0xFFFFF000  }
0x14: {  	[hbm4b:s31+s2] =	stream.linear.scatter [tilespmem:s9], [sflag:$0x2], $0x1000, $0x38;
	[tilespmem:$0x1C80] =	vst v63  }
0x15: {  	_ =	swait.ge [sflag:s7], $0x1000  }
0x16: {  	s13 =	simm.s32 $0x400;
	s12 =	simm.s32 $0x200;
	[sflag:s7] =	ssyncset.done $0x0  }
.LBB2_2:
0x17: {  	s14 =	sshra.s32 s12, $0x2  }
0x18: {  	[sflag:s7] =	ssyncadd.s32 $0xFFFFF000;
	s15 =	smov.u32 s13;
	s16 =	sadd.s32 $0x200, s13  }
0x19: {  	[tilespmem:s9], [sflag:$0x1] =	stream.indirect.gather [hbm4b:s3+s8], $0x20, s14, s8, $0xb8;
	[tilespmem:$0x1C80] =	vst v63  }
0x1a: {  	p0 =	sne.s32 s13, $0x3000;
	_ =	swait.ge [sflag:s10], $0x1000  }
.Ltmp0:
0x1b: {  	[sflag:s10] =	ssyncset.done $0x0;
	(pc) =	sbr.rel @p0 .LBB2_2-.Ltmp0, $4  }
0x1c: {  	s13 =	sadd.s32 s12, s6;
	s12 =	smov.u32 s15;
	[sflag:s10] =	ssyncadd.s32 $0xFFFFF000  }
0x1d: {  	[hbm4b:s13+s2] =	stream.linear.scatter [tilespmem:s9], [sflag:$0x2], $0x1000, $0x38;
	[tilespmem:$0x1C80] =	vst v63  }
0x1e: {  	_ =	swait.ge [sflag:s7], $0x1000  }
0x1f: {  	s13 =	smov.u32 s16;
	[sflag:s7] =	ssyncset.done $0x0  }
0x20: {  	s13 =	sshra.s32 s12, $0x2;
	[sflag:s7] =	ssyncadd.s32 $0xFFFFF000  }
0x21: {  	[tilespmem:s9], [sflag:$0x1] =	stream.indirect.gather [hbm4b:s3+s8], $0x20, s13, s8, $0xb8;
	[tilespmem:$0x1C80] =	vst v63  }
0x22: {  	s11 =	sadd.s32 $0x1, s11;
	_ =	swait.ge [sflag:s10], $0x1000  }
0x23: {  	p0 =	sne.s32 s11, s5;
	[sflag:s10] =	ssyncset.done $0x0  }
.Ltmp1:
0x24: {  	s31 =	sadd.s32 s12, s6;
	[sflag:s10] =	ssyncadd.s32 $0xFFFFF000;
	(pc) =	sbr.rel @p0 .LBB2_1-.Ltmp1, $4  }
0x25: {  	[hbm4b:s31+s2] =	stream.linear.scatter [tilespmem:s9], [sflag:$0x2], $0x1000, $0x38;
	[tilespmem:$0x1C80] =	vst v63  }
0x26: {  	_ =	swait.ge [sflag:s7], $0x1000  }
0x27: {  	[sflag:s7] =	ssyncset.done $0x0  }
0x28: {  	[sflag:s7] =	ssyncadd.s32 $0xFFFFF000  }
0x29: {  	_ =	sfence.sel $0x180000  }
0x2a: {  	[bflag:$0x0] =	sbarrier.arrive $0xFFFF  }
0x2b: {  	p0 =	sne.s32 s1, $0x0;
	_ =	strace $0x9000004D  }
0x2c: {  	s0 =	sadd.s32 @!p0 $0x100000, s0;
	[bflag:$0x2] =	sbarrier.arrive $0xFFFF  }
0x2d: {  	[sflag:s0] =	ssyncadd.tile.s32 @!p0 $0x1;
	_ =	shalt  }
.Lfunc_end2:
_tile_overlayer_lowered:
.L_overlay_start_2:
0x2e: {  	(tag) =	ssettag $0x2  }
0x2f: {  	s0 =	rddreg [dreg:$0x0];
	s2 =	stileid.u32  }
0x30: {  	s1 =	rddreg [dreg:$0x1];
	p0 =	sne.s32 s2, $0x0  }
0x31: {  	s3 =	rddreg [dreg:$0x2];
	[bflag:$0x3] =	sbarrier.arrive $0xFFFF;
	s2 =	simm.s32 @!p0 $0x1C02  }
0x32: {  	[timem:s3], [sflag:s2] =	dma.local @!p0 [hbm:s0], s1  }
0x33: {  	s0 =	simm.s32 @!p0 $0x2  }
0x34: {  	_ =	swait.ge @!p0 [sflag:s0], s1  }
0x35: {  	s1 =	ssub.s32 @!p0 $0x0, s1;
	[sflag:s0] =	ssyncset.done @!p0 $0x0  }
0x36: {  	[sflag:s0] =	ssyncadd.s32 @!p0 s1  }
0x37: {  	[bflag:$0x3] =	sbarrier.arrive $0xFFFF  }
0x38: {  	_ =	shalt  }

// kernel: kernel.26.cloned.1.call-start
scs
__scs_entry_jumppad:
0x0: {  	(pc) =	sbr.rel $0x88, $3  }
0x1: {  	(tag) =	ssettag $0x0;
	lr =	simm.s32 $0x1  }
0x2: {  	[smem:$0x3F86] =	sst lr;
	_ =	strace $0xD0000000  }
0x3: {  	_ = 	snop  }
0x4: {  	_ = 	snop  }
0x5: {  	_ = 	snop  }
0x6: {  	_ = 	snop  }
0x7: {  	_ = 	snop  }
__scs_overlays_trampoline_lowered:
0x8: {  	[smem:$0x3F95] =	sst s0  }
0x9: {  	[smem:$0x3F96] =	sst s1  }
0xa: {  	[smem:$0x3F97] =	sst s2  }
0xb: {  	[smem:$0x3F98] =	sst s3  }
0xc: {  	[smem:$0x3F99] =	sst s4  }
0xd: {  	[smem:$0x3F9A] =	sst s5  }
0xe: {  	[smem:$0x3F9B] =	sst s6  }
0xf: {  	[smem:$0x3F9C] =	sst s7  }
0x10: {  	[smem:$0x3F9D] =	sst s8  }
0x11: {  	[smem:$0x3F9E] =	sst s9;
	s0 =	simm.s32 @!p0 $0x0  }
0x12: {  	s1 =	sld [smem:$0x3F84];
	s0 =	simm.s32 @p0 $0x1  }
0x13: {  	[smem:$0x3F9F] =	sst s0;
	s0 =	simm.s32 @!p1 $0x0  }
0x14: {  	s2 =	sld [smem:$0x3F83];
	s0 =	simm.s32 @p1 $0x1  }
0x15: {  	[smem:$0x3FA0] =	sst s0;
	s0 =	simm.s32 @!p2 $0x0  }
0x16: {  	s3 =	sld [smem:$0x3FDB];
	s0 =	simm.s32 @p2 $0x1  }
0x17: {  	s4 =	simm.s32 $0x1BF5;
	[smem:$0x3FA2] =	sst s0  }
0x18: {  	s0 =	sld [smem:$0x3F85];
	_ =	swait.ge [sflag:s4], $0x0  }
0x19: {  	s7 =	sld [smem:$0x3F86]  }
0x1a: {  	s8 =	sadd.s32 $0xFFFFE003, lr  }
0x1b: {  	s9 =	sadd.s32 $0xFFFFFEF7, lr;
	s5 =	simm.s32 $0xFFFFFFFF;
	p2 =	slt.u32 s8, $0xFFFFF086  }
0x1c: {  	p1 =	slt.u32 s9, $0xF7A;
	s5 =	simm.s32 @!p2 $0x0  }
0x1d: {  	s5 =	simm.s32 @p1 $0x1;
	p0 =	seq.s32 s7, s2  }
0x1e: {  	s7 =	smul.u32 @!p0 $0xF7A, s2;
	p2 =	seq.s32 @!p0 s5, $0x0  }
0x1f: {  	s9 =	smul.u32 $0xF7A, s1;
	s8 =	simm.s32 @!p0 $0x1BF5;
	p2 =	por !p2, p0  }
0x20: {  	[sflag:s8] =	ssyncset.s32 @!p0 $0xFFFFF086;
	s6 =	sadd.s32 @!p0 s3, s7;
	s7 =	simm.s32 @!p0 $0x108  }
0x21: {  	s3 =	sadd.s32 s3, s9;
	s6 =	sadd.s32 @!p0 $0x88, s6;
	s7 =	simm.s32 @p2 $0x1082  }
0x22: {  	[simem:s7], [sflag:s8] =	dma.local @!p0 [hbm:s6], $0xF7A  }
0x23: {  	s9 =	sor.u32 $0xD0000000, s2;
	s6 =	simm.s32 $0x108;
	_ =	swait.ge @!p0 [sflag:s8], $0x0  }
0x24: {  	s3 =	sadd.s32 $0x88, s3;
	s6 =	simm.s32 @!p1 $0x1082;
	[sflag:s4] =	ssyncset.s32 $0xFFFFF086  }
0x25: {  	[simem:s6], [sflag:s4] =	dma.local [hbm:s3], $0xF7A  }
0x26: {  	[smem:$0x3F86] =	sst s1;
	(tag) =	ssettag s2;
	_ =	strace s9  }
0x27: {  	s1 =	sld [smem:$0x3F96]  }
0x28: {  	s2 =	sld [smem:$0x3F97]  }
0x29: {  	s4 =	sld [smem:$0x3F99]  }
0x2a: {  	p0 =	seq.s32 s5, $0x0;
	s5 =	sld [smem:$0x3F9A]  }
0x2b: {  	s6 =	sld [smem:$0x3F9B]  }
0x2c: {  	s7 =	sld [smem:$0x3F9C]  }
0x2d: {  	s3 =	simm.s32 $0x108;
	s8 =	sld [smem:$0x3F9D]  }
0x2e: {  	s3 =	simm.s32 @!p0 $0x1082;
	s9 =	sld [smem:$0x3F9E]  }
0x2f: {  	lr =	sadd.s32 s0, s3;
	s0 =	sld [smem:$0x3F95]  }
0x30: {  	s3 =	sld [smem:$0x3F98]  }
0x31: {  	[smem:$0x3FA1] =	sst s10  }
0x32: {  	s10 =	sld [smem:$0x3F9F];
	_ =	sdelay $0x3  }
0x33: {  	p0 =	seq.s32 s10, $0x1;
	s10 =	sld [smem:$0x3FA1];
	_ =	sdelay $0x3  }
0x34: {  	[smem:$0x3FA1] =	sst s10  }
0x35: {  	s10 =	sld [smem:$0x3FA0];
	_ =	sdelay $0x3  }
0x36: {  	p1 =	seq.s32 s10, $0x1;
	s10 =	sld [smem:$0x3FA1];
	_ =	sdelay $0x3  }
0x37: {  	[smem:$0x3FA1] =	sst s10  }
0x38: {  	s10 =	sld [smem:$0x3FA2]  }
0x39: {  	_ = 	snop;
	(pc) =	sbr.ind lr, $3  }
0x3a: {  	_ = 	snop  }
0x3b: {  	_ = 	snop  }
0x3c: {  	p2 =	seq.s32 s10, $0x1;
	s10 =	sld [smem:$0x3FA1]  }
0x3d: {  	_ =	shalt  }
0x3e: {  	_ =	shalt  }
0x3f: {  	_ =	shalt  }
0x40: {  	_ =	shalt  }
0x41: {  	_ =	shalt  }
0x42: {  	_ =	shalt  }
0x43: {  	_ =	shalt  }
0x44: {  	_ =	shalt  }
0x45: {  	_ =	shalt  }
0x46: {  	_ =	shalt  }
0x47: {  	_ =	shalt  }
0x48: {  	_ =	shalt  }
0x49: {  	_ =	shalt  }
0x4a: {  	_ =	shalt  }
0x4b: {  	_ =	shalt  }
0x4c: {  	_ =	shalt  }
0x4d: {  	_ =	shalt  }
0x4e: {  	_ =	shalt  }
0x4f: {  	_ =	shalt  }
0x50: {  	_ =	shalt  }
0x51: {  	_ =	shalt  }
0x52: {  	_ =	shalt  }
0x53: {  	_ =	shalt  }
0x54: {  	_ =	shalt  }
0x55: {  	_ =	shalt  }
0x56: {  	_ =	shalt  }
0x57: {  	_ =	shalt  }
0x58: {  	_ =	shalt  }
0x59: {  	_ =	shalt  }
0x5a: {  	_ =	shalt  }
0x5b: {  	_ =	shalt  }
0x5c: {  	_ =	shalt  }
0x5d: {  	_ =	shalt  }
0x5e: {  	_ =	shalt  }
0x5f: {  	_ =	shalt  }
0x60: {  	_ =	shalt  }
0x61: {  	_ =	shalt  }
0x62: {  	_ =	shalt  }
0x63: {  	_ =	shalt  }
0x64: {  	_ =	shalt  }
0x65: {  	_ =	shalt  }
0x66: {  	_ =	shalt  }
0x67: {  	_ =	shalt  }
0x68: {  	_ =	shalt  }
0x69: {  	_ =	shalt  }
0x6a: {  	_ =	shalt  }
0x6b: {  	_ =	shalt  }
0x6c: {  	_ =	shalt  }
0x6d: {  	_ =	shalt  }
0x6e: {  	_ =	shalt  }
0x6f: {  	_ =	shalt  }
0x70: {  	_ =	shalt  }
0x71: {  	_ =	shalt  }
0x72: {  	_ =	shalt  }
0x73: {  	_ =	shalt  }
0x74: {  	_ =	shalt  }
0x75: {  	_ =	shalt  }
0x76: {  	_ =	shalt  }
0x77: {  	_ =	shalt  }
0x78: {  	_ =	shalt  }
0x79: {  	_ =	shalt  }
0x7a: {  	_ =	shalt  }
0x7b: {  	_ =	shalt  }
0x7c: {  	_ =	shalt  }
0x7d: {  	_ =	shalt  }
0x7e: {  	_ =	shalt  }
0x7f: {  	_ =	shalt  }
0x80: {  	_ =	shalt  }
0x81: {  	_ =	shalt  }
0x82: {  	_ =	shalt  }
0x83: {  	_ =	shalt  }
0x84: {  	_ =	shalt  }
0x85: {  	_ =	shalt  }
0x86: {  	_ =	shalt  }
0x87: {  	_ =	shalt  }
.Lfunc_end0:
.L_simem_size_0:
called_computation.3_lowered:
.L_overlay_start_0:
0x88: {  	s2 =	sld [smem:$0x3FD9]  }
0x89: {  	s3 =	sld [smem:$0x3FFE];
	_ =	sdelay $0x1  }
0x8a: {  	s1 =	srdreg.scid  }
0x8b: {  	s0 =	sand.u32 $0x1, s1  }
0x8c: {  	s16 =	sshll.u32 s0, $0xA;
	s2 =	sadd.s32 s3, s2  }
0x8d: {  	s2 =	sadd.s32 s2, s16  }
0x8e: {  	[smem:$0x3FAD] =	sst s2  }
0x8f: {  	_ = 	snop  }
0x90: {  	(tm) =	ssettm $0x1  }
0x91: {  	s17 =	sld [smem:$0x3FFB];
	_ =	sdelay $0x3  }
0x92: {  	_ =	strace s17  }
0x93: {  	s2 =	sld [smem:$0x3FFC];
	_ =	sdelay $0x3  }
0x94: {  	_ =	strace s2  }
0x95: {  	s2 =	sld [smem:$0x3FFD];
	_ =	sdelay $0x3  }
0x96: {  	_ =	strace s2  }
0x97: {  	_ =	strace $0x8FFFFFFF  }
0x98: {  	s18 =	sld [smem:$0x3FDB];
	_ =	sdelay $0x1  }
0x99: {  	s19 =	simm.s32 $_scs_section_size  }
0x9a: {  	s4 =	simm.s32 $_size__tile_overlayer_lowered;
	s5 =	simm.s32 $_tile_overlayer_lowered  }
0x9b: {  	s22 =	simm.s32 $0x1BFF;
	s21 =	sshll.u32 s5, $0x1;
	s2 =	sadd.s32 s19, s18  }
0x9c: {  	s6 =	simm.s32 $0x0;
	s20 =	sshll.u32 s4, $0x1;
	s4 =	sadd.s32 s21, s2  }
0x9d: {  	[timem:s6], [sflag:s22] =	dma.local [hbm:s4], s20  }
0x9e: {  	_ =	swait.ge [sflag:s22], s20  }
0x9f: {  	s3 =	ssub.s32 $0x0, s20;
	[sflag:s22] =	ssyncset.done $0x0  }
0xa0: {  	[sflag:s22] =	ssyncadd.s32 s3;
	_ =	sdelay $0x1  }
0xa1: {  	s23 =	simm.s32 $0x1B8B  }
0xa2: {  	_ =	swait.ge [sflag:s23], $0x1  }
0xa3: {  	[sflag:s23] =	ssyncset.done $0x0  }
0xa4: {  	s25 =	simm.s32 $0x1B8E;
	s24 =	sld [smem:$0x3FFE];
	[sflag:s23] =	ssyncadd.s32 $0xFFFFFFFF  }
0xa5: {  	s26 =	simm.s32 $execute0_lowered;
	[smem:$0x3FD2] =	sst s25  }
0xa6: {  	s4 =	sshll.u32 s26, $0x1;
	_ =	strace $0x8000004F;
	[dreg:$0x1] =	wrdreg $0xFFFFFFFF  }
0xa7: {  	s28 =	simm.s32 $_size_execute0_lowered;
	s2 =	sadd.s32 s2, s4;
	[dreg:$0x0] =	wrdreg $0x0  }
0xa8: {  	s4 =	sshll.u32 s28, $0x1;
	[dreg:$0x2] =	wrdreg s2  }
0xa9: {  	[dreg:$0x3] =	wrdreg s4  }
0xaa: {  	[dreg:$0x4] =	wrdreg $0xC0  }
0xab: {  	_ =	task [dreg:s6], $0x5FFFF  }
0xac: {  	[dreg:$0x1] =	wrdreg $0xFFFFFFFF  }
0xad: {  	[dreg:$0x0] =	wrdreg $0x60  }
0xae: {  	[dreg:$0x2] =	wrdreg s24  }
0xaf: {  	[dreg:$0x3] =	wrdreg $0x1C800  }
0xb0: {  	[dreg:$0x4] =	wrdreg $0x9  }
0xb1: {  	_ =	task.clear_ibuf [dreg:s6], $0x5FFFF;
	_ =	strace $0x9000004F  }
0xb2: {  	s29 =	simm.s32 $0x9;
	_ =	strace $0x80000051  }
0xb3: {  	_ =	swait.ge [sflag:s29], $0x1  }
0xb4: {  	[sflag:s29] =	ssyncadd.s32 $0xFFFFFFFF  }
0xb5: {  	_ =	strace $0x90000051  }
0xb6: {  	_ =	sfence  }
0xb7: {  	s30 =	sld [smem:$0x0];
	_ =	sdelay $0x2  }
0xb8: {  	s31 =	sshll.u32 s1, $0xD;
	s1 =	sshrl.u32 s1, $0x2  }
0xb9: {  	s3 =	sand.u32 $0x4000, s31;
	s1 =	sadd.s32 s1, s30  }
0xba: {  	s0 =	sor.u32 s3, s0;
	s1 =	sshll.u32 s1, $0x11  }
0xbb: {  	s0 =	sor.u32 s1, s0  }
0xbc: {  	s0 =	sadd.s32 $0x8F2B, s0  }
0xbd: {  	[sflag:s0] =	ssyncadd.remote.s32 $0x1  }
0xbe: {  	_ =	sfence.sel $0xFFFF  }
0xbf: {  	[dreg:$0x0] =	wrdreg $0xFFFFFFFF;
	(pc) =	sbr.abs _section_cstart, $3  }
0xc0: {  	[dreg:$0x1] =	wrdreg $0xFFFFFFFF  }
0xc1: {  	_ =	task.clear_ibuf [dreg:s6], $0x2FFFF;
	_ =	strace $0x9FFFFFFF  }
0xc2: {  	(tm) =	ssettm $0x7FFFFFFF  }
0xc3: {  	_ =	shalt  }
tec
execute0_lowered:
.L_overlay_start_1:
0x0: {  	(tag) =	ssettag $0x1  }
0x1: {  	s5 =	rddreg [dreg:$0x0];
	s0 =	srdreg.scid  }
0x2: {  	s2 =	rddreg [dreg:$0x1];
	s1 =	stileid.u32;
	s3 =	simm.s32 $0x0  }
0x3: {  	s6 =	sand.u32 $0x1, s0;
	s0 =	rddreg [dreg:$0x2];
	s10 =	smul.u32 $0x18800, s1  }
0x4: {  	[smem:$0x7FF] =	sst s3;
	s12 =	smul.u32 $0x3200, s1  }
0x5: {  	s30 =	sshll.u32 s1, $0x6;
	s4 =	sshll.u32 s6, $0x4;
	s7 =	smul.u32 $0x32000, s6  }
0x6: {  	_ =	strace $0x80000050;
	s8 =	smul.u32 $0x31000, s6;
	s6 =	ssub.s32 $0x2, s6  }
0x7: {  	s4 =	sor.u32 s1, s4;
	s29 =	sshrl.u32 s6, $0x1;
	s13 =	sadd.s32 s10, s2  }
0x8: {  	s15 =	sshrl.u32 s10, $0x3;
	s10 =	simm.s32 $0x2;
	s4 =	smul.u32 $0xC80, s4  }
0x9: {  	s7 =	sadd.s32 s7, s5;
	s8 =	sadd.s32 s8, s5;
	s11 =	ssub.s32 s6, s29  }
0xa: {  	s14 =	sadd.s32 $0xA5600, s8;
	s31 =	sadd.s32 s12, s7;
	s7 =	smax.u32 s11, $0x1  }
0xb: {  	s11 =	simm.s32 $0xC80;
	s12 =	simm.s32 $0x1;
	s4 =	sshrl.u32 s4, $0x3  }
0xc: {  	s8 =	sadd.s32 $0x3E400, s31;
	s14 =	sadd.s32 s15, s14;
	s15 =	simm.s32 $0x0  }
0xd: {  	s9 =	sadd.s32 s4, s5;
	s4 =	sadd.s32 $0xA400, s5;
	s5 =	sor.u32 $0x1C02, s30  }
0xe: {  	s6 =	sadd.s32 $0x3B200, s9;
	s9 =	sshrl.u32 s13, $0x3;
	s13 =	simm.s32 $0x80  }
.LBB2_1:
0xf: {  	[spmem:s9], [sflag:s5] =	dma.local [hbm:s4], $0x3100  }
0x10: {  	_ =	swait.ge [sflag:s10], $0x3100  }
0x11: {  	[sflag:s10] =	ssyncset.done $0x0  }
0x12: {  	[sflag:s10] =	ssyncadd.s32 $0xFFFFCF00  }
0x13: {  	[tilespmem:s3], [sflag:$0x2] =	stream.linear.gather [hbm4b:s6+s3], $0xC80, $0x38;
	[tilespmem:$0x1A480] =	vst v63  }
0x14: {  	_ =	swait.ge [sflag:s10], $0xC80  }
0x15: {  	[sflag:s10] =	ssyncset.done $0x0  }
0x16: {  	[sflag:s10] =	ssyncadd.s32 $0xFFFFF380  }
0x17: {  	s16 =	sadd.s32 $0x0, s8;
	[bflag:$0x0] =	sbarrier.arrive $0xFFFF  }
0x18: {  	[tilespmem:s11], [sflag:$0x1] =	stream.linear.gather [hbm4b:s16+s3], $0x1000, $0x38;
	[tilespmem:$0x1A480] =	vst v63  }
0x19: {  	_ =	swait.ge [sflag:s12], $0x1000  }
0x1a: {  	[sflag:s12] =	ssyncset.done $0x0  }
0x1b: {  	s31 =	simm.s32 $0x0;
	[sflag:s12] =	ssyncadd.s32 $0xFFFFF000  }
0x1c: {  	[spmem:s2] =	stream.indirect.scatter.add.f32 [tilespmem:s11], [sflag:$0x2], $0x20, s31, s13, $0xb8;
	[tilespmem:$0x1A480] =	vst v63  }
0x1d: {  	_ =	swait.ge [sflag:s10], $0x1000  }
0x1e: {  	s17 =	simm.s32 $0x400;
	s16 =	simm.s32 $0x200;
	[sflag:s10] =	ssyncset.done $0x0  }
.LBB2_2:
0x1f: {  	s18 =	sadd.s32 s16, s8  }
0x20: {  	[sflag:s10] =	ssyncadd.s32 $0xFFFFF000;
	s19 =	smov.u32 s17;
	s20 =	sadd.s32 $0x200, s17  }
0x21: {  	[tilespmem:s11], [sflag:$0x1] =	stream.linear.gather [hbm4b:s18+s3], $0x1000, $0x38;
	[tilespmem:$0x1A480] =	vst v63  }
0x22: {  	p0 =	sne.s32 s17, $0x3000;
	_ =	swait.ge [sflag:s12], $0x1000  }
.Ltmp0:
0x23: {  	[sflag:s12] =	ssyncset.done $0x0;
	(pc) =	sbr.rel @p0 .LBB2_2-.Ltmp0, $4  }
0x24: {  	s17 =	sshra.s32 s16, $0x2;
	s16 =	smov.u32 s19;
	[sflag:s12] =	ssyncadd.s32 $0xFFFFF000  }
0x25: {  	[spmem:s2] =	stream.indirect.scatter.add.f32 [tilespmem:s11], [sflag:$0x2], $0x20, s17, s13, $0xb8;
	[tilespmem:$0x1A480] =	vst v63  }
0x26: {  	_ =	swait.ge [sflag:s10], $0x1000  }
0x27: {  	s17 =	smov.u32 s20;
	[sflag:s10] =	ssyncset.done $0x0  }
0x28: {  	s17 =	sadd.s32 s16, s8;
	[sflag:s10] =	ssyncadd.s32 $0xFFFFF000  }
0x29: {  	[tilespmem:s11], [sflag:$0x1] =	stream.linear.gather [hbm4b:s17+s3], $0x1000, $0x38;
	[tilespmem:$0x1A480] =	vst v63  }
0x2a: {  	_ =	swait.ge [sflag:s12], $0x1000  }
0x2b: {  	[sflag:s12] =	ssyncset.done $0x0  }
0x2c: {  	s31 =	sshra.s32 s16, $0x2;
	[sflag:s12] =	ssyncadd.s32 $0xFFFFF000  }
0x2d: {  	[spmem:s2] =	stream.indirect.scatter.add.f32 [tilespmem:s11], [sflag:$0x2], $0x20, s31, s13, $0xb8;
	[tilespmem:$0x1A480] =	vst v63  }
0x2e: {  	_ =	swait.ge [sflag:s10], $0x1000  }
0x2f: {  	s15 =	sadd.s32 $0x1, s15;
	[sflag:s10] =	ssyncset.done $0x0  }
0x30: {  	p0 =	sne.s32 s15, s7;
	[sflag:s10] =	ssyncadd.s32 $0xFFFFF000  }
.Ltmp1:
0x31: {  	[bflag:$0x0] =	sbarrier.arrive $0xFFFF;
	(pc) =	sbr.rel @p0 .LBB2_1-.Ltmp1, $4  }
0x32: {  	[hbm:s14], [sflag:s5] =	dma.local [spmem:s9], $0x3100  }
0x33: {  	_ =	swait.ge [sflag:s10], $0x3100  }
0x34: {  	[sflag:s10] =	ssyncset.done $0x0  }
0x35: {  	[sflag:s10] =	ssyncadd.s32 $0xFFFFCF00  }
0x36: {  	_ =	sfence.sel $0x180000  }
0x37: {  	[bflag:$0x0] =	sbarrier.arrive $0xFFFF  }
0x38: {  	p0 =	sne.s32 s1, $0x0;
	_ =	strace $0x90000050  }
0x39: {  	s0 =	sadd.s32 @!p0 $0x100000, s0;
	[bflag:$0x2] =	sbarrier.arrive $0xFFFF  }
0x3a: {  	[sflag:s0] =	ssyncadd.tile.s32 @!p0 $0x1;
	_ =	shalt  }
.Lfunc_end2:
_tile_overlayer_lowered:
.L_overlay_start_2:
0x3b: {  	(tag) =	ssettag $0x2  }
0x3c: {  	s0 =	rddreg [dreg:$0x0];
	s2 =	stileid.u32  }
0x3d: {  	s1 =	rddreg [dreg:$0x1];
	p0 =	sne.s32 s2, $0x0  }
0x3e: {  	s3 =	rddreg [dreg:$0x2];
	[bflag:$0x3] =	sbarrier.arrive $0xFFFF;
	s2 =	simm.s32 @!p0 $0x1C02  }
0x3f: {  	[timem:s3], [sflag:s2] =	dma.local @!p0 [hbm:s0], s1  }
0x40: {  	s0 =	simm.s32 @!p0 $0x2  }
0x41: {  	_ =	swait.ge @!p0 [sflag:s0], s1  }
0x42: {  	s1 =	ssub.s32 @!p0 $0x0, s1;
	[sflag:s0] =	ssyncset.done @!p0 $0x0  }
0x43: {  	[sflag:s0] =	ssyncadd.s32 @!p0 s1  }
0x44: {  	[bflag:$0x3] =	sbarrier.arrive $0xFFFF  }
0x45: {  	_ =	shalt  }

// kernel: kernel.29.cloned.1.call-start
scs
__scs_entry_jumppad:
0x0: {  	(pc) =	sbr.rel $0x88, $3  }
0x1: {  	(tag) =	ssettag $0x0;
	lr =	simm.s32 $0x1  }
0x2: {  	[smem:$0x3F86] =	sst lr;
	_ =	strace $0xD0000000  }
0x3: {  	_ = 	snop  }
0x4: {  	_ = 	snop  }
0x5: {  	_ = 	snop  }
0x6: {  	_ = 	snop  }
0x7: {  	_ = 	snop  }
__scs_overlays_trampoline_lowered:
0x8: {  	[smem:$0x3F95] =	sst s0  }
0x9: {  	[smem:$0x3F96] =	sst s1  }
0xa: {  	[smem:$0x3F97] =	sst s2  }
0xb: {  	[smem:$0x3F98] =	sst s3  }
0xc: {  	[smem:$0x3F99] =	sst s4  }
0xd: {  	[smem:$0x3F9A] =	sst s5  }
0xe: {  	[smem:$0x3F9B] =	sst s6  }
0xf: {  	[smem:$0x3F9C] =	sst s7  }
0x10: {  	[smem:$0x3F9D] =	sst s8  }
0x11: {  	[smem:$0x3F9E] =	sst s9;
	s0 =	simm.s32 @!p0 $0x0  }
0x12: {  	s1 =	sld [smem:$0x3F84];
	s0 =	simm.s32 @p0 $0x1  }
0x13: {  	[smem:$0x3F9F] =	sst s0;
	s0 =	simm.s32 @!p1 $0x0  }
0x14: {  	s2 =	sld [smem:$0x3F83];
	s0 =	simm.s32 @p1 $0x1  }
0x15: {  	[smem:$0x3FA0] =	sst s0;
	s0 =	simm.s32 @!p2 $0x0  }
0x16: {  	s3 =	sld [smem:$0x3FDB];
	s0 =	simm.s32 @p2 $0x1  }
0x17: {  	s4 =	simm.s32 $0x1BF5;
	[smem:$0x3FA2] =	sst s0  }
0x18: {  	s0 =	sld [smem:$0x3F85];
	_ =	swait.ge [sflag:s4], $0x0  }
0x19: {  	s7 =	sld [smem:$0x3F86]  }
0x1a: {  	s8 =	sadd.s32 $0xFFFFE003, lr  }
0x1b: {  	s9 =	sadd.s32 $0xFFFFFEF7, lr;
	s5 =	simm.s32 $0xFFFFFFFF;
	p2 =	slt.u32 s8, $0xFFFFF086  }
0x1c: {  	p1 =	slt.u32 s9, $0xF7A;
	s5 =	simm.s32 @!p2 $0x0  }
0x1d: {  	s5 =	simm.s32 @p1 $0x1;
	p0 =	seq.s32 s7, s2  }
0x1e: {  	s7 =	smul.u32 @!p0 $0xF7A, s2;
	p2 =	seq.s32 @!p0 s5, $0x0  }
0x1f: {  	s9 =	smul.u32 $0xF7A, s1;
	s8 =	simm.s32 @!p0 $0x1BF5;
	p2 =	por !p2, p0  }
0x20: {  	[sflag:s8] =	ssyncset.s32 @!p0 $0xFFFFF086;
	s6 =	sadd.s32 @!p0 s3, s7;
	s7 =	simm.s32 @!p0 $0x108  }
0x21: {  	s3 =	sadd.s32 s3, s9;
	s6 =	sadd.s32 @!p0 $0x88, s6;
	s7 =	simm.s32 @p2 $0x1082  }
0x22: {  	[simem:s7], [sflag:s8] =	dma.local @!p0 [hbm:s6], $0xF7A  }
0x23: {  	s9 =	sor.u32 $0xD0000000, s2;
	s6 =	simm.s32 $0x108;
	_ =	swait.ge @!p0 [sflag:s8], $0x0  }
0x24: {  	s3 =	sadd.s32 $0x88, s3;
	s6 =	simm.s32 @!p1 $0x1082;
	[sflag:s4] =	ssyncset.s32 $0xFFFFF086  }
0x25: {  	[simem:s6], [sflag:s4] =	dma.local [hbm:s3], $0xF7A  }
0x26: {  	[smem:$0x3F86] =	sst s1;
	(tag) =	ssettag s2;
	_ =	strace s9  }
0x27: {  	s1 =	sld [smem:$0x3F96]  }
0x28: {  	s2 =	sld [smem:$0x3F97]  }
0x29: {  	s4 =	sld [smem:$0x3F99]  }
0x2a: {  	p0 =	seq.s32 s5, $0x0;
	s5 =	sld [smem:$0x3F9A]  }
0x2b: {  	s6 =	sld [smem:$0x3F9B]  }
0x2c: {  	s7 =	sld [smem:$0x3F9C]  }
0x2d: {  	s3 =	simm.s32 $0x108;
	s8 =	sld [smem:$0x3F9D]  }
0x2e: {  	s3 =	simm.s32 @!p0 $0x1082;
	s9 =	sld [smem:$0x3F9E]  }
0x2f: {  	lr =	sadd.s32 s0, s3;
	s0 =	sld [smem:$0x3F95]  }
0x30: {  	s3 =	sld [smem:$0x3F98]  }
0x31: {  	[smem:$0x3FA1] =	sst s10  }
0x32: {  	s10 =	sld [smem:$0x3F9F];
	_ =	sdelay $0x3  }
0x33: {  	p0 =	seq.s32 s10, $0x1;
	s10 =	sld [smem:$0x3FA1];
	_ =	sdelay $0x3  }
0x34: {  	[smem:$0x3FA1] =	sst s10  }
0x35: {  	s10 =	sld [smem:$0x3FA0];
	_ =	sdelay $0x3  }
0x36: {  	p1 =	seq.s32 s10, $0x1;
	s10 =	sld [smem:$0x3FA1];
	_ =	sdelay $0x3  }
0x37: {  	[smem:$0x3FA1] =	sst s10  }
0x38: {  	s10 =	sld [smem:$0x3FA2]  }
0x39: {  	_ = 	snop;
	(pc) =	sbr.ind lr, $3  }
0x3a: {  	_ = 	snop  }
0x3b: {  	_ = 	snop  }
0x3c: {  	p2 =	seq.s32 s10, $0x1;
	s10 =	sld [smem:$0x3FA1]  }
0x3d: {  	_ =	shalt  }
0x3e: {  	_ =	shalt  }
0x3f: {  	_ =	shalt  }
0x40: {  	_ =	shalt  }
0x41: {  	_ =	shalt  }
0x42: {  	_ =	shalt  }
0x43: {  	_ =	shalt  }
0x44: {  	_ =	shalt  }
0x45: {  	_ =	shalt  }
0x46: {  	_ =	shalt  }
0x47: {  	_ =	shalt  }
0x48: {  	_ =	shalt  }
0x49: {  	_ =	shalt  }
0x4a: {  	_ =	shalt  }
0x4b: {  	_ =	shalt  }
0x4c: {  	_ =	shalt  }
0x4d: {  	_ =	shalt  }
0x4e: {  	_ =	shalt  }
0x4f: {  	_ =	shalt  }
0x50: {  	_ =	shalt  }
0x51: {  	_ =	shalt  }
0x52: {  	_ =	shalt  }
0x53: {  	_ =	shalt  }
0x54: {  	_ =	shalt  }
0x55: {  	_ =	shalt  }
0x56: {  	_ =	shalt  }
0x57: {  	_ =	shalt  }
0x58: {  	_ =	shalt  }
0x59: {  	_ =	shalt  }
0x5a: {  	_ =	shalt  }
0x5b: {  	_ =	shalt  }
0x5c: {  	_ =	shalt  }
0x5d: {  	_ =	shalt  }
0x5e: {  	_ =	shalt  }
0x5f: {  	_ =	shalt  }
0x60: {  	_ =	shalt  }
0x61: {  	_ =	shalt  }
0x62: {  	_ =	shalt  }
0x63: {  	_ =	shalt  }
0x64: {  	_ =	shalt  }
0x65: {  	_ =	shalt  }
0x66: {  	_ =	shalt  }
0x67: {  	_ =	shalt  }
0x68: {  	_ =	shalt  }
0x69: {  	_ =	shalt  }
0x6a: {  	_ =	shalt  }
0x6b: {  	_ =	shalt  }
0x6c: {  	_ =	shalt  }
0x6d: {  	_ =	shalt  }
0x6e: {  	_ =	shalt  }
0x6f: {  	_ =	shalt  }
0x70: {  	_ =	shalt  }
0x71: {  	_ =	shalt  }
0x72: {  	_ =	shalt  }
0x73: {  	_ =	shalt  }
0x74: {  	_ =	shalt  }
0x75: {  	_ =	shalt  }
0x76: {  	_ =	shalt  }
0x77: {  	_ =	shalt  }
0x78: {  	_ =	shalt  }
0x79: {  	_ =	shalt  }
0x7a: {  	_ =	shalt  }
0x7b: {  	_ =	shalt  }
0x7c: {  	_ =	shalt  }
0x7d: {  	_ =	shalt  }
0x7e: {  	_ =	shalt  }
0x7f: {  	_ =	shalt  }
0x80: {  	_ =	shalt  }
0x81: {  	_ =	shalt  }
0x82: {  	_ =	shalt  }
0x83: {  	_ =	shalt  }
0x84: {  	_ =	shalt  }
0x85: {  	_ =	shalt  }
0x86: {  	_ =	shalt  }
0x87: {  	_ =	shalt  }
.Lfunc_end0:
.L_simem_size_0:
called_computation.4_lowered:
.L_overlay_start_0:
0x88: {  	s2 =	sld [smem:$0x3FD9]  }
0x89: {  	s3 =	sld [smem:$0x3FFE];
	_ =	sdelay $0x1  }
0x8a: {  	s1 =	srdreg.scid  }
0x8b: {  	s0 =	sand.u32 $0x1, s1  }
0x8c: {  	s17 =	sshll.u32 s0, $0xA;
	s2 =	sadd.s32 s3, s2  }
0x8d: {  	s2 =	sadd.s32 s2, s17  }
0x8e: {  	[smem:$0x3FAD] =	sst s2  }
0x8f: {  	_ = 	snop  }
0x90: {  	s2 =	sld [smem:$0x3FD0];
	(tm) =	ssettm $0x1  }
0x91: {  	s18 =	sld [smem:$0x3FFB];
	_ =	sdelay $0x3  }
0x92: {  	_ =	strace s18  }
0x93: {  	s3 =	sld [smem:$0x3FFC];
	_ =	sdelay $0x3  }
0x94: {  	_ =	strace s3  }
0x95: {  	s3 =	sld [smem:$0x3FFD];
	_ =	sdelay $0x3  }
0x96: {  	_ =	strace s3  }
0x97: {  	_ =	strace $0x8FFFFFFF  }
0x98: {  	s19 =	sld [smem:$0x3FDB];
	_ =	sdelay $0x1  }
0x99: {  	s4 =	simm.s32 $_scs_section_size  }
0x9a: {  	s5 =	simm.s32 $_size__tile_overlayer_lowered;
	s6 =	simm.s32 $_tile_overlayer_lowered  }
0x9b: {  	s22 =	simm.s32 $0x1BFF;
	s21 =	sshll.u32 s6, $0x1;
	s3 =	sadd.s32 s4, s19  }
0x9c: {  	s7 =	simm.s32 $0x0;
	s20 =	sshll.u32 s5, $0x1;
	s5 =	sadd.s32 s21, s3  }
0x9d: {  	[timem:s7], [sflag:s22] =	dma.local [hbm:s5], s20  }
0x9e: {  	_ =	swait.ge [sflag:s22], s20  }
0x9f: {  	s4 =	ssub.s32 $0x0, s20;
	[sflag:s22] =	ssyncset.done $0x0  }
0xa0: {  	[sflag:s22] =	ssyncadd.s32 s4;
	_ =	sdelay $0x1  }
0xa1: {  	s23 =	simm.s32 $0x1B8B  }
0xa2: {  	_ =	swait.ge [sflag:s23], $0x1  }
0xa3: {  	[sflag:s23] =	ssyncset.done $0x0  }
0xa4: {  	s25 =	simm.s32 $0x1B8E;
	s24 =	sld [smem:$0x3FFE];
	[sflag:s23] =	ssyncadd.s32 $0xFFFFFFFF  }
0xa5: {  	s26 =	simm.s32 $execute0_lowered;
	[smem:$0x3FD2] =	sst s25  }
0xa6: {  	s5 =	sshll.u32 s26, $0x1;
	_ =	strace $0x80000052;
	[dreg:$0x1] =	wrdreg $0xFFFFFFFF  }
0xa7: {  	s28 =	simm.s32 $_size_execute0_lowered;
	s3 =	sadd.s32 s3, s5;
	[dreg:$0x0] =	wrdreg $0x0  }
0xa8: {  	s5 =	sshll.u32 s28, $0x1;
	[dreg:$0x2] =	wrdreg s3  }
0xa9: {  	[dreg:$0x3] =	wrdreg s5  }
0xaa: {  	[dreg:$0x4] =	wrdreg $0xC0  }
0xab: {  	_ =	task [dreg:s7], $0x5FFFF  }
0xac: {  	[dreg:$0x1] =	wrdreg $0xFFFFFFFF  }
0xad: {  	[dreg:$0x0] =	wrdreg $0x60  }
0xae: {  	[dreg:$0x2] =	wrdreg s24  }
0xaf: {  	[dreg:$0x3] =	wrdreg s2  }
0xb0: {  	[dreg:$0x4] =	wrdreg $0x9  }
0xb1: {  	_ =	task.clear_ibuf [dreg:s7], $0x5FFFF;
	_ =	strace $0x90000052  }
0xb2: {  	s29 =	simm.s32 $0x9;
	_ =	strace $0x80000054  }
0xb3: {  	_ =	swait.ge [sflag:s29], $0x1  }
0xb4: {  	[sflag:s29] =	ssyncadd.s32 $0xFFFFFFFF  }
0xb5: {  	_ =	strace $0x90000054  }
0xb6: {  	_ =	sfence  }
0xb7: {  	s30 =	sld [smem:$0x0];
	_ =	sdelay $0x2  }
0xb8: {  	s31 =	sshll.u32 s1, $0xD;
	s1 =	sshrl.u32 s1, $0x2  }
0xb9: {  	s3 =	sand.u32 $0x4000, s31;
	s1 =	sadd.s32 s1, s30  }
0xba: {  	s0 =	sor.u32 s3, s0;
	s1 =	sshll.u32 s1, $0x11  }
0xbb: {  	s0 =	sor.u32 s1, s0  }
0xbc: {  	s0 =	sadd.s32 $0x8F2B, s0  }
0xbd: {  	[sflag:s0] =	ssyncadd.remote.s32 $0x1  }
0xbe: {  	_ =	sfence.sel $0xFFFF  }
0xbf: {  	[dreg:$0x0] =	wrdreg $0xFFFFFFFF;
	(pc) =	sbr.abs _section_cstart, $3  }
0xc0: {  	[dreg:$0x1] =	wrdreg $0xFFFFFFFF  }
0xc1: {  	_ =	task.clear_ibuf [dreg:s7], $0x2FFFF;
	_ =	strace $0x9FFFFFFF  }
0xc2: {  	(tm) =	ssettm $0x7FFFFFFF  }
0xc3: {  	_ =	shalt  }
tec
execute0_lowered:
.L_overlay_start_1:
0x0: {  	(tag) =	ssettag $0x1  }
0x1: {  	s4 =	rddreg [dreg:$0x0]  }
0x2: {  	s5 =	rddreg [dreg:$0x1]  }
0x3: {  	s1 =	srdreg.scid;
	s0 =	rddreg [dreg:$0x2];
	s2 =	simm.s32 $0x0  }
0x4: {  	s11 =	simm.s32 $0x0;
	s3 =	sand.u32 $0x1, s1;
	s1 =	stileid.u32  }
0x5: {  	[smem:$0x7FF] =	sst s2;
	s6 =	sshll.u32 s3, $0x4;
	s7 =	smul.u32 $0x32000, s3  }
0x6: {  	_ =	strace $0x80000053;
	s8 =	ssub.s32 $0x2, s3;
	s3 =	sadd.s32 $0x3E400, s4  }
0x7: {  	s10 =	smul.u32 $0x3200, s1;
	s6 =	sor.u32 s1, s6;
	s9 =	sshrl.u32 s8, $0x1  }
0x8: {  	s6 =	smul.u32 $0xC80, s6;
	s7 =	sadd.s32 s7, s4;
	s8 =	ssub.s32 s8, s9  }
0x9: {  	s9 =	simm.s32 $0xC80;
	s31 =	sadd.s32 s10, s7;
	s7 =	simm.s32 $0x2  }
0xa: {  	s10 =	simm.s32 $0x1;
	s30 =	sshrl.u32 s6, $0x3;
	s6 =	sadd.s32 $0x3DAE00, s31  }
0xb: {  	s4 =	sadd.s32 s5, s30;
	s5 =	smax.u32 s8, $0x1;
	s8 =	simm.s32 $0x80  }
.LBB2_1:
0xc: {  	[tilespmem:s2], [sflag:$0x2] =	stream.linear.gather [hbm4b:s4+s2], $0xC80, $0x38;
	[tilespmem:$0x1C80] =	vst v63  }
0xd: {  	_ =	swait.ge [sflag:s7], $0xC80  }
0xe: {  	[sflag:s7] =	ssyncset.done $0x0  }
0xf: {  	s12 =	simm.s32 $0x0;
	[sflag:s7] =	ssyncadd.s32 $0xFFFFF380  }
0x10: {  	[tilespmem:s9], [sflag:$0x1] =	stream.indirect.gather [hbm4b:s3+s8], $0x20, s12, s8, $0xb8;
	[tilespmem:$0x1C80] =	vst v63  }
0x11: {  	_ =	swait.ge [sflag:s10], $0x1000  }
0x12: {  	[sflag:s10] =	ssyncset.done $0x0  }
0x13: {  	s31 =	sadd.s32 $0x0, s6;
	[sflag:s10] =	ssyncadd.s32 $0xFFFFF000  }
0x14: {  	[hbm4b:s31+s2] =	stream.linear.scatter [tilespmem:s9], [sflag:$0x2], $0x1000, $0x38;
	[tilespmem:$0x1C80] =	vst v63  }
0x15: {  	_ =	swait.ge [sflag:s7], $0x1000  }
0x16: {  	s13 =	simm.s32 $0x400;
	s12 =	simm.s32 $0x200;
	[sflag:s7] =	ssyncset.done $0x0  }
.LBB2_2:
0x17: {  	s14 =	sshra.s32 s12, $0x2  }
0x18: {  	[sflag:s7] =	ssyncadd.s32 $0xFFFFF000;
	s15 =	smov.u32 s13;
	s16 =	sadd.s32 $0x200, s13  }
0x19: {  	[tilespmem:s9], [sflag:$0x1] =	stream.indirect.gather [hbm4b:s3+s8], $0x20, s14, s8, $0xb8;
	[tilespmem:$0x1C80] =	vst v63  }
0x1a: {  	p0 =	sne.s32 s13, $0x3000;
	_ =	swait.ge [sflag:s10], $0x1000  }
.Ltmp0:
0x1b: {  	[sflag:s10] =	ssyncset.done $0x0;
	(pc) =	sbr.rel @p0 .LBB2_2-.Ltmp0, $4  }
0x1c: {  	s13 =	sadd.s32 s12, s6;
	s12 =	smov.u32 s15;
	[sflag:s10] =	ssyncadd.s32 $0xFFFFF000  }
0x1d: {  	[hbm4b:s13+s2] =	stream.linear.scatter [tilespmem:s9], [sflag:$0x2], $0x1000, $0x38;
	[tilespmem:$0x1C80] =	vst v63  }
0x1e: {  	_ =	swait.ge [sflag:s7], $0x1000  }
0x1f: {  	s13 =	smov.u32 s16;
	[sflag:s7] =	ssyncset.done $0x0  }
0x20: {  	s13 =	sshra.s32 s12, $0x2;
	[sflag:s7] =	ssyncadd.s32 $0xFFFFF000  }
0x21: {  	[tilespmem:s9], [sflag:$0x1] =	stream.indirect.gather [hbm4b:s3+s8], $0x20, s13, s8, $0xb8;
	[tilespmem:$0x1C80] =	vst v63  }
0x22: {  	s11 =	sadd.s32 $0x1, s11;
	_ =	swait.ge [sflag:s10], $0x1000  }
0x23: {  	p0 =	sne.s32 s11, s5;
	[sflag:s10] =	ssyncset.done $0x0  }
.Ltmp1:
0x24: {  	s31 =	sadd.s32 s12, s6;
	[sflag:s10] =	ssyncadd.s32 $0xFFFFF000;
	(pc) =	sbr.rel @p0 .LBB2_1-.Ltmp1, $4  }
0x25: {  	[hbm4b:s31+s2] =	stream.linear.scatter [tilespmem:s9], [sflag:$0x2], $0x1000, $0x38;
	[tilespmem:$0x1C80] =	vst v63  }
0x26: {  	_ =	swait.ge [sflag:s7], $0x1000  }
0x27: {  	[sflag:s7] =	ssyncset.done $0x0  }
0x28: {  	[sflag:s7] =	ssyncadd.s32 $0xFFFFF000  }
0x29: {  	_ =	sfence.sel $0x180000  }
0x2a: {  	[bflag:$0x0] =	sbarrier.arrive $0xFFFF  }
0x2b: {  	p0 =	sne.s32 s1, $0x0;
	_ =	strace $0x90000053  }
0x2c: {  	s0 =	sadd.s32 @!p0 $0x100000, s0;
	[bflag:$0x2] =	sbarrier.arrive $0xFFFF  }
0x2d: {  	[sflag:s0] =	ssyncadd.tile.s32 @!p0 $0x1;
	_ =	shalt  }
.Lfunc_end2:
_tile_overlayer_lowered:
.L_overlay_start_2:
0x2e: {  	(tag) =	ssettag $0x2  }
0x2f: {  	s0 =	rddreg [dreg:$0x0];
	s2 =	stileid.u32  }
0x30: {  	s1 =	rddreg [dreg:$0x1];
	p0 =	sne.s32 s2, $0x0  }
0x31: {  	s3 =	rddreg [dreg:$0x2];
	[bflag:$0x3] =	sbarrier.arrive $0xFFFF;
	s2 =	simm.s32 @!p0 $0x1C02  }
0x32: {  	[timem:s3], [sflag:s2] =	dma.local @!p0 [hbm:s0], s1  }
0x33: {  	s0 =	simm.s32 @!p0 $0x2  }
0x34: {  	_ =	swait.ge @!p0 [sflag:s0], s1  }
0x35: {  	s1 =	ssub.s32 @!p0 $0x0, s1;
	[sflag:s0] =	ssyncset.done @!p0 $0x0  }
0x36: {  	[sflag:s0] =	ssyncadd.s32 @!p0 s1  }
0x37: {  	[bflag:$0x3] =	sbarrier.arrive $0xFFFF  }
0x38: {  	_ =	shalt  }

// kernel: kernel.32.cloned.1.call-start
scs
__scs_entry_jumppad:
0x0: {  	(pc) =	sbr.rel $0x88, $3  }
0x1: {  	(tag) =	ssettag $0x0;
	lr =	simm.s32 $0x1  }
0x2: {  	[smem:$0x3F86] =	sst lr;
	_ =	strace $0xD0000000  }
0x3: {  	_ = 	snop  }
0x4: {  	_ = 	snop  }
0x5: {  	_ = 	snop  }
0x6: {  	_ = 	snop  }
0x7: {  	_ = 	snop  }
__scs_overlays_trampoline_lowered:
0x8: {  	[smem:$0x3F95] =	sst s0  }
0x9: {  	[smem:$0x3F96] =	sst s1  }
0xa: {  	[smem:$0x3F97] =	sst s2  }
0xb: {  	[smem:$0x3F98] =	sst s3  }
0xc: {  	[smem:$0x3F99] =	sst s4  }
0xd: {  	[smem:$0x3F9A] =	sst s5  }
0xe: {  	[smem:$0x3F9B] =	sst s6  }
0xf: {  	[smem:$0x3F9C] =	sst s7  }
0x10: {  	[smem:$0x3F9D] =	sst s8  }
0x11: {  	[smem:$0x3F9E] =	sst s9;
	s0 =	simm.s32 @!p0 $0x0  }
0x12: {  	s1 =	sld [smem:$0x3F84];
	s0 =	simm.s32 @p0 $0x1  }
0x13: {  	[smem:$0x3F9F] =	sst s0;
	s0 =	simm.s32 @!p1 $0x0  }
0x14: {  	s2 =	sld [smem:$0x3F83];
	s0 =	simm.s32 @p1 $0x1  }
0x15: {  	[smem:$0x3FA0] =	sst s0;
	s0 =	simm.s32 @!p2 $0x0  }
0x16: {  	s3 =	sld [smem:$0x3FDB];
	s0 =	simm.s32 @p2 $0x1  }
0x17: {  	s4 =	simm.s32 $0x1BF5;
	[smem:$0x3FA2] =	sst s0  }
0x18: {  	s0 =	sld [smem:$0x3F85];
	_ =	swait.ge [sflag:s4], $0x0  }
0x19: {  	s7 =	sld [smem:$0x3F86]  }
0x1a: {  	s8 =	sadd.s32 $0xFFFFE003, lr  }
0x1b: {  	s9 =	sadd.s32 $0xFFFFFEF7, lr;
	s5 =	simm.s32 $0xFFFFFFFF;
	p2 =	slt.u32 s8, $0xFFFFF086  }
0x1c: {  	p1 =	slt.u32 s9, $0xF7A;
	s5 =	simm.s32 @!p2 $0x0  }
0x1d: {  	s5 =	simm.s32 @p1 $0x1;
	p0 =	seq.s32 s7, s2  }
0x1e: {  	s7 =	smul.u32 @!p0 $0xF7A, s2;
	p2 =	seq.s32 @!p0 s5, $0x0  }
0x1f: {  	s9 =	smul.u32 $0xF7A, s1;
	s8 =	simm.s32 @!p0 $0x1BF5;
	p2 =	por !p2, p0  }
0x20: {  	[sflag:s8] =	ssyncset.s32 @!p0 $0xFFFFF086;
	s6 =	sadd.s32 @!p0 s3, s7;
	s7 =	simm.s32 @!p0 $0x108  }
0x21: {  	s3 =	sadd.s32 s3, s9;
	s6 =	sadd.s32 @!p0 $0x88, s6;
	s7 =	simm.s32 @p2 $0x1082  }
0x22: {  	[simem:s7], [sflag:s8] =	dma.local @!p0 [hbm:s6], $0xF7A  }
0x23: {  	s9 =	sor.u32 $0xD0000000, s2;
	s6 =	simm.s32 $0x108;
	_ =	swait.ge @!p0 [sflag:s8], $0x0  }
0x24: {  	s3 =	sadd.s32 $0x88, s3;
	s6 =	simm.s32 @!p1 $0x1082;
	[sflag:s4] =	ssyncset.s32 $0xFFFFF086  }
0x25: {  	[simem:s6], [sflag:s4] =	dma.local [hbm:s3], $0xF7A  }
0x26: {  	[smem:$0x3F86] =	sst s1;
	(tag) =	ssettag s2;
	_ =	strace s9  }
0x27: {  	s1 =	sld [smem:$0x3F96]  }
0x28: {  	s2 =	sld [smem:$0x3F97]  }
0x29: {  	s4 =	sld [smem:$0x3F99]  }
0x2a: {  	p0 =	seq.s32 s5, $0x0;
	s5 =	sld [smem:$0x3F9A]  }
0x2b: {  	s6 =	sld [smem:$0x3F9B]  }
0x2c: {  	s7 =	sld [smem:$0x3F9C]  }
0x2d: {  	s3 =	simm.s32 $0x108;
	s8 =	sld [smem:$0x3F9D]  }
0x2e: {  	s3 =	simm.s32 @!p0 $0x1082;
	s9 =	sld [smem:$0x3F9E]  }
0x2f: {  	lr =	sadd.s32 s0, s3;
	s0 =	sld [smem:$0x3F95]  }
0x30: {  	s3 =	sld [smem:$0x3F98]  }
0x31: {  	[smem:$0x3FA1] =	sst s10  }
0x32: {  	s10 =	sld [smem:$0x3F9F];
	_ =	sdelay $0x3  }
0x33: {  	p0 =	seq.s32 s10, $0x1;
	s10 =	sld [smem:$0x3FA1];
	_ =	sdelay $0x3  }
0x34: {  	[smem:$0x3FA1] =	sst s10  }
0x35: {  	s10 =	sld [smem:$0x3FA0];
	_ =	sdelay $0x3  }
0x36: {  	p1 =	seq.s32 s10, $0x1;
	s10 =	sld [smem:$0x3FA1];
	_ =	sdelay $0x3  }
0x37: {  	[smem:$0x3FA1] =	sst s10  }
0x38: {  	s10 =	sld [smem:$0x3FA2]  }
0x39: {  	_ = 	snop;
	(pc) =	sbr.ind lr, $3  }
0x3a: {  	_ = 	snop  }
0x3b: {  	_ = 	snop  }
0x3c: {  	p2 =	seq.s32 s10, $0x1;
	s10 =	sld [smem:$0x3FA1]  }
0x3d: {  	_ =	shalt  }
0x3e: {  	_ =	shalt  }
0x3f: {  	_ =	shalt  }
0x40: {  	_ =	shalt  }
0x41: {  	_ =	shalt  }
0x42: {  	_ =	shalt  }
0x43: {  	_ =	shalt  }
0x44: {  	_ =	shalt  }
0x45: {  	_ =	shalt  }
0x46: {  	_ =	shalt  }
0x47: {  	_ =	shalt  }
0x48: {  	_ =	shalt  }
0x49: {  	_ =	shalt  }
0x4a: {  	_ =	shalt  }
0x4b: {  	_ =	shalt  }
0x4c: {  	_ =	shalt  }
0x4d: {  	_ =	shalt  }
0x4e: {  	_ =	shalt  }
0x4f: {  	_ =	shalt  }
0x50: {  	_ =	shalt  }
0x51: {  	_ =	shalt  }
0x52: {  	_ =	shalt  }
0x53: {  	_ =	shalt  }
0x54: {  	_ =	shalt  }
0x55: {  	_ =	shalt  }
0x56: {  	_ =	shalt  }
0x57: {  	_ =	shalt  }
0x58: {  	_ =	shalt  }
0x59: {  	_ =	shalt  }
0x5a: {  	_ =	shalt  }
0x5b: {  	_ =	shalt  }
0x5c: {  	_ =	shalt  }
0x5d: {  	_ =	shalt  }
0x5e: {  	_ =	shalt  }
0x5f: {  	_ =	shalt  }
0x60: {  	_ =	shalt  }
0x61: {  	_ =	shalt  }
0x62: {  	_ =	shalt  }
0x63: {  	_ =	shalt  }
0x64: {  	_ =	shalt  }
0x65: {  	_ =	shalt  }
0x66: {  	_ =	shalt  }
0x67: {  	_ =	shalt  }
0x68: {  	_ =	shalt  }
0x69: {  	_ =	shalt  }
0x6a: {  	_ =	shalt  }
0x6b: {  	_ =	shalt  }
0x6c: {  	_ =	shalt  }
0x6d: {  	_ =	shalt  }
0x6e: {  	_ =	shalt  }
0x6f: {  	_ =	shalt  }
0x70: {  	_ =	shalt  }
0x71: {  	_ =	shalt  }
0x72: {  	_ =	shalt  }
0x73: {  	_ =	shalt  }
0x74: {  	_ =	shalt  }
0x75: {  	_ =	shalt  }
0x76: {  	_ =	shalt  }
0x77: {  	_ =	shalt  }
0x78: {  	_ =	shalt  }
0x79: {  	_ =	shalt  }
0x7a: {  	_ =	shalt  }
0x7b: {  	_ =	shalt  }
0x7c: {  	_ =	shalt  }
0x7d: {  	_ =	shalt  }
0x7e: {  	_ =	shalt  }
0x7f: {  	_ =	shalt  }
0x80: {  	_ =	shalt  }
0x81: {  	_ =	shalt  }
0x82: {  	_ =	shalt  }
0x83: {  	_ =	shalt  }
0x84: {  	_ =	shalt  }
0x85: {  	_ =	shalt  }
0x86: {  	_ =	shalt  }
0x87: {  	_ =	shalt  }
.Lfunc_end0:
.L_simem_size_0:
called_computation.5_lowered:
.L_overlay_start_0:
0x88: {  	s2 =	sld [smem:$0x3FD9]  }
0x89: {  	s3 =	sld [smem:$0x3FFE];
	_ =	sdelay $0x1  }
0x8a: {  	s1 =	srdreg.scid  }
0x8b: {  	s0 =	sand.u32 $0x1, s1  }
0x8c: {  	s16 =	sshll.u32 s0, $0xA;
	s2 =	sadd.s32 s3, s2  }
0x8d: {  	s2 =	sadd.s32 s2, s16  }
0x8e: {  	[smem:$0x3FAD] =	sst s2  }
0x8f: {  	_ = 	snop  }
0x90: {  	(tm) =	ssettm $0x1  }
0x91: {  	s17 =	sld [smem:$0x3FFB];
	_ =	sdelay $0x3  }
0x92: {  	_ =	strace s17  }
0x93: {  	s2 =	sld [smem:$0x3FFC];
	_ =	sdelay $0x3  }
0x94: {  	_ =	strace s2  }
0x95: {  	s2 =	sld [smem:$0x3FFD];
	_ =	sdelay $0x3  }
0x96: {  	_ =	strace s2  }
0x97: {  	_ =	strace $0x8FFFFFFF  }
0x98: {  	s18 =	sld [smem:$0x3FDB];
	_ =	sdelay $0x1  }
0x99: {  	s19 =	simm.s32 $_scs_section_size  }
0x9a: {  	s4 =	simm.s32 $_size__tile_overlayer_lowered;
	s5 =	simm.s32 $_tile_overlayer_lowered  }
0x9b: {  	s22 =	simm.s32 $0x1BFF;
	s21 =	sshll.u32 s5, $0x1;
	s2 =	sadd.s32 s19, s18  }
0x9c: {  	s6 =	simm.s32 $0x0;
	s20 =	sshll.u32 s4, $0x1;
	s4 =	sadd.s32 s21, s2  }
0x9d: {  	[timem:s6], [sflag:s22] =	dma.local [hbm:s4], s20  }
0x9e: {  	_ =	swait.ge [sflag:s22], s20  }
0x9f: {  	s3 =	ssub.s32 $0x0, s20;
	[sflag:s22] =	ssyncset.done $0x0  }
0xa0: {  	[sflag:s22] =	ssyncadd.s32 s3;
	_ =	sdelay $0x1  }
0xa1: {  	s23 =	simm.s32 $0x1B8B  }
0xa2: {  	_ =	swait.ge [sflag:s23], $0x1  }
0xa3: {  	[sflag:s23] =	ssyncset.done $0x0  }
0xa4: {  	s25 =	simm.s32 $0x1B8E;
	s24 =	sld [smem:$0x3FFE];
	[sflag:s23] =	ssyncadd.s32 $0xFFFFFFFF  }
0xa5: {  	s26 =	simm.s32 $execute0_lowered;
	[smem:$0x3FD2] =	sst s25  }
0xa6: {  	s4 =	sshll.u32 s26, $0x1;
	_ =	strace $0x80000055;
	[dreg:$0x1] =	wrdreg $0xFFFFFFFF  }
0xa7: {  	s28 =	simm.s32 $_size_execute0_lowered;
	s2 =	sadd.s32 s2, s4;
	[dreg:$0x0] =	wrdreg $0x0  }
0xa8: {  	s4 =	sshll.u32 s28, $0x1;
	[dreg:$0x2] =	wrdreg s2  }
0xa9: {  	[dreg:$0x3] =	wrdreg s4  }
0xaa: {  	[dreg:$0x4] =	wrdreg $0xC0  }
0xab: {  	_ =	task [dreg:s6], $0x5FFFF  }
0xac: {  	[dreg:$0x1] =	wrdreg $0xFFFFFFFF  }
0xad: {  	[dreg:$0x0] =	wrdreg $0x60  }
0xae: {  	[dreg:$0x2] =	wrdreg s24  }
0xaf: {  	[dreg:$0x3] =	wrdreg $0x1C800  }
0xb0: {  	[dreg:$0x4] =	wrdreg $0x9  }
0xb1: {  	_ =	task.clear_ibuf [dreg:s6], $0x5FFFF;
	_ =	strace $0x90000055  }
0xb2: {  	s29 =	simm.s32 $0x9;
	_ =	strace $0x80000057  }
0xb3: {  	_ =	swait.ge [sflag:s29], $0x1  }
0xb4: {  	[sflag:s29] =	ssyncadd.s32 $0xFFFFFFFF  }
0xb5: {  	_ =	strace $0x90000057  }
0xb6: {  	_ =	sfence  }
0xb7: {  	s30 =	sld [smem:$0x0];
	_ =	sdelay $0x2  }
0xb8: {  	s31 =	sshll.u32 s1, $0xD;
	s1 =	sshrl.u32 s1, $0x2  }
0xb9: {  	s3 =	sand.u32 $0x4000, s31;
	s1 =	sadd.s32 s1, s30  }
0xba: {  	s0 =	sor.u32 s3, s0;
	s1 =	sshll.u32 s1, $0x11  }
0xbb: {  	s0 =	sor.u32 s1, s0  }
0xbc: {  	s0 =	sadd.s32 $0x8F2B, s0  }
0xbd: {  	[sflag:s0] =	ssyncadd.remote.s32 $0x1  }
0xbe: {  	_ =	sfence.sel $0xFFFF  }
0xbf: {  	[dreg:$0x0] =	wrdreg $0xFFFFFFFF;
	(pc) =	sbr.abs _section_cstart, $3  }
0xc0: {  	[dreg:$0x1] =	wrdreg $0xFFFFFFFF  }
0xc1: {  	_ =	task.clear_ibuf [dreg:s6], $0x2FFFF;
	_ =	strace $0x9FFFFFFF  }
0xc2: {  	(tm) =	ssettm $0x7FFFFFFF  }
0xc3: {  	_ =	shalt  }
tec
execute0_lowered:
.L_overlay_start_1:
0x0: {  	(tag) =	ssettag $0x1  }
0x1: {  	s5 =	rddreg [dreg:$0x0];
	s0 =	srdreg.scid  }
0x2: {  	s2 =	rddreg [dreg:$0x1];
	s1 =	stileid.u32;
	s3 =	simm.s32 $0x0  }
0x3: {  	s6 =	sand.u32 $0x1, s0;
	s0 =	rddreg [dreg:$0x2];
	s10 =	smul.u32 $0x18800, s1  }
0x4: {  	[smem:$0x7FF] =	sst s3;
	s12 =	smul.u32 $0x3200, s1  }
0x5: {  	s30 =	sshll.u32 s1, $0x6;
	s4 =	sshll.u32 s6, $0x4;
	s7 =	smul.u32 $0x32000, s6  }
0x6: {  	_ =	strace $0x80000056;
	s8 =	smul.u32 $0x31000, s6;
	s6 =	ssub.s32 $0x2, s6  }
0x7: {  	s4 =	sor.u32 s1, s4;
	s29 =	sshrl.u32 s6, $0x1;
	s13 =	sadd.s32 s10, s2  }
0x8: {  	s15 =	sshrl.u32 s10, $0x3;
	s10 =	simm.s32 $0x2;
	s4 =	smul.u32 $0xC80, s4  }
0x9: {  	s7 =	sadd.s32 s7, s5;
	s8 =	sadd.s32 s8, s5;
	s11 =	ssub.s32 s6, s29  }
0xa: {  	s14 =	sadd.s32 $0x561A00, s8;
	s31 =	sadd.s32 s12, s7;
	s7 =	smax.u32 s11, $0x1  }
0xb: {  	s11 =	simm.s32 $0xC80;
	s12 =	simm.s32 $0x1;
	s4 =	sshrl.u32 s4, $0x3  }
0xc: {  	s8 =	sadd.s32 $0x3E400, s31;
	s14 =	sadd.s32 s15, s14;
	s15 =	simm.s32 $0x0  }
0xd: {  	s9 =	sadd.s32 s4, s5;
	s4 =	sadd.s32 $0xA400, s5;
	s5 =	sor.u32 $0x1C02, s30  }
0xe: {  	s6 =	sadd.s32 $0x3B200, s9;
	s9 =	sshrl.u32 s13, $0x3;
	s13 =	simm.s32 $0x80  }
.LBB2_1:
0xf: {  	[spmem:s9], [sflag:s5] =	dma.local [hbm:s4], $0x3100  }
0x10: {  	_ =	swait.ge [sflag:s10], $0x3100  }
0x11: {  	[sflag:s10] =	ssyncset.done $0x0  }
0x12: {  	[sflag:s10] =	ssyncadd.s32 $0xFFFFCF00  }
0x13: {  	[tilespmem:s3], [sflag:$0x2] =	stream.linear.gather [hbm4b:s6+s3], $0xC80, $0x38;
	[tilespmem:$0x1A480] =	vst v63  }
0x14: {  	_ =	swait.ge [sflag:s10], $0xC80  }
0x15: {  	[sflag:s10] =	ssyncset.done $0x0  }
0x16: {  	[sflag:s10] =	ssyncadd.s32 $0xFFFFF380  }
0x17: {  	s16 =	sadd.s32 $0x0, s8;
	[bflag:$0x0] =	sbarrier.arrive $0xFFFF  }
0x18: {  	[tilespmem:s11], [sflag:$0x1] =	stream.linear.gather [hbm4b:s16+s3], $0x1000, $0x38;
	[tilespmem:$0x1A480] =	vst v63  }
0x19: {  	_ =	swait.ge [sflag:s12], $0x1000  }
0x1a: {  	[sflag:s12] =	ssyncset.done $0x0  }
0x1b: {  	s31 =	simm.s32 $0x0;
	[sflag:s12] =	ssyncadd.s32 $0xFFFFF000  }
0x1c: {  	[spmem:s2] =	stream.indirect.scatter.add.f32 [tilespmem:s11], [sflag:$0x2], $0x20, s31, s13, $0xb8;
	[tilespmem:$0x1A480] =	vst v63  }
0x1d: {  	_ =	swait.ge [sflag:s10], $0x1000  }
0x1e: {  	s17 =	simm.s32 $0x400;
	s16 =	simm.s32 $0x200;
	[sflag:s10] =	ssyncset.done $0x0  }
.LBB2_2:
0x1f: {  	s18 =	sadd.s32 s16, s8  }
0x20: {  	[sflag:s10] =	ssyncadd.s32 $0xFFFFF000;
	s19 =	smov.u32 s17;
	s20 =	sadd.s32 $0x200, s17  }
0x21: {  	[tilespmem:s11], [sflag:$0x1] =	stream.linear.gather [hbm4b:s18+s3], $0x1000, $0x38;
	[tilespmem:$0x1A480] =	vst v63  }
0x22: {  	p0 =	sne.s32 s17, $0x3000;
	_ =	swait.ge [sflag:s12], $0x1000  }
.Ltmp0:
0x23: {  	[sflag:s12] =	ssyncset.done $0x0;
	(pc) =	sbr.rel @p0 .LBB2_2-.Ltmp0, $4  }
0x24: {  	s17 =	sshra.s32 s16, $0x2;
	s16 =	smov.u32 s19;
	[sflag:s12] =	ssyncadd.s32 $0xFFFFF000  }
0x25: {  	[spmem:s2] =	stream.indirect.scatter.add.f32 [tilespmem:s11], [sflag:$0x2], $0x20, s17, s13, $0xb8;
	[tilespmem:$0x1A480] =	vst v63  }
0x26: {  	_ =	swait.ge [sflag:s10], $0x1000  }
0x27: {  	s17 =	smov.u32 s20;
	[sflag:s10] =	ssyncset.done $0x0  }
0x28: {  	s17 =	sadd.s32 s16, s8;
	[sflag:s10] =	ssyncadd.s32 $0xFFFFF000  }
0x29: {  	[tilespmem:s11], [sflag:$0x1] =	stream.linear.gather [hbm4b:s17+s3], $0x1000, $0x38;
	[tilespmem:$0x1A480] =	vst v63  }
0x2a: {  	_ =	swait.ge [sflag:s12], $0x1000  }
0x2b: {  	[sflag:s12] =	ssyncset.done $0x0  }
0x2c: {  	s31 =	sshra.s32 s16, $0x2;
	[sflag:s12] =	ssyncadd.s32 $0xFFFFF000  }
0x2d: {  	[spmem:s2] =	stream.indirect.scatter.add.f32 [tilespmem:s11], [sflag:$0x2], $0x20, s31, s13, $0xb8;
	[tilespmem:$0x1A480] =	vst v63  }
0x2e: {  	_ =	swait.ge [sflag:s10], $0x1000  }
0x2f: {  	s15 =	sadd.s32 $0x1, s15;
	[sflag:s10] =	ssyncset.done $0x0  }
0x30: {  	p0 =	sne.s32 s15, s7;
	[sflag:s10] =	ssyncadd.s32 $0xFFFFF000  }
.Ltmp1:
0x31: {  	[bflag:$0x0] =	sbarrier.arrive $0xFFFF;
	(pc) =	sbr.rel @p0 .LBB2_1-.Ltmp1, $4  }
0x32: {  	[hbm:s14], [sflag:s5] =	dma.local [spmem:s9], $0x3100  }
0x33: {  	_ =	swait.ge [sflag:s10], $0x3100  }
0x34: {  	[sflag:s10] =	ssyncset.done $0x0  }
0x35: {  	[sflag:s10] =	ssyncadd.s32 $0xFFFFCF00  }
0x36: {  	_ =	sfence.sel $0x180000  }
0x37: {  	[bflag:$0x0] =	sbarrier.arrive $0xFFFF  }
0x38: {  	p0 =	sne.s32 s1, $0x0;
	_ =	strace $0x90000056  }
0x39: {  	s0 =	sadd.s32 @!p0 $0x100000, s0;
	[bflag:$0x2] =	sbarrier.arrive $0xFFFF  }
0x3a: {  	[sflag:s0] =	ssyncadd.tile.s32 @!p0 $0x1;
	_ =	shalt  }
.Lfunc_end2:
_tile_overlayer_lowered:
.L_overlay_start_2:
0x3b: {  	(tag) =	ssettag $0x2  }
0x3c: {  	s0 =	rddreg [dreg:$0x0];
	s2 =	stileid.u32  }
0x3d: {  	s1 =	rddreg [dreg:$0x1];
	p0 =	sne.s32 s2, $0x0  }
0x3e: {  	s3 =	rddreg [dreg:$0x2];
	[bflag:$0x3] =	sbarrier.arrive $0xFFFF;
	s2 =	simm.s32 @!p0 $0x1C02  }
0x3f: {  	[timem:s3], [sflag:s2] =	dma.local @!p0 [hbm:s0], s1  }
0x40: {  	s0 =	simm.s32 @!p0 $0x2  }
0x41: {  	_ =	swait.ge @!p0 [sflag:s0], s1  }
0x42: {  	s1 =	ssub.s32 @!p0 $0x0, s1;
	[sflag:s0] =	ssyncset.done @!p0 $0x0  }
0x43: {  	[sflag:s0] =	ssyncadd.s32 @!p0 s1  }
0x44: {  	[bflag:$0x3] =	sbarrier.arrive $0xFFFF  }
0x45: {  	_ =	shalt  }

// kernel: kernel.35.cloned.1.call-start
scs
__scs_entry_jumppad:
0x0: {  	(pc) =	sbr.rel $0x88, $3  }
0x1: {  	(tag) =	ssettag $0x0;
	lr =	simm.s32 $0x1  }
0x2: {  	[smem:$0x3F86] =	sst lr;
	_ =	strace $0xD0000000  }
0x3: {  	_ = 	snop  }
0x4: {  	_ = 	snop  }
0x5: {  	_ = 	snop  }
0x6: {  	_ = 	snop  }
0x7: {  	_ = 	snop  }
__scs_overlays_trampoline_lowered:
0x8: {  	[smem:$0x3F95] =	sst s0  }
0x9: {  	[smem:$0x3F96] =	sst s1  }
0xa: {  	[smem:$0x3F97] =	sst s2  }
0xb: {  	[smem:$0x3F98] =	sst s3  }
0xc: {  	[smem:$0x3F99] =	sst s4  }
0xd: {  	[smem:$0x3F9A] =	sst s5  }
0xe: {  	[smem:$0x3F9B] =	sst s6  }
0xf: {  	[smem:$0x3F9C] =	sst s7  }
0x10: {  	[smem:$0x3F9D] =	sst s8  }
0x11: {  	[smem:$0x3F9E] =	sst s9;
	s0 =	simm.s32 @!p0 $0x0  }
0x12: {  	s1 =	sld [smem:$0x3F84];
	s0 =	simm.s32 @p0 $0x1  }
0x13: {  	[smem:$0x3F9F] =	sst s0;
	s0 =	simm.s32 @!p1 $0x0  }
0x14: {  	s2 =	sld [smem:$0x3F83];
	s0 =	simm.s32 @p1 $0x1  }
0x15: {  	[smem:$0x3FA0] =	sst s0;
	s0 =	simm.s32 @!p2 $0x0  }
0x16: {  	s3 =	sld [smem:$0x3FDB];
	s0 =	simm.s32 @p2 $0x1  }
0x17: {  	s4 =	simm.s32 $0x1BF5;
	[smem:$0x3FA2] =	sst s0  }
0x18: {  	s0 =	sld [smem:$0x3F85];
	_ =	swait.ge [sflag:s4], $0x0  }
0x19: {  	s7 =	sld [smem:$0x3F86]  }
0x1a: {  	s8 =	sadd.s32 $0xFFFFE003, lr  }
0x1b: {  	s9 =	sadd.s32 $0xFFFFFEF7, lr;
	s5 =	simm.s32 $0xFFFFFFFF;
	p2 =	slt.u32 s8, $0xFFFFF086  }
0x1c: {  	p1 =	slt.u32 s9, $0xF7A;
	s5 =	simm.s32 @!p2 $0x0  }
0x1d: {  	s5 =	simm.s32 @p1 $0x1;
	p0 =	seq.s32 s7, s2  }
0x1e: {  	s7 =	smul.u32 @!p0 $0xF7A, s2;
	p2 =	seq.s32 @!p0 s5, $0x0  }
0x1f: {  	s9 =	smul.u32 $0xF7A, s1;
	s8 =	simm.s32 @!p0 $0x1BF5;
	p2 =	por !p2, p0  }
0x20: {  	[sflag:s8] =	ssyncset.s32 @!p0 $0xFFFFF086;
	s6 =	sadd.s32 @!p0 s3, s7;
	s7 =	simm.s32 @!p0 $0x108  }
0x21: {  	s3 =	sadd.s32 s3, s9;
	s6 =	sadd.s32 @!p0 $0x88, s6;
	s7 =	simm.s32 @p2 $0x1082  }
0x22: {  	[simem:s7], [sflag:s8] =	dma.local @!p0 [hbm:s6], $0xF7A  }
0x23: {  	s9 =	sor.u32 $0xD0000000, s2;
	s6 =	simm.s32 $0x108;
	_ =	swait.ge @!p0 [sflag:s8], $0x0  }
0x24: {  	s3 =	sadd.s32 $0x88, s3;
	s6 =	simm.s32 @!p1 $0x1082;
	[sflag:s4] =	ssyncset.s32 $0xFFFFF086  }
0x25: {  	[simem:s6], [sflag:s4] =	dma.local [hbm:s3], $0xF7A  }
0x26: {  	[smem:$0x3F86] =	sst s1;
	(tag) =	ssettag s2;
	_ =	strace s9  }
0x27: {  	s1 =	sld [smem:$0x3F96]  }
0x28: {  	s2 =	sld [smem:$0x3F97]  }
0x29: {  	s4 =	sld [smem:$0x3F99]  }
0x2a: {  	p0 =	seq.s32 s5, $0x0;
	s5 =	sld [smem:$0x3F9A]  }
0x2b: {  	s6 =	sld [smem:$0x3F9B]  }
0x2c: {  	s7 =	sld [smem:$0x3F9C]  }
0x2d: {  	s3 =	simm.s32 $0x108;
	s8 =	sld [smem:$0x3F9D]  }
0x2e: {  	s3 =	simm.s32 @!p0 $0x1082;
	s9 =	sld [smem:$0x3F9E]  }
0x2f: {  	lr =	sadd.s32 s0, s3;
	s0 =	sld [smem:$0x3F95]  }
0x30: {  	s3 =	sld [smem:$0x3F98]  }
0x31: {  	[smem:$0x3FA1] =	sst s10  }
0x32: {  	s10 =	sld [smem:$0x3F9F];
	_ =	sdelay $0x3  }
0x33: {  	p0 =	seq.s32 s10, $0x1;
	s10 =	sld [smem:$0x3FA1];
	_ =	sdelay $0x3  }
0x34: {  	[smem:$0x3FA1] =	sst s10  }
0x35: {  	s10 =	sld [smem:$0x3FA0];
	_ =	sdelay $0x3  }
0x36: {  	p1 =	seq.s32 s10, $0x1;
	s10 =	sld [smem:$0x3FA1];
	_ =	sdelay $0x3  }
0x37: {  	[smem:$0x3FA1] =	sst s10  }
0x38: {  	s10 =	sld [smem:$0x3FA2]  }
0x39: {  	_ = 	snop;
	(pc) =	sbr.ind lr, $3  }
0x3a: {  	_ = 	snop  }
0x3b: {  	_ = 	snop  }
0x3c: {  	p2 =	seq.s32 s10, $0x1;
	s10 =	sld [smem:$0x3FA1]  }
0x3d: {  	_ =	shalt  }
0x3e: {  	_ =	shalt  }
0x3f: {  	_ =	shalt  }
0x40: {  	_ =	shalt  }
0x41: {  	_ =	shalt  }
0x42: {  	_ =	shalt  }
0x43: {  	_ =	shalt  }
0x44: {  	_ =	shalt  }
0x45: {  	_ =	shalt  }
0x46: {  	_ =	shalt  }
0x47: {  	_ =	shalt  }
0x48: {  	_ =	shalt  }
0x49: {  	_ =	shalt  }
0x4a: {  	_ =	shalt  }
0x4b: {  	_ =	shalt  }
0x4c: {  	_ =	shalt  }
0x4d: {  	_ =	shalt  }
0x4e: {  	_ =	shalt  }
0x4f: {  	_ =	shalt  }
0x50: {  	_ =	shalt  }
0x51: {  	_ =	shalt  }
0x52: {  	_ =	shalt  }
0x53: {  	_ =	shalt  }
0x54: {  	_ =	shalt  }
0x55: {  	_ =	shalt  }
0x56: {  	_ =	shalt  }
0x57: {  	_ =	shalt  }
0x58: {  	_ =	shalt  }
0x59: {  	_ =	shalt  }
0x5a: {  	_ =	shalt  }
0x5b: {  	_ =	shalt  }
0x5c: {  	_ =	shalt  }
0x5d: {  	_ =	shalt  }
0x5e: {  	_ =	shalt  }
0x5f: {  	_ =	shalt  }
0x60: {  	_ =	shalt  }
0x61: {  	_ =	shalt  }
0x62: {  	_ =	shalt  }
0x63: {  	_ =	shalt  }
0x64: {  	_ =	shalt  }
0x65: {  	_ =	shalt  }
0x66: {  	_ =	shalt  }
0x67: {  	_ =	shalt  }
0x68: {  	_ =	shalt  }
0x69: {  	_ =	shalt  }
0x6a: {  	_ =	shalt  }
0x6b: {  	_ =	shalt  }
0x6c: {  	_ =	shalt  }
0x6d: {  	_ =	shalt  }
0x6e: {  	_ =	shalt  }
0x6f: {  	_ =	shalt  }
0x70: {  	_ =	shalt  }
0x71: {  	_ =	shalt  }
0x72: {  	_ =	shalt  }
0x73: {  	_ =	shalt  }
0x74: {  	_ =	shalt  }
0x75: {  	_ =	shalt  }
0x76: {  	_ =	shalt  }
0x77: {  	_ =	shalt  }
0x78: {  	_ =	shalt  }
0x79: {  	_ =	shalt  }
0x7a: {  	_ =	shalt  }
0x7b: {  	_ =	shalt  }
0x7c: {  	_ =	shalt  }
0x7d: {  	_ =	shalt  }
0x7e: {  	_ =	shalt  }
0x7f: {  	_ =	shalt  }
0x80: {  	_ =	shalt  }
0x81: {  	_ =	shalt  }
0x82: {  	_ =	shalt  }
0x83: {  	_ =	shalt  }
0x84: {  	_ =	shalt  }
0x85: {  	_ =	shalt  }
0x86: {  	_ =	shalt  }
0x87: {  	_ =	shalt  }
.Lfunc_end0:
.L_simem_size_0:
called_computation.6_lowered:
.L_overlay_start_0:
0x88: {  	s2 =	sld [smem:$0x3FD9]  }
0x89: {  	s3 =	sld [smem:$0x3FFE];
	_ =	sdelay $0x1  }
0x8a: {  	s1 =	srdreg.scid  }
0x8b: {  	s0 =	sand.u32 $0x1, s1  }
0x8c: {  	s17 =	sshll.u32 s0, $0xA;
	s2 =	sadd.s32 s3, s2  }
0x8d: {  	s2 =	sadd.s32 s2, s17  }
0x8e: {  	[smem:$0x3FAD] =	sst s2  }
0x8f: {  	_ = 	snop  }
0x90: {  	s2 =	sld [smem:$0x3FD0];
	(tm) =	ssettm $0x1  }
0x91: {  	s18 =	sld [smem:$0x3FFB];
	_ =	sdelay $0x3  }
0x92: {  	_ =	strace s18  }
0x93: {  	s3 =	sld [smem:$0x3FFC];
	_ =	sdelay $0x3  }
0x94: {  	_ =	strace s3  }
0x95: {  	s3 =	sld [smem:$0x3FFD];
	_ =	sdelay $0x3  }
0x96: {  	_ =	strace s3  }
0x97: {  	_ =	strace $0x8FFFFFFF  }
0x98: {  	s19 =	sld [smem:$0x3FDB];
	_ =	sdelay $0x1  }
0x99: {  	s4 =	simm.s32 $_scs_section_size  }
0x9a: {  	s5 =	simm.s32 $_size__tile_overlayer_lowered;
	s6 =	simm.s32 $_tile_overlayer_lowered  }
0x9b: {  	s22 =	simm.s32 $0x1BFF;
	s21 =	sshll.u32 s6, $0x1;
	s3 =	sadd.s32 s4, s19  }
0x9c: {  	s7 =	simm.s32 $0x0;
	s20 =	sshll.u32 s5, $0x1;
	s5 =	sadd.s32 s21, s3  }
0x9d: {  	[timem:s7], [sflag:s22] =	dma.local [hbm:s5], s20  }
0x9e: {  	_ =	swait.ge [sflag:s22], s20  }
0x9f: {  	s4 =	ssub.s32 $0x0, s20;
	[sflag:s22] =	ssyncset.done $0x0  }
0xa0: {  	[sflag:s22] =	ssyncadd.s32 s4;
	_ =	sdelay $0x1  }
0xa1: {  	s23 =	simm.s32 $0x1B8B  }
0xa2: {  	_ =	swait.ge [sflag:s23], $0x1  }
0xa3: {  	[sflag:s23] =	ssyncset.done $0x0  }
0xa4: {  	s25 =	simm.s32 $0x1B8E;
	s24 =	sld [smem:$0x3FFE];
	[sflag:s23] =	ssyncadd.s32 $0xFFFFFFFF  }
0xa5: {  	s26 =	simm.s32 $execute0_lowered;
	[smem:$0x3FD2] =	sst s25  }
0xa6: {  	s5 =	sshll.u32 s26, $0x1;
	_ =	strace $0x80000058;
	[dreg:$0x1] =	wrdreg $0xFFFFFFFF  }
0xa7: {  	s28 =	simm.s32 $_size_execute0_lowered;
	s3 =	sadd.s32 s3, s5;
	[dreg:$0x0] =	wrdreg $0x0  }
0xa8: {  	s5 =	sshll.u32 s28, $0x1;
	[dreg:$0x2] =	wrdreg s3  }
0xa9: {  	[dreg:$0x3] =	wrdreg s5  }
0xaa: {  	[dreg:$0x4] =	wrdreg $0xC0  }
0xab: {  	_ =	task [dreg:s7], $0x5FFFF  }
0xac: {  	[dreg:$0x1] =	wrdreg $0xFFFFFFFF  }
0xad: {  	[dreg:$0x0] =	wrdreg $0x60  }
0xae: {  	[dreg:$0x2] =	wrdreg s24  }
0xaf: {  	[dreg:$0x3] =	wrdreg s2  }
0xb0: {  	[dreg:$0x4] =	wrdreg $0x52000  }
0xb1: {  	[dreg:$0x5] =	wrdreg $0x5C000  }
0xb2: {  	[dreg:$0x6] =	wrdreg $0x45C00  }
0xb3: {  	[dreg:$0x7] =	wrdreg $0x9  }
0xb4: {  	_ =	task.clear_ibuf [dreg:s7], $0x8FFFF;
	_ =	strace $0x90000058  }
0xb5: {  	s29 =	simm.s32 $0x9;
	_ =	strace $0x8000005A  }
0xb6: {  	_ =	swait.ge [sflag:s29], $0x1  }
0xb7: {  	[sflag:s29] =	ssyncadd.s32 $0xFFFFFFFF  }
0xb8: {  	_ =	strace $0x9000005A  }
0xb9: {  	_ =	sfence  }
0xba: {  	s30 =	sld [smem:$0x0];
	_ =	sdelay $0x2  }
0xbb: {  	s31 =	sshll.u32 s1, $0xD;
	s1 =	sshrl.u32 s1, $0x2  }
0xbc: {  	s3 =	sand.u32 $0x4000, s31;
	s1 =	sadd.s32 s1, s30  }
0xbd: {  	s0 =	sor.u32 s3, s0;
	s1 =	sshll.u32 s1, $0x11  }
0xbe: {  	s0 =	sor.u32 s1, s0  }
0xbf: {  	s0 =	sadd.s32 $0x8F2B, s0  }
0xc0: {  	[sflag:s0] =	ssyncadd.remote.s32 $0x1  }
0xc1: {  	_ =	sfence.sel $0xFFFF  }
0xc2: {  	[dreg:$0x0] =	wrdreg $0xFFFFFFFF;
	(pc) =	sbr.abs _section_cstart, $3  }
0xc3: {  	[dreg:$0x1] =	wrdreg $0xFFFFFFFF  }
0xc4: {  	_ =	task.clear_ibuf [dreg:s7], $0x2FFFF;
	_ =	strace $0x9FFFFFFF  }
0xc5: {  	(tm) =	ssettm $0x7FFFFFFF  }
tec
execute0_lowered:
.L_overlay_start_1:
0x0: {  	(tag) =	ssettag $0x1  }
0x1: {  	s8 =	rddreg [dreg:$0x0]  }
0x2: {  	s11 =	rddreg [dreg:$0x1]  }
0x3: {  	s0 =	srdreg.scid;
	s1 =	rddreg [dreg:$0x2]  }
0x4: {  	s24 =	stileid.u32;
	s3 =	rddreg [dreg:$0x3]  }
0x5: {  	s4 =	rddreg [dreg:$0x4];
	s5 =	simm.s32 $0x0;
	s12 =	smul.u32 $0xC40, s24  }
0x6: {  	s22 =	simm.s32 $0x1;
	s28 =	simm.s32 $0x0;
	s18 =	smul.u32 $0xA00, s24  }
0x7: {  	s7 =	sand.u32 $0x1, s0;
	[smem:$0x7FF] =	sst s5;
	s21 =	smul.u32 $0x3200, s24  }
0x8: {  	s6 =	sadd.s32 $0x411A00, s8;
	s29 =	sshll.u32 s24, $0x6;
	s10 =	smul.u32 $0x32000, s7  }
0x9: {  	s2 =	sshll.u32 s7, $0x4;
	_ =	strace $0x80000059;
	s26 =	smul.u32 $0x1400, s7  }
0xa: {  	s16 =	ssub.s32 $0x2, s7;
	s7 =	sadd.s32 $0xA400, s8;
	s2 =	sor.u32 s24, s2  }
0xb: {  	s25 =	sshrl.u32 s12, $0x3;
	s17 =	sshrl.u32 s16, $0x1;
	s30 =	sadd.s32 s18, s1  }
0xc: {  	s20 =	sadd.s32 s18, s3;
	s24 =	sshrl.u32 s18, $0x3;
	s18 =	simm.s32 $0x3980  }
0xd: {  	s9 =	smul.u32 $0xC80, s2;
	s15 =	sadd.s32 s10, s8;
	s19 =	sadd.s32 s26, s8  }
0xe: {  	s16 =	ssub.s32 s16, s17;
	s10 =	sadd.s32 s12, s4;
	s17 =	sshrl.u32 s20, $0x3  }
0xf: {  	s20 =	simm.s32 $0x80;
	s26 =	simm.s32 $0x2980;
	s23 =	sadd.s32 $0x12400, s19  }
0x10: {  	s31 =	sadd.s32 s21, s15;
	s15 =	sshrl.u32 s30, $0x3;
	s21 =	simm.s32 $0x1980  }
0x11: {  	s13 =	sshrl.u32 s9, $0x3;
	s9 =	sadd.s32 s25, s8;
	s25 =	sadd.s32 $0xFC00, s19  }
0x12: {  	s19 =	simm.s32 $0xC80;
	s23 =	sadd.s32 s24, s23;
	s14 =	sadd.s32 s13, s8  }
0x13: {  	s8 =	sor.u32 $0x1C02, s29;
	s9 =	sadd.s32 $0xE200, s9;
	s11 =	sadd.s32 s11, s13  }
0x14: {  	s13 =	smax.u32 s16, $0x1;
	s16 =	simm.s32 $0x2;
	s24 =	sadd.s32 s24, s25  }
0x15: {  	s25 =	simm.s32 $0x1900;
	s12 =	sadd.s32 $0x3B200, s14;
	s14 =	sadd.s32 $0x5C3A00, s31  }
.LBB2_1:
0x16: {  	[spmem:s15], [sflag:s8] =	dma.local [hbm:s7], $0x140  }
0x17: {  	_ =	swait.ge [sflag:s16], $0x140  }
0x18: {  	[sflag:s16] =	ssyncset.done $0x0  }
0x19: {  	[sflag:s16] =	ssyncadd.s32 $0xFFFFFEC0  }
0x1a: {  	[spmem:s17], [sflag:s8] =	dma.local [hbm:s7], $0x140  }
0x1b: {  	_ =	swait.ge [sflag:s16], $0x140  }
0x1c: {  	[sflag:s16] =	ssyncset.done $0x0  }
0x1d: {  	[sflag:s16] =	ssyncadd.s32 $0xFFFFFEC0  }
0x1e: {  	[tilespmem:s18], [sflag:$0x2] =	stream.linear.gather [hbm4b:s9+s5], $0xC40, $0x38;
	[tilespmem:$0x6600] =	vst v63  }
0x1f: {  	_ =	swait.ge [sflag:s16], $0xC40  }
0x20: {  	[sflag:s16] =	ssyncset.done $0x0  }
0x21: {  	[sflag:s16] =	ssyncadd.s32 $0xFFFFF3C0  }
0x22: {  	[spmem:s10] =	stream.linear.scatter [tilespmem:s18], [sflag:$0x2], $0xC40, $0x38;
	[tilespmem:$0x6600] =	vst v63  }
0x23: {  	_ =	swait.ge [sflag:s16], $0xC40  }
0x24: {  	[sflag:s16] =	ssyncset.done $0x0  }
0x25: {  	[sflag:s16] =	ssyncadd.s32 $0xFFFFF3C0  }
0x26: {  	[tilespmem:s5], [sflag:$0x2] =	stream.linear.gather [hbm4b:s11+s5], $0xC80, $0x38;
	[tilespmem:$0x6600] =	vst v63  }
0x27: {  	_ =	swait.ge [sflag:s16], $0xC80  }
0x28: {  	[sflag:s16] =	ssyncset.done $0x0  }
0x29: {  	[sflag:s16] =	ssyncadd.s32 $0xFFFFF380  }
0x2a: {  	[tilespmem:s19], [sflag:$0x2] =	stream.linear.gather [hbm4b:s12+s5], $0xC80, $0x38;
	[tilespmem:$0x6600] =	vst v63  }
0x2b: {  	_ =	swait.ge [sflag:s16], $0xC80  }
0x2c: {  	[sflag:s16] =	ssyncset.done $0x0  }
0x2d: {  	[sflag:s16] =	ssyncadd.s32 $0xFFFFF380  }
0x2e: {  	s29 =	simm.s32 $0x0;
	[bflag:$0x0] =	sbarrier.arrive $0xFFFF  }
0x2f: {  	[tilespmem:s21], [sflag:$0x1] =	stream.indirect.gather [hbm4b:s6+s20], $0x20, s29, s20, $0xb8;
	[tilespmem:$0x6600] =	vst v63  }
0x30: {  	_ =	swait.ge [sflag:s22], $0x1000  }
0x31: {  	[sflag:s22] =	ssyncset.done $0x0  }
0x32: {  	s29 =	simm.s32 $0xC80;
	[sflag:s22] =	ssyncadd.s32 $0xFFFFF000  }
0x33: {  	[tilespmem:s25], [sflag:$0x1] =	stream.indirect.gather [spmem:s4], $0x1, s29, s20, $0xb8;
	[tilespmem:$0x6600] =	vst v63  }
0x34: {  	_ =	swait.ge [sflag:s22], $0x80  }
0x35: {  	[sflag:s22] =	ssyncset.done $0x0  }
0x36: {  	s29 =	sadd.s32 $0x0, s14;
	[sflag:s22] =	ssyncadd.s32 $0xFFFFFF80  }
0x37: {  	[tilespmem:s26], [sflag:$0x1] =	stream.linear.gather [hbm4b:s29+s5], $0x1000, $0x38;
	[tilespmem:$0x6600] =	vst v63  }
0x38: {  	_ =	swait.ge [sflag:s22], $0x1000  }
0x39: {  	[sflag:s22] =	ssyncset.done $0x0  }
0x3a: {  	[sflag:s22] =	ssyncadd.s32 $0xFFFFF000  }
0x3b: {  	[spmem:s1] =	stream.indirect.scatter.add.f32 [tilespmem:s21], [sflag:$0x2], $0x20, s25, s20, $0xb8;
	[tilespmem:$0x6600] =	vst v63  }
0x3c: {  	_ =	swait.ge [sflag:s16], $0x1000  }
0x3d: {  	[sflag:s16] =	ssyncset.done $0x0  }
0x3e: {  	[sflag:s16] =	ssyncadd.s32 $0xFFFFF000  }
0x3f: {  	[spmem:s3] =	stream.indirect.scatter.add.f32 [tilespmem:s26], [sflag:$0x2], $0x20, s25, s20, $0xb8;
	[tilespmem:$0x6600] =	vst v63  }
0x40: {  	_ =	swait.ge [sflag:s16], $0x1000  }
0x41: {  	s30 =	simm.s32 $0x400;
	s29 =	simm.s32 $0x200;
	[sflag:s16] =	ssyncset.done $0x0  }
.LBB2_2:
0x42: {  	s31 =	sshra.s32 s29, $0x2  }
0x43: {  	[sflag:s16] =	ssyncadd.s32 $0xFFFFF000;
	s2 =	smov.u32 s30;
	s0 =	sadd.s32 $0x200, s30  }
0x44: {  	[tilespmem:s21], [sflag:$0x1] =	stream.indirect.gather [hbm4b:s6+s20], $0x20, s31, s20, $0xb8;
	[tilespmem:$0x6600] =	vst v63  }
0x45: {  	p0 =	sne.s32 s30, $0x3000;
	_ =	swait.ge [sflag:s22], $0x1000  }
0x46: {  	[sflag:s22] =	ssyncset.done $0x0  }
0x47: {  	s30 =	sadd.s32 $0xC80, s31;
	[sflag:s22] =	ssyncadd.s32 $0xFFFFF000  }
0x48: {  	[tilespmem:s25], [sflag:$0x1] =	stream.indirect.gather [spmem:s4], $0x1, s30, s20, $0xb8;
	[tilespmem:$0x6600] =	vst v63  }
0x49: {  	_ =	swait.ge [sflag:s22], $0x80  }
0x4a: {  	[sflag:s22] =	ssyncset.done $0x0  }
0x4b: {  	s30 =	sadd.s32 s29, s14;
	s29 =	smov.u32 s2;
	[sflag:s22] =	ssyncadd.s32 $0xFFFFFF80  }
0x4c: {  	[tilespmem:s26], [sflag:$0x1] =	stream.linear.gather [hbm4b:s30+s5], $0x1000, $0x38;
	[tilespmem:$0x6600] =	vst v63  }
0x4d: {  	_ =	swait.ge [sflag:s22], $0x1000  }
0x4e: {  	[sflag:s22] =	ssyncset.done $0x0  }
0x4f: {  	[sflag:s22] =	ssyncadd.s32 $0xFFFFF000  }
0x50: {  	[spmem:s1] =	stream.indirect.scatter.add.f32 [tilespmem:s21], [sflag:$0x2], $0x20, s25, s20, $0xb8;
	[tilespmem:$0x6600] =	vst v63  }
0x51: {  	_ =	swait.ge [sflag:s16], $0x1000  }
.Ltmp0:
0x52: {  	[sflag:s16] =	ssyncset.done $0x0;
	(pc) =	sbr.rel @p0 .LBB2_2-.Ltmp0, $4  }
0x53: {  	[sflag:s16] =	ssyncadd.s32 $0xFFFFF000  }
0x54: {  	[spmem:s3] =	stream.indirect.scatter.add.f32 [tilespmem:s26], [sflag:$0x2], $0x20, s25, s20, $0xb8;
	[tilespmem:$0x6600] =	vst v63  }
0x55: {  	_ =	swait.ge [sflag:s16], $0x1000  }
0x56: {  	s30 =	smov.u32 s0;
	[sflag:s16] =	ssyncset.done $0x0  }
0x57: {  	s0 =	sshra.s32 s29, $0x2;
	[sflag:s16] =	ssyncadd.s32 $0xFFFFF000  }
0x58: {  	[tilespmem:s21], [sflag:$0x1] =	stream.indirect.gather [hbm4b:s6+s20], $0x20, s0, s20, $0xb8;
	[tilespmem:$0x6600] =	vst v63  }
0x59: {  	_ =	swait.ge [sflag:s22], $0x1000  }
0x5a: {  	[sflag:s22] =	ssyncset.done $0x0  }
0x5b: {  	s0 =	sadd.s32 $0xC80, s0;
	[sflag:s22] =	ssyncadd.s32 $0xFFFFF000  }
0x5c: {  	[tilespmem:s25], [sflag:$0x1] =	stream.indirect.gather [spmem:s4], $0x1, s0, s20, $0xb8;
	[tilespmem:$0x6600] =	vst v63  }
0x5d: {  	_ =	swait.ge [sflag:s22], $0x80  }
0x5e: {  	[sflag:s22] =	ssyncset.done $0x0  }
0x5f: {  	s31 =	sadd.s32 s29, s14;
	[sflag:s22] =	ssyncadd.s32 $0xFFFFFF80  }
0x60: {  	[tilespmem:s26], [sflag:$0x1] =	stream.linear.gather [hbm4b:s31+s5], $0x1000, $0x38;
	[tilespmem:$0x6600] =	vst v63  }
0x61: {  	_ =	swait.ge [sflag:s22], $0x1000  }
0x62: {  	[sflag:s22] =	ssyncset.done $0x0  }
0x63: {  	[sflag:s22] =	ssyncadd.s32 $0xFFFFF000  }
0x64: {  	[spmem:s1] =	stream.indirect.scatter.add.f32 [tilespmem:s21], [sflag:$0x2], $0x20, s25, s20, $0xb8;
	[tilespmem:$0x6600] =	vst v63  }
0x65: {  	_ =	swait.ge [sflag:s16], $0x1000  }
0x66: {  	[sflag:s16] =	ssyncset.done $0x0  }
0x67: {  	[sflag:s16] =	ssyncadd.s32 $0xFFFFF000  }
0x68: {  	[spmem:s3] =	stream.indirect.scatter.add.f32 [tilespmem:s26], [sflag:$0x2], $0x20, s25, s20, $0xb8;
	[tilespmem:$0x6600] =	vst v63  }
0x69: {  	_ =	swait.ge [sflag:s16], $0x1000  }
0x6a: {  	[sflag:s16] =	ssyncset.done $0x0  }
0x6b: {  	[sflag:s16] =	ssyncadd.s32 $0xFFFFF000  }
0x6c: {  	[bflag:$0x0] =	sbarrier.arrive $0xFFFF  }
0x6d: {  	[hbm:s23], [sflag:s8] =	dma.local [spmem:s15], $0x140  }
0x6e: {  	s28 =	sadd.s32 $0x1, s28;
	_ =	swait.ge [sflag:s16], $0x140  }
0x6f: {  	p0 =	sne.s32 s28, s13;
	[sflag:s16] =	ssyncset.done $0x0  }
.Ltmp1:
0x70: {  	[sflag:s16] =	ssyncadd.s32 $0xFFFFFEC0;
	(pc) =	sbr.rel @p0 .LBB2_1-.Ltmp1, $4  }
0x71: {  	[hbm:s24], [sflag:s8] =	dma.local [spmem:s17], $0x140  }
0x72: {  	_ =	swait.ge [sflag:s16], $0x140  }
0x73: {  	[sflag:s16] =	ssyncset.done $0x0  }
0x74: {  	[sflag:s16] =	ssyncadd.s32 $0xFFFFFEC0  }
0x75: {  	_ =	sfence.sel $0x180000  }
0x76: {  	[bflag:$0x0] =	sbarrier.arrive $0xFFFF  }
0x77: {  	_ =	strace $0x90000059  }
0x78: {  	s0 =	stileid.u32;
	[bflag:$0x2] =	sbarrier.arrive $0xFFFF  }
0x79: {  	p0 =	sne.s32 s0, $0x0;
	s0 =	rddreg [dreg:$0x5]  }
0x7a: {  	s0 =	sadd.s32 @!p0 $0x100000, s0  }
0x7b: {  	[sflag:s0] =	ssyncadd.tile.s32 @!p0 $0x1;
	_ =	shalt  }
.Lfunc_end2:
_tile_overlayer_lowered:
.L_overlay_start_2:
0x7c: {  	(tag) =	ssettag $0x2  }
0x7d: {  	s0 =	rddreg [dreg:$0x0];
	s2 =	stileid.u32  }
0x7e: {  	s1 =	rddreg [dreg:$0x1];
	p0 =	sne.s32 s2, $0x0  }
0x7f: {  	s3 =	rddreg [dreg:$0x2];
	[bflag:$0x3] =	sbarrier.arrive $0xFFFF;
	s2 =	simm.s32 @!p0 $0x1C02  }
0x80: {  	[timem:s3], [sflag:s2] =	dma.local @!p0 [hbm:s0], s1  }
0x81: {  	s0 =	simm.s32 @!p0 $0x2  }
0x82: {  	_ =	swait.ge @!p0 [sflag:s0], s1  }
0x83: {  	s1 =	ssub.s32 @!p0 $0x0, s1;
	[sflag:s0] =	ssyncset.done @!p0 $0x0  }
0x84: {  	[sflag:s0] =	ssyncadd.s32 @!p0 s1  }
0x85: {  	[bflag:$0x3] =	sbarrier.arrive $0xFFFF  }
0x86: {  	_ =	shalt  }

</sc_bundles>
